<compile_context>
chip_gen: v7x
topology: tpu7x:2x2x1
jax: 0.10.2.dev20260603
libtpu: 0.0.44.dev20260713+nightly
codegen_flags: <defaults>
</compile_context>

<pallas_src>
import functools

import jax
import jax.numpy as jnp
from jax import lax
from jax.experimental import pallas as pl
from jax.experimental.pallas import tpu as pltpu
from jax.experimental.pallas import tpu_sc as plsc

N = 10000
E = 320000
D = 128
EPS = 1e-5

NC = 2
NS = 16
NW = NC * NS
PER_W = E // NW
K = 40
CH = PER_W // K
CHPB = 10
KH = 80
CHH = PER_W // KH
SCH = CH // CHPB
RPT = 624
RPT_LAST = N - RPT * (NS - 1)

_MESH = plsc.VectorSubcoreMesh(core_axis_name="c", subcore_axis_name="s")


def _tile_slab_copy(s, copy_fn):
    base = s * RPT

    @pl.when(s < NS - 1)
    def _():
        copy_fn(base, RPT)

    @pl.when(s == NS - 1)
    def _():
        copy_fn(base, RPT_LAST)


NPAD = 80 * 128


def _sc_hist_body(dst_hbm, zeros_hbm, out_hbm, hist_v, idx_v):
    c = lax.axis_index("c")
    s = lax.axis_index("s")
    w = c * NS + s
    pltpu.sync_copy(zeros_hbm.at[pl.ds(0, 80)], hist_v)
    pltpu.sync_copy(dst_hbm.at[w], idx_v)
    ones = jnp.ones((16,), jnp.float32)

    def step(i, carry):
        r = lax.div(i, KH // 16)
        q = lax.rem(i, KH // 16)
        idx = idx_v[r, pl.ds(q * 16, 16)]
        row = lax.shift_right_logical(idx, 7)
        col = lax.bitwise_and(idx, 127)
        plsc.addupdate_scatter(hist_v, [row, col], ones)
        return carry

    lax.fori_loop(0, PER_W // 16, step, 0)
    pltpu.sync_copy(hist_v, out_hbm.at[w])


_sc_hist = functools.partial(
    pl.kernel,
    out_type=jax.ShapeDtypeStruct((NW, 80, 128), jnp.float32),
    mesh=_MESH,
    scratch_types=[
        pltpu.VMEM((80, 128), jnp.float32),
        pltpu.VMEM((CHH, KH), jnp.int32),
    ],
    compiler_params=pltpu.CompilerParams(needs_layout_passes=False),
)(_sc_hist_body)


def _sc_agg_body(g_hbm, src_hbm, dst_hbm, zeros_hbm, out_hbm, sidx_v, didx_v,
                 rows_v, gsem, isem, ssem, acc):
    c = lax.axis_index("c")
    s = lax.axis_index("s")
    w = c * NS + s
    _tile_slab_copy(s, lambda base, size: pltpu.sync_copy(
        zeros_hbm.at[pl.ds(base, size)], acc.at[pl.ds(base, size)]))
    pltpu.sync_copy(src_hbm.at[w, 0], sidx_v.at[0])
    pltpu.sync_copy(dst_hbm.at[w, 0], didx_v.at[0])
    plsc.subcore_barrier()

    def idx_start(t, p):
        pltpu.async_copy(src_hbm.at[w, t], sidx_v.at[p], isem)
        pltpu.async_copy(dst_hbm.at[w, t], didx_v.at[p], isem)

    def idx_wait(t, p):
        pltpu.make_async_copy(src_hbm.at[w, t], sidx_v.at[p], isem).wait()
        pltpu.make_async_copy(dst_hbm.at[w, t], didx_v.at[p], isem).wait()

    def gref(j, buf):
        t = lax.div(j, CHPB)
        r = lax.rem(j, CHPB)
        return pltpu.make_async_copy(
            g_hbm.at[sidx_v.at[lax.rem(t, 3), r]], rows_v.at[buf], gsem)

    def sref(j, buf):
        t = lax.div(j, CHPB)
        r = lax.rem(j, CHPB)
        return pltpu.make_async_copy(
            rows_v.at[buf], acc.at[didx_v.at[lax.rem(t, 3), r]], ssem)

    idx_start(1, 1)
    pltpu.async_copy(g_hbm.at[sidx_v.at[0, 0]], rows_v.at[0], gsem)
    pltpu.async_copy(g_hbm.at[sidx_v.at[0, 1]], rows_v.at[1], gsem)
    pltpu.async_copy(g_hbm.at[sidx_v.at[0, 2]], rows_v.at[2], gsem)

    def step(j, carry):
        a = lax.rem(j, 6)
        gref(j, a).wait()
        pltpu.async_copy(rows_v.at[a],
                         acc.at[didx_v.at[lax.rem(lax.div(j, CHPB), 3),
                                          lax.rem(j, CHPB)]],
                         ssem, add=True)

        j3 = j + 3
        t3 = lax.div(j3, CHPB)
        r3 = lax.rem(j3, CHPB)
        b3 = lax.rem(j3, 6)

        @pl.when(j3 < CH)
        def _():
            @pl.when(j >= 3)
            def _():
                sref(j - 3, b3).wait()

            @pl.when(r3 == 0)
            def _():
                idx_wait(t3, lax.rem(t3, 3))

            pltpu.async_copy(g_hbm.at[sidx_v.at[lax.rem(t3, 3), r3]],
                             rows_v.at[b3], gsem)

            @pl.when((r3 == 0) & (t3 + 1 < SCH))
            def _():
                idx_start(t3 + 1, lax.rem(t3 + 1, 3))

        return carry

    lax.fori_loop(0, CH, step, 0)
    for dj in range(6):
        j = CH - 6 + dj
        sref(j, j % 6).wait()
    plsc.subcore_barrier()
    _tile_slab_copy(s, lambda base, size: pltpu.sync_copy(
        acc.at[pl.ds(base, size)], out_hbm.at[c, pl.ds(base, size)]))


_sc_agg = functools.partial(
    pl.kernel,
    out_type=jax.ShapeDtypeStruct((NC, N, D), jnp.float32),
    mesh=_MESH,
    scratch_types=[
        pltpu.VMEM((3, CHPB, K), jnp.int32),
        pltpu.VMEM((3, CHPB, K), jnp.int32),
        pltpu.VMEM((6, K, D), jnp.float32),
        pltpu.SemaphoreType.DMA,
        pltpu.SemaphoreType.DMA,
        pltpu.SemaphoreType.DMA,
        pltpu.VMEM_SHARED((N, D), jnp.float32),
    ],
)(_sc_agg_body)


_BLK = 2000
_NBLK = N // _BLK


def _tc_dinv_body(histp_ref, dinv_ref):
    deg = jnp.sum(histp_ref[...], axis=0) + 1.0
    dinv_ref[...] = lax.rsqrt(deg)


def _tc_dinv(histp):
    return pl.pallas_call(
        _tc_dinv_body,
        out_shape=jax.ShapeDtypeStruct((80, 128), jnp.float32),
    )(histp)


def _tc_prep_body(x_ref, w1_ref, dinv_ref, h_ref, g_ref):
    h = jnp.dot(x_ref[...], w1_ref[...].T, preferred_element_type=jnp.float32)
    dinv = dinv_ref[...][:, 0]
    h_ref[...] = h
    g_ref[...] = h * dinv[:, None]


def _tc_prep(x, w1, dinv):
    return pl.pallas_call(
        _tc_prep_body,
        grid=(_NBLK,),
        in_specs=[
            pl.BlockSpec((_BLK, D), lambda i: (i, 0)),
            pl.BlockSpec((D, D), lambda i: (0, 0)),
            pl.BlockSpec((_BLK, 1), lambda i: (i, 0)),
        ],
        out_specs=[
            pl.BlockSpec((_BLK, D), lambda i: (i, 0)),
            pl.BlockSpec((_BLK, D), lambda i: (i, 0)),
        ],
        out_shape=[
            jax.ShapeDtypeStruct((N, D), jnp.float32),
            jax.ShapeDtypeStruct((N, D), jnp.float32),
        ],
    )(x, w1, dinv)


def _tc_stats_body(aggp_ref, h_ref, dinv_ref, b_ref, z_ref, stats_ref,
                   acc_ref):
    i = pl.program_id(0)
    dinv = dinv_ref[...][:, 0]
    agg = aggp_ref[0] + aggp_ref[1]
    z = agg * dinv[:, None] + h_ref[...] * (dinv * dinv)[:, None] + b_ref[...]
    z_ref[...] = z
    psum = jnp.sum(z, axis=0)
    psq = jnp.sum(z * z, axis=0)

    @pl.when(i == 0)
    def _():
        acc_ref[...] = jnp.zeros_like(acc_ref)

    acc_ref[0, :] += psum
    acc_ref[1, :] += psq
    stats_ref[...] = acc_ref[...]


def _tc_stats(aggp, h, dinv, b):
    return pl.pallas_call(
        _tc_stats_body,
        grid=(_NBLK,),
        in_specs=[
            pl.BlockSpec((NC, _BLK, D), lambda i: (0, i, 0)),
            pl.BlockSpec((_BLK, D), lambda i: (i, 0)),
            pl.BlockSpec((_BLK, 1), lambda i: (i, 0)),
            pl.BlockSpec((1, D), lambda i: (0, 0)),
        ],
        out_specs=[
            pl.BlockSpec((_BLK, D), lambda i: (i, 0)),
            pl.BlockSpec((2, D), lambda i: (0, 0)),
        ],
        out_shape=[
            jax.ShapeDtypeStruct((N, D), jnp.float32),
            jax.ShapeDtypeStruct((2, D), jnp.float32),
        ],
        scratch_shapes=[pltpu.VMEM((2, D), jnp.float32)],
    )(aggp, h, dinv, b.reshape(1, D))


def _bn_prelu(z, stats, gamma, beta, a):
    mean = stats[0, :] / N
    var = stats[1, :] / N - mean * mean
    y = (z - mean) * lax.rsqrt(var + EPS) * gamma + beta
    return jnp.where(y >= 0, y, a * y)


def _tc_apply_mm_body(z_ref, stats_ref, gamma_ref, beta_ref, a_ref, dinv_ref,
                      w2_ref, h2_ref, g2_ref):
    y = _bn_prelu(z_ref[...], stats_ref[...], gamma_ref[0], beta_ref[0],
                  a_ref[0, 0])
    h2 = jnp.dot(y, w2_ref[...].T, preferred_element_type=jnp.float32)
    dinv = dinv_ref[...][:, 0]
    h2_ref[...] = h2
    g2_ref[...] = h2 * dinv[:, None]


def _tc_apply_mm(z, stats, gamma, beta, a, dinv, w2):
    return pl.pallas_call(
        _tc_apply_mm_body,
        grid=(_NBLK,),
        in_specs=[
            pl.BlockSpec((_BLK, D), lambda i: (i, 0)),
            pl.BlockSpec((2, D), lambda i: (0, 0)),
            pl.BlockSpec((1, D), lambda i: (0, 0)),
            pl.BlockSpec((1, D), lambda i: (0, 0)),
            pl.BlockSpec((1, 1), lambda i: (0, 0)),
            pl.BlockSpec((_BLK, 1), lambda i: (i, 0)),
            pl.BlockSpec((D, D), lambda i: (0, 0)),
        ],
        out_specs=[
            pl.BlockSpec((_BLK, D), lambda i: (i, 0)),
            pl.BlockSpec((_BLK, D), lambda i: (i, 0)),
        ],
        out_shape=[
            jax.ShapeDtypeStruct((N, D), jnp.float32),
            jax.ShapeDtypeStruct((N, D), jnp.float32),
        ],
    )(z, stats, gamma.reshape(1, D), beta.reshape(1, D), a.reshape(1, 1),
      dinv, w2)


def _tc_apply_body(z_ref, stats_ref, gamma_ref, beta_ref, a_ref, y_ref):
    y_ref[...] = _bn_prelu(z_ref[...], stats_ref[...], gamma_ref[0],
                           beta_ref[0], a_ref[0, 0])


def _tc_apply(z, stats, gamma, beta, a):
    return pl.pallas_call(
        _tc_apply_body,
        grid=(_NBLK,),
        in_specs=[
            pl.BlockSpec((_BLK, D), lambda i: (i, 0)),
            pl.BlockSpec((2, D), lambda i: (0, 0)),
            pl.BlockSpec((1, D), lambda i: (0, 0)),
            pl.BlockSpec((1, D), lambda i: (0, 0)),
            pl.BlockSpec((1, 1), lambda i: (0, 0)),
        ],
        out_specs=pl.BlockSpec((_BLK, D), lambda i: (i, 0)),
        out_shape=jax.ShapeDtypeStruct((N, D), jnp.float32),
    )(z, stats, gamma.reshape(1, D), beta.reshape(1, D), a.reshape(1, 1))


@jax.jit
def _run(x, src, dst, W1, b1, gamma1, beta1, W2, b2, gamma2, beta2, prelu_a):
    src_r = src.reshape(NW, SCH, CHPB, K)
    dst_r = dst.reshape(NW, SCH, CHPB, K)
    dst_h = dst.reshape(NW, CHH, KH)
    zerosD = jnp.zeros((N, D), jnp.float32)

    histp = _sc_hist(dst_h, zerosD)
    dinv = _tc_dinv(histp).reshape(NPAD)[:N].reshape(N, 1)
    h1, g1 = _tc_prep(x, W1, dinv)
    agg1 = _sc_agg(g1, src_r, dst_r, zerosD)
    z1, stats1 = _tc_stats(agg1, h1, dinv, b1)
    h2, g2 = _tc_apply_mm(z1, stats1, gamma1, beta1, prelu_a, dinv, W2)
    agg2 = _sc_agg(g2, src_r, dst_r, zerosD)
    z2, stats2 = _tc_stats(agg2, h2, dinv, b2)
    return _tc_apply(z2, stats2, gamma2, beta2, prelu_a)


def kernel(x, edge_index, W1, b1, gamma1, beta1, W2, b2, gamma2, beta2,
           prelu_a):
    src = edge_index[0].astype(jnp.int32)
    dst = edge_index[1].astype(jnp.int32)
    return _run(x, src, dst, W1, b1, gamma1, beta1, W2, b2, gamma2, beta2,
                prelu_a)

# --- scband reference (transcript-rebuilt; emitter-appended) ---
"""Pipeline reference for scband-encoder-2310692405384 (READ-ONLY COPY).

The authoritative reference and input builder live on the scoring server;
editing this copy changes nothing except your own understanding.
"""

import jax, jax.numpy as jnp
import numpy as np

N = 10000
E = 320000
D_IN = 128
D_H = 128
D_L = 128
EPS = 1e-5


def setup_inputs(seed: int = 0) -> dict:
    key = jax.random.key(seed)
    ks = jax.random.split(key, 12)
    x = jax.random.normal(ks[0], (N, D_IN), dtype=jnp.float32)
    edge_index = jax.random.randint(ks[1], (2, E), 0, N).astype(jnp.int64)
    s1 = 1.0 / np.sqrt(D_IN)
    s2 = 1.0 / np.sqrt(D_H)
    W1 = jax.random.uniform(ks[2], (D_H, D_IN), dtype=jnp.float32, minval=-s1, maxval=s1)
    b1 = jax.random.uniform(ks[3], (D_H,), dtype=jnp.float32, minval=-s1, maxval=s1)
    gamma1 = jnp.ones((D_H,), dtype=jnp.float32)
    beta1 = jnp.zeros((D_H,), dtype=jnp.float32)
    W2 = jax.random.uniform(ks[4], (D_L, D_H), dtype=jnp.float32, minval=-s2, maxval=s2)
    b2 = jax.random.uniform(ks[5], (D_L,), dtype=jnp.float32, minval=-s2, maxval=s2)
    gamma2 = jnp.ones((D_L,), dtype=jnp.float32)
    beta2 = jnp.zeros((D_L,), dtype=jnp.float32)
    prelu_a = jnp.full((1,), 0.25, dtype=jnp.float32)
    return {"x": x, "edge_index": edge_index, "W1": W1, "b1": b1,
            "gamma1": gamma1, "beta1": beta1, "W2": W2, "b2": b2,
            "gamma2": gamma2, "beta2": beta2, "prelu_a": prelu_a}


def _gcn_conv(x, edge_index, W, b):
    # PyG GCNConv: add self-loops, symmetric normalization, linear, scatter-add, bias
    src = edge_index[0]
    dst = edge_index[1]
    loop = jnp.arange(N, dtype=edge_index.dtype)
    src_f = jnp.concatenate([src, loop])
    dst_f = jnp.concatenate([dst, loop])
    ew = jnp.ones((src_f.shape[0],), dtype=x.dtype)
    deg = jax.ops.segment_sum(ew, dst_f, num_segments=N)
    dinv = jnp.where(deg > 0, jax.lax.rsqrt(deg), 0.0)
    norm = dinv[src_f] * dinv[dst_f]
    h = x @ W.T
    msg = h[src_f] * norm[:, None]
    out = jax.ops.segment_sum(msg, dst_f, num_segments=N)
    return out + b


def _bn(h, gamma, beta):
    mean = jnp.mean(h, axis=0)
    var = jnp.mean((h - mean) ** 2, axis=0)
    return (h - mean) * jax.lax.rsqrt(var + EPS) * gamma + beta


def _prelu(h, a):
    return jnp.where(h >= 0, h, a[0] * h)


def reference(x, edge_index, W1, b1, gamma1, beta1, W2, b2, gamma2, beta2, prelu_a):
    h = _gcn_conv(x, edge_index, W1, b1)
    h = _bn(h, gamma1, beta1)
    h = _prelu(h, prelu_a)
    # dropout: identity in eval / deterministic reference
    h = _gcn_conv(h, edge_index, W2, b2)
    h = _bn(h, gamma2, beta2)
    h = _prelu(h, prelu_a)
    return h

if __name__ == "__main__":
    import jax
    _d = setup_inputs()
    print(jax.jit(kernel)(*tuple(_d.values())))

</pallas_src>

<mosaic_0001>
#map = affine_map<(d0, d1) -> (0, 0)>
#map1 = affine_map<(d0, d1) -> (0, 0, 0, 0)>
#map2 = affine_map<(d0, d1) -> (0, 0, 0)>
module attributes {stable_mosaic.version = 14 : i64} {
  func.func @_sc_agg_body(%arg0: i32, %arg1: i32, %arg2: memref<10000x128xf32, #tpu.memory_space<hbm>>, %arg3: memref<32x25x10x40xi32, #tpu.memory_space<hbm>>, %arg4: memref<32x25x10x40xi32, #tpu.memory_space<hbm>>, %arg5: memref<10000x128xf32, #tpu.memory_space<hbm>>, %arg6: memref<2x10000x128xf32, #tpu.memory_space<hbm>>, %arg7: memref<3x10x40xi32, #tpu.memory_space<vmem>>, %arg8: memref<3x10x40xi32, #tpu.memory_space<vmem>>, %arg9: memref<6x40x128xf32, #tpu.memory_space<vmem>>, %arg10: memref<!tpu.dma_semaphore, #tpu.memory_space<semaphore_mem>>, %arg11: memref<!tpu.dma_semaphore, #tpu.memory_space<semaphore_mem>>, %arg12: memref<!tpu.dma_semaphore, #tpu.memory_space<semaphore_mem>>, %arg13: memref<10000x128xf32, #tpu.memory_space<vmem_shared>>) attributes {dimension_semantics = [#tpu.dimension_semantics<core_parallel>, #tpu.dimension_semantics<subcore_parallel>], iteration_bounds = array<i64: 2, 16>, scalar_prefetch = 0 : i64, scratch_operands = 7 : i64, tpu.core_type = #tpu.core_type<sc_vector_subcore>, window_params = [{transform_indices = #map}, {transform_indices = #map1}, {transform_indices = #map1}, {transform_indices = #map}, {transform_indices = #map2}]} {
    %mul3A = arith.constant 16 : i32
    %mul3A_0 = arith.muli %arg0, %mul3A : i32
    %add3A = arith.addi %mul3A_0, %arg1 : i32
    %mul3A_1 = arith.constant 624 : i32
    %mul3A_2 = arith.muli %arg1, %mul3A_1 : i32
    %lt3A = arith.constant 15 : i32
    %lt3A_3 = arith.cmpi slt, %arg1, %lt3A : i32
    %convert_element_type3A = arith.extui %lt3A_3 : i1 to i32
    %cond3A = arith.constant 0 : i32
    %cond3A_4 = arith.cmpi ne, %convert_element_type3A, %cond3A : i32
    scf.if %cond3A_4 {
      "tpu.region"() ({
        %run_scoped3A_215 = tpu.sem_alloc : memref<!tpu.dma_semaphore, #tpu.memory_space<semaphore_mem>>
        %dma_start3A_216 = arith.constant 0 : i32
        %dma_start3A_217 = tpu.memref_slice %arg13[%mul3A_2, %dma_start3A_216] : memref<10000x128xf32, #tpu.memory_space<vmem_shared>> -> memref<624x128xf32, #tpu.memory_space<vmem_shared>>
        %dma_start3A_218 = arith.constant 0 : i32
        %dma_start3A_219 = tpu.memref_slice %arg5[%mul3A_2, %dma_start3A_218] : memref<10000x128xf32, #tpu.memory_space<hbm>> -> memref<624x128xf32, #tpu.memory_space<hbm>>
        tpu.enqueue_dma source(%dma_start3A_219 : memref<624x128xf32, #tpu.memory_space<hbm>>) target(%dma_start3A_217 : memref<624x128xf32, #tpu.memory_space<vmem_shared>>) target_semaphore(%run_scoped3A_215 : memref<!tpu.dma_semaphore, #tpu.memory_space<semaphore_mem>>)
        %dma_wait3A_220 = arith.constant 0 : i32
        %dma_wait3A_221 = tpu.memref_slice %arg13[%mul3A_2, %dma_wait3A_220] : memref<10000x128xf32, #tpu.memory_space<vmem_shared>> -> memref<624x128xf32, #tpu.memory_space<vmem_shared>>
        %dma_wait3A_222 = arith.constant 0 : i32
        %dma_wait3A_223 = tpu.memref_slice %arg5[%mul3A_2, %dma_wait3A_222] : memref<10000x128xf32, #tpu.memory_space<hbm>> -> memref<624x128xf32, #tpu.memory_space<hbm>>
        tpu.wait_dma2 semaphore(%run_scoped3A_215 : memref<!tpu.dma_semaphore, #tpu.memory_space<semaphore_mem>>) src(%dma_wait3A_223 : memref<624x128xf32, #tpu.memory_space<hbm>>) dst(%dma_wait3A_221 : memref<624x128xf32, #tpu.memory_space<vmem_shared>>)
        tpu.yield
      }) : () -> ()
    } else {
    }
    %eq3A = arith.constant 15 : i32
    %eq3A_5 = arith.cmpi eq, %arg1, %eq3A : i32
    %convert_element_type3A_6 = arith.extui %eq3A_5 : i1 to i32
    %cond3A_7 = arith.constant 0 : i32
    %cond3A_8 = arith.cmpi ne, %convert_element_type3A_6, %cond3A_7 : i32
    scf.if %cond3A_8 {
      "tpu.region"() ({
        %run_scoped3A_215 = tpu.sem_alloc : memref<!tpu.dma_semaphore, #tpu.memory_space<semaphore_mem>>
        %dma_start3A_216 = arith.constant 0 : i32
        %dma_start3A_217 = tpu.memref_slice %arg13[%mul3A_2, %dma_start3A_216] : memref<10000x128xf32, #tpu.memory_space<vmem_shared>> -> memref<640x128xf32, #tpu.memory_space<vmem_shared>>
        %dma_start3A_218 = arith.constant 0 : i32
        %dma_start3A_219 = tpu.memref_slice %arg5[%mul3A_2, %dma_start3A_218] : memref<10000x128xf32, #tpu.memory_space<hbm>> -> memref<640x128xf32, #tpu.memory_space<hbm>>
        tpu.enqueue_dma source(%dma_start3A_219 : memref<640x128xf32, #tpu.memory_space<hbm>>) target(%dma_start3A_217 : memref<640x128xf32, #tpu.memory_space<vmem_shared>>) target_semaphore(%run_scoped3A_215 : memref<!tpu.dma_semaphore, #tpu.memory_space<semaphore_mem>>)
        %dma_wait3A_220 = arith.constant 0 : i32
        %dma_wait3A_221 = tpu.memref_slice %arg13[%mul3A_2, %dma_wait3A_220] : memref<10000x128xf32, #tpu.memory_space<vmem_shared>> -> memref<640x128xf32, #tpu.memory_space<vmem_shared>>
        %dma_wait3A_222 = arith.constant 0 : i32
        %dma_wait3A_223 = tpu.memref_slice %arg5[%mul3A_2, %dma_wait3A_222] : memref<10000x128xf32, #tpu.memory_space<hbm>> -> memref<640x128xf32, #tpu.memory_space<hbm>>
        tpu.wait_dma2 semaphore(%run_scoped3A_215 : memref<!tpu.dma_semaphore, #tpu.memory_space<semaphore_mem>>) src(%dma_wait3A_223 : memref<640x128xf32, #tpu.memory_space<hbm>>) dst(%dma_wait3A_221 : memref<640x128xf32, #tpu.memory_space<vmem_shared>>)
        tpu.yield
      }) : () -> ()
    } else {
    }
    %run_scoped3A = arith.constant 0 : i32
    %run_scoped3A_9 = arith.constant 0 : i32
    "tpu.region"() ({
      %run_scoped3A_215 = tpu.sem_alloc : memref<!tpu.dma_semaphore, #tpu.memory_space<semaphore_mem>>
      %dma_start3A_216 = arith.constant 0 : i32
      %dma_start3A_217 = arith.constant 0 : i32
      %dma_start3A_218 = tpu.memref_slice %arg7[%run_scoped3A_9, %dma_start3A_216, %dma_start3A_217] : memref<3x10x40xi32, #tpu.memory_space<vmem>> -> memref<1x10x40xi32, #tpu.memory_space<vmem>>
      %dma_start3A_219 = tpu.memref_squeeze %dma_start3A_218 : memref<1x10x40xi32, #tpu.memory_space<vmem>> -> memref<10x40xi32, #tpu.memory_space<vmem>>
      %dma_start3A_220 = arith.constant 0 : i32
      %dma_start3A_221 = arith.constant 0 : i32
      %dma_start3A_222 = tpu.memref_slice %arg3[%add3A, %run_scoped3A, %dma_start3A_220, %dma_start3A_221] : memref<32x25x10x40xi32, #tpu.memory_space<hbm>> -> memref<1x1x10x40xi32, #tpu.memory_space<hbm>>
      %dma_start3A_223 = tpu.memref_squeeze %dma_start3A_222 : memref<1x1x10x40xi32, #tpu.memory_space<hbm>> -> memref<10x40xi32, #tpu.memory_space<hbm>>
      %dma_start3A_224 = arith.constant 0 : i32
      %dma_start3A_225 = arith.constant 0 : i32
      %dma_start3A_226 = tpu.memref_slice %arg7[%run_scoped3A_9, %dma_start3A_224, %dma_start3A_225] : memref<3x10x40xi32, #tpu.memory_space<vmem>> -> memref<1x10x40xi32, #tpu.memory_space<vmem>>
      %dma_start3A_227 = tpu.memref_squeeze %dma_start3A_226 : memref<1x10x40xi32, #tpu.memory_space<vmem>> -> memref<10x40xi32, #tpu.memory_space<vmem>>
      %dma_start3A_228 = arith.constant 0 : i32
      %dma_start3A_229 = arith.constant 0 : i32
      %dma_start3A_230 = tpu.memref_slice %arg3[%add3A, %run_scoped3A, %dma_start3A_228, %dma_start3A_229] : memref<32x25x10x40xi32, #tpu.memory_space<hbm>> -> memref<1x1x10x40xi32, #tpu.memory_space<hbm>>
      %dma_start3A_231 = tpu.memref_squeeze %dma_start3A_230 : memref<1x1x10x40xi32, #tpu.memory_space<hbm>> -> memref<10x40xi32, #tpu.memory_space<hbm>>
      tpu.enqueue_dma source(%dma_start3A_231 : memref<10x40xi32, #tpu.memory_space<hbm>>) target(%dma_start3A_227 : memref<10x40xi32, #tpu.memory_space<vmem>>) target_semaphore(%run_scoped3A_215 : memref<!tpu.dma_semaphore, #tpu.memory_space<semaphore_mem>>)
      %dma_wait3A_232 = arith.constant 0 : i32
      %dma_wait3A_233 = arith.constant 0 : i32
      %dma_wait3A_234 = tpu.memref_slice %arg7[%run_scoped3A_9, %dma_wait3A_232, %dma_wait3A_233] : memref<3x10x40xi32, #tpu.memory_space<vmem>> -> memref<1x10x40xi32, #tpu.memory_space<vmem>>
      %dma_wait3A_235 = tpu.memref_squeeze %dma_wait3A_234 : memref<1x10x40xi32, #tpu.memory_space<vmem>> -> memref<10x40xi32, #tpu.memory_space<vmem>>
      %dma_wait3A_236 = arith.constant 0 : i32
      %dma_wait3A_237 = arith.constant 0 : i32
      %dma_wait3A_238 = tpu.memref_slice %arg3[%add3A, %run_scoped3A, %dma_wait3A_236, %dma_wait3A_237] : memref<32x25x10x40xi32, #tpu.memory_space<hbm>> -> memref<1x1x10x40xi32, #tpu.memory_space<hbm>>
      %dma_wait3A_239 = tpu.memref_squeeze %dma_wait3A_238 : memref<1x1x10x40xi32, #tpu.memory_space<hbm>> -> memref<10x40xi32, #tpu.memory_space<hbm>>
      %dma_wait3A_240 = arith.constant 0 : i32
      %dma_wait3A_241 = arith.constant 0 : i32
      %dma_wait3A_242 = tpu.memref_slice %arg7[%run_scoped3A_9, %dma_wait3A_240, %dma_wait3A_241] : memref<3x10x40xi32, #tpu.memory_space<vmem>> -> memref<1x10x40xi32, #tpu.memory_space<vmem>>
      %dma_wait3A_243 = tpu.memref_squeeze %dma_wait3A_242 : memref<1x10x40xi32, #tpu.memory_space<vmem>> -> memref<10x40xi32, #tpu.memory_space<vmem>>
      %dma_wait3A_244 = arith.constant 0 : i32
      %dma_wait3A_245 = arith.constant 0 : i32
      %dma_wait3A_246 = tpu.memref_slice %arg3[%add3A, %run_scoped3A, %dma_wait3A_244, %dma_wait3A_245] : memref<32x25x10x40xi32, #tpu.memory_space<hbm>> -> memref<1x1x10x40xi32, #tpu.memory_space<hbm>>
      %dma_wait3A_247 = tpu.memref_squeeze %dma_wait3A_246 : memref<1x1x10x40xi32, #tpu.memory_space<hbm>> -> memref<10x40xi32, #tpu.memory_space<hbm>>
      tpu.wait_dma2 semaphore(%run_scoped3A_215 : memref<!tpu.dma_semaphore, #tpu.memory_space<semaphore_mem>>) src(%dma_wait3A_247 : memref<10x40xi32, #tpu.memory_space<hbm>>) dst(%dma_wait3A_243 : memref<10x40xi32, #tpu.memory_space<vmem>>)
      tpu.yield
    }) : () -> ()
    %run_scoped3A_10 = arith.constant 0 : i32
    %run_scoped3A_11 = arith.constant 0 : i32
    "tpu.region"() ({
      %run_scoped3A_215 = tpu.sem_alloc : memref<!tpu.dma_semaphore, #tpu.memory_space<semaphore_mem>>
      %dma_start3A_216 = arith.constant 0 : i32
      %dma_start3A_217 = arith.constant 0 : i32
      %dma_start3A_218 = tpu.memref_slice %arg8[%run_scoped3A_11, %dma_start3A_216, %dma_start3A_217] : memref<3x10x40xi32, #tpu.memory_space<vmem>> -> memref<1x10x40xi32, #tpu.memory_space<vmem>>
      %dma_start3A_219 = tpu.memref_squeeze %dma_start3A_218 : memref<1x10x40xi32, #tpu.memory_space<vmem>> -> memref<10x40xi32, #tpu.memory_space<vmem>>
      %dma_start3A_220 = arith.constant 0 : i32
      %dma_start3A_221 = arith.constant 0 : i32
      %dma_start3A_222 = tpu.memref_slice %arg4[%add3A, %run_scoped3A_10, %dma_start3A_220, %dma_start3A_221] : memref<32x25x10x40xi32, #tpu.memory_space<hbm>> -> memref<1x1x10x40xi32, #tpu.memory_space<hbm>>
      %dma_start3A_223 = tpu.memref_squeeze %dma_start3A_222 : memref<1x1x10x40xi32, #tpu.memory_space<hbm>> -> memref<10x40xi32, #tpu.memory_space<hbm>>
      %dma_start3A_224 = arith.constant 0 : i32
      %dma_start3A_225 = arith.constant 0 : i32
      %dma_start3A_226 = tpu.memref_slice %arg8[%run_scoped3A_11, %dma_start3A_224, %dma_start3A_225] : memref<3x10x40xi32, #tpu.memory_space<vmem>> -> memref<1x10x40xi32, #tpu.memory_space<vmem>>
      %dma_start3A_227 = tpu.memref_squeeze %dma_start3A_226 : memref<1x10x40xi32, #tpu.memory_space<vmem>> -> memref<10x40xi32, #tpu.memory_space<vmem>>
      %dma_start3A_228 = arith.constant 0 : i32
      %dma_start3A_229 = arith.constant 0 : i32
      %dma_start3A_230 = tpu.memref_slice %arg4[%add3A, %run_scoped3A_10, %dma_start3A_228, %dma_start3A_229] : memref<32x25x10x40xi32, #tpu.memory_space<hbm>> -> memref<1x1x10x40xi32, #tpu.memory_space<hbm>>
      %dma_start3A_231 = tpu.memref_squeeze %dma_start3A_230 : memref<1x1x10x40xi32, #tpu.memory_space<hbm>> -> memref<10x40xi32, #tpu.memory_space<hbm>>
      tpu.enqueue_dma source(%dma_start3A_231 : memref<10x40xi32, #tpu.memory_space<hbm>>) target(%dma_start3A_227 : memref<10x40xi32, #tpu.memory_space<vmem>>) target_semaphore(%run_scoped3A_215 : memref<!tpu.dma_semaphore, #tpu.memory_space<semaphore_mem>>)
      %dma_wait3A_232 = arith.constant 0 : i32
      %dma_wait3A_233 = arith.constant 0 : i32
      %dma_wait3A_234 = tpu.memref_slice %arg8[%run_scoped3A_11, %dma_wait3A_232, %dma_wait3A_233] : memref<3x10x40xi32, #tpu.memory_space<vmem>> -> memref<1x10x40xi32, #tpu.memory_space<vmem>>
      %dma_wait3A_235 = tpu.memref_squeeze %dma_wait3A_234 : memref<1x10x40xi32, #tpu.memory_space<vmem>> -> memref<10x40xi32, #tpu.memory_space<vmem>>
      %dma_wait3A_236 = arith.constant 0 : i32
      %dma_wait3A_237 = arith.constant 0 : i32
      %dma_wait3A_238 = tpu.memref_slice %arg4[%add3A, %run_scoped3A_10, %dma_wait3A_236, %dma_wait3A_237] : memref<32x25x10x40xi32, #tpu.memory_space<hbm>> -> memref<1x1x10x40xi32, #tpu.memory_space<hbm>>
      %dma_wait3A_239 = tpu.memref_squeeze %dma_wait3A_238 : memref<1x1x10x40xi32, #tpu.memory_space<hbm>> -> memref<10x40xi32, #tpu.memory_space<hbm>>
      %dma_wait3A_240 = arith.constant 0 : i32
      %dma_wait3A_241 = arith.constant 0 : i32
      %dma_wait3A_242 = tpu.memref_slice %arg8[%run_scoped3A_11, %dma_wait3A_240, %dma_wait3A_241] : memref<3x10x40xi32, #tpu.memory_space<vmem>> -> memref<1x10x40xi32, #tpu.memory_space<vmem>>
      %dma_wait3A_243 = tpu.memref_squeeze %dma_wait3A_242 : memref<1x10x40xi32, #tpu.memory_space<vmem>> -> memref<10x40xi32, #tpu.memory_space<vmem>>
      %dma_wait3A_244 = arith.constant 0 : i32
      %dma_wait3A_245 = arith.constant 0 : i32
      %dma_wait3A_246 = tpu.memref_slice %arg4[%add3A, %run_scoped3A_10, %dma_wait3A_244, %dma_wait3A_245] : memref<32x25x10x40xi32, #tpu.memory_space<hbm>> -> memref<1x1x10x40xi32, #tpu.memory_space<hbm>>
      %dma_wait3A_247 = tpu.memref_squeeze %dma_wait3A_246 : memref<1x1x10x40xi32, #tpu.memory_space<hbm>> -> memref<10x40xi32, #tpu.memory_space<hbm>>
      tpu.wait_dma2 semaphore(%run_scoped3A_215 : memref<!tpu.dma_semaphore, #tpu.memory_space<semaphore_mem>>) src(%dma_wait3A_247 : memref<10x40xi32, #tpu.memory_space<hbm>>) dst(%dma_wait3A_243 : memref<10x40xi32, #tpu.memory_space<vmem>>)
      tpu.yield
    }) : () -> ()
    %barrier3A = arith.constant 0 : index
    tpu.barrier barrier_id(%barrier3A)
    %dma_start3A = arith.constant 1 : i32
    %dma_start3A_12 = arith.constant 1 : i32
    %dma_start3A_13 = arith.constant 0 : i32
    %dma_start3A_14 = arith.constant 0 : i32
    %dma_start3A_15 = tpu.memref_slice %arg7[%dma_start3A_12, %dma_start3A_13, %dma_start3A_14] : memref<3x10x40xi32, #tpu.memory_space<vmem>> -> memref<1x10x40xi32, #tpu.memory_space<vmem>>
    %dma_start3A_16 = tpu.memref_squeeze %dma_start3A_15 : memref<1x10x40xi32, #tpu.memory_space<vmem>> -> memref<10x40xi32, #tpu.memory_space<vmem>>
    %dma_start3A_17 = arith.constant 0 : i32
    %dma_start3A_18 = arith.constant 0 : i32
    %dma_start3A_19 = tpu.memref_slice %arg3[%add3A, %dma_start3A, %dma_start3A_17, %dma_start3A_18] : memref<32x25x10x40xi32, #tpu.memory_space<hbm>> -> memref<1x1x10x40xi32, #tpu.memory_space<hbm>>
    %dma_start3A_20 = tpu.memref_squeeze %dma_start3A_19 : memref<1x1x10x40xi32, #tpu.memory_space<hbm>> -> memref<10x40xi32, #tpu.memory_space<hbm>>
    %dma_start3A_21 = arith.constant 0 : i32
    %dma_start3A_22 = arith.constant 0 : i32
    %dma_start3A_23 = tpu.memref_slice %arg7[%dma_start3A_12, %dma_start3A_21, %dma_start3A_22] : memref<3x10x40xi32, #tpu.memory_space<vmem>> -> memref<1x10x40xi32, #tpu.memory_space<vmem>>
    %dma_start3A_24 = tpu.memref_squeeze %dma_start3A_23 : memref<1x10x40xi32, #tpu.memory_space<vmem>> -> memref<10x40xi32, #tpu.memory_space<vmem>>
    %dma_start3A_25 = arith.constant 0 : i32
    %dma_start3A_26 = arith.constant 0 : i32
    %dma_start3A_27 = tpu.memref_slice %arg3[%add3A, %dma_start3A, %dma_start3A_25, %dma_start3A_26] : memref<32x25x10x40xi32, #tpu.memory_space<hbm>> -> memref<1x1x10x40xi32, #tpu.memory_space<hbm>>
    %dma_start3A_28 = tpu.memref_squeeze %dma_start3A_27 : memref<1x1x10x40xi32, #tpu.memory_space<hbm>> -> memref<10x40xi32, #tpu.memory_space<hbm>>
    tpu.enqueue_dma source(%dma_start3A_28 : memref<10x40xi32, #tpu.memory_space<hbm>>) target(%dma_start3A_24 : memref<10x40xi32, #tpu.memory_space<vmem>>) target_semaphore(%arg11 : memref<!tpu.dma_semaphore, #tpu.memory_space<semaphore_mem>>)
    %dma_start3A_29 = arith.constant 1 : i32
    %dma_start3A_30 = arith.constant 1 : i32
    %dma_start3A_31 = arith.constant 0 : i32
    %dma_start3A_32 = arith.constant 0 : i32
    %dma_start3A_33 = tpu.memref_slice %arg8[%dma_start3A_30, %dma_start3A_31, %dma_start3A_32] : memref<3x10x40xi32, #tpu.memory_space<vmem>> -> memref<1x10x40xi32, #tpu.memory_space<vmem>>
    %dma_start3A_34 = tpu.memref_squeeze %dma_start3A_33 : memref<1x10x40xi32, #tpu.memory_space<vmem>> -> memref<10x40xi32, #tpu.memory_space<vmem>>
    %dma_start3A_35 = arith.constant 0 : i32
    %dma_start3A_36 = arith.constant 0 : i32
    %dma_start3A_37 = tpu.memref_slice %arg4[%add3A, %dma_start3A_29, %dma_start3A_35, %dma_start3A_36] : memref<32x25x10x40xi32, #tpu.memory_space<hbm>> -> memref<1x1x10x40xi32, #tpu.memory_space<hbm>>
    %dma_start3A_38 = tpu.memref_squeeze %dma_start3A_37 : memref<1x1x10x40xi32, #tpu.memory_space<hbm>> -> memref<10x40xi32, #tpu.memory_space<hbm>>
    %dma_start3A_39 = arith.constant 0 : i32
    %dma_start3A_40 = arith.constant 0 : i32
    %dma_start3A_41 = tpu.memref_slice %arg8[%dma_start3A_30, %dma_start3A_39, %dma_start3A_40] : memref<3x10x40xi32, #tpu.memory_space<vmem>> -> memref<1x10x40xi32, #tpu.memory_space<vmem>>
    %dma_start3A_42 = tpu.memref_squeeze %dma_start3A_41 : memref<1x10x40xi32, #tpu.memory_space<vmem>> -> memref<10x40xi32, #tpu.memory_space<vmem>>
    %dma_start3A_43 = arith.constant 0 : i32
    %dma_start3A_44 = arith.constant 0 : i32
    %dma_start3A_45 = tpu.memref_slice %arg4[%add3A, %dma_start3A_29, %dma_start3A_43, %dma_start3A_44] : memref<32x25x10x40xi32, #tpu.memory_space<hbm>> -> memref<1x1x10x40xi32, #tpu.memory_space<hbm>>
    %dma_start3A_46 = tpu.memref_squeeze %dma_start3A_45 : memref<1x1x10x40xi32, #tpu.memory_space<hbm>> -> memref<10x40xi32, #tpu.memory_space<hbm>>
    tpu.enqueue_dma source(%dma_start3A_46 : memref<10x40xi32, #tpu.memory_space<hbm>>) target(%dma_start3A_42 : memref<10x40xi32, #tpu.memory_space<vmem>>) target_semaphore(%arg11 : memref<!tpu.dma_semaphore, #tpu.memory_space<semaphore_mem>>)
    %dma_start3A_47 = arith.constant 0 : i32
    %dma_start3A_48 = arith.constant 0 : i32
    %dma_start3A_49 = arith.constant 0 : i32
    %dma_start3A_50 = arith.constant 0 : i32
    %dma_start3A_51 = arith.constant 0 : i32
    %dma_start3A_52 = tpu.memref_slice %arg9[%dma_start3A_49, %dma_start3A_50, %dma_start3A_51] : memref<6x40x128xf32, #tpu.memory_space<vmem>> -> memref<1x40x128xf32, #tpu.memory_space<vmem>>
    %dma_start3A_53 = tpu.memref_squeeze %dma_start3A_52 : memref<1x40x128xf32, #tpu.memory_space<vmem>> -> memref<40x128xf32, #tpu.memory_space<vmem>>
    %dma_start3A_54 = arith.constant 0 : i32
    %dma_start3A_55 = tpu.memref_slice %arg7[%dma_start3A_47, %dma_start3A_48, %dma_start3A_54] : memref<3x10x40xi32, #tpu.memory_space<vmem>> -> memref<1x1x40xi32, #tpu.memory_space<vmem>>
    %dma_start3A_56 = tpu.memref_squeeze %dma_start3A_55 : memref<1x1x40xi32, #tpu.memory_space<vmem>> -> memref<40xi32, #tpu.memory_space<vmem>>
    %dma_start3A_57 = arith.constant 0 : i32
    %dma_start3A_58 = arith.constant 0 : i32
    %dma_start3A_59 = tpu.memref_slice %arg2[%dma_start3A_57, %dma_start3A_58] : memref<10000x128xf32, #tpu.memory_space<hbm>> -> memref<10000x128xf32, #tpu.memory_space<hbm>>
    tpu.enqueue_indirect_dma source(%dma_start3A_59 : memref<10000x128xf32, #tpu.memory_space<hbm>>) target(%dma_start3A_53 : memref<40x128xf32, #tpu.memory_space<vmem>>) offsets(%dma_start3A_56 : memref<40xi32, #tpu.memory_space<vmem>>) semaphore(%arg10 : memref<!tpu.dma_semaphore, #tpu.memory_space<semaphore_mem>>)
    %dma_start3A_60 = arith.constant 0 : i32
    %dma_start3A_61 = arith.constant 1 : i32
    %dma_start3A_62 = arith.constant 1 : i32
    %dma_start3A_63 = arith.constant 0 : i32
    %dma_start3A_64 = arith.constant 0 : i32
    %dma_start3A_65 = tpu.memref_slice %arg9[%dma_start3A_62, %dma_start3A_63, %dma_start3A_64] : memref<6x40x128xf32, #tpu.memory_space<vmem>> -> memref<1x40x128xf32, #tpu.memory_space<vmem>>
    %dma_start3A_66 = tpu.memref_squeeze %dma_start3A_65 : memref<1x40x128xf32, #tpu.memory_space<vmem>> -> memref<40x128xf32, #tpu.memory_space<vmem>>
    %dma_start3A_67 = arith.constant 0 : i32
    %dma_start3A_68 = tpu.memref_slice %arg7[%dma_start3A_60, %dma_start3A_61, %dma_start3A_67] : memref<3x10x40xi32, #tpu.memory_space<vmem>> -> memref<1x1x40xi32, #tpu.memory_space<vmem>>
    %dma_start3A_69 = tpu.memref_squeeze %dma_start3A_68 : memref<1x1x40xi32, #tpu.memory_space<vmem>> -> memref<40xi32, #tpu.memory_space<vmem>>
    %dma_start3A_70 = arith.constant 0 : i32
    %dma_start3A_71 = arith.constant 0 : i32
    %dma_start3A_72 = tpu.memref_slice %arg2[%dma_start3A_70, %dma_start3A_71] : memref<10000x128xf32, #tpu.memory_space<hbm>> -> memref<10000x128xf32, #tpu.memory_space<hbm>>
    tpu.enqueue_indirect_dma source(%dma_start3A_72 : memref<10000x128xf32, #tpu.memory_space<hbm>>) target(%dma_start3A_66 : memref<40x128xf32, #tpu.memory_space<vmem>>) offsets(%dma_start3A_69 : memref<40xi32, #tpu.memory_space<vmem>>) semaphore(%arg10 : memref<!tpu.dma_semaphore, #tpu.memory_space<semaphore_mem>>)
    %dma_start3A_73 = arith.constant 0 : i32
    %dma_start3A_74 = arith.constant 2 : i32
    %dma_start3A_75 = arith.constant 2 : i32
    %dma_start3A_76 = arith.constant 0 : i32
    %dma_start3A_77 = arith.constant 0 : i32
    %dma_start3A_78 = tpu.memref_slice %arg9[%dma_start3A_75, %dma_start3A_76, %dma_start3A_77] : memref<6x40x128xf32, #tpu.memory_space<vmem>> -> memref<1x40x128xf32, #tpu.memory_space<vmem>>
    %dma_start3A_79 = tpu.memref_squeeze %dma_start3A_78 : memref<1x40x128xf32, #tpu.memory_space<vmem>> -> memref<40x128xf32, #tpu.memory_space<vmem>>
    %dma_start3A_80 = arith.constant 0 : i32
    %dma_start3A_81 = tpu.memref_slice %arg7[%dma_start3A_73, %dma_start3A_74, %dma_start3A_80] : memref<3x10x40xi32, #tpu.memory_space<vmem>> -> memref<1x1x40xi32, #tpu.memory_space<vmem>>
    %dma_start3A_82 = tpu.memref_squeeze %dma_start3A_81 : memref<1x1x40xi32, #tpu.memory_space<vmem>> -> memref<40xi32, #tpu.memory_space<vmem>>
    %dma_start3A_83 = arith.constant 0 : i32
    %dma_start3A_84 = arith.constant 0 : i32
    %dma_start3A_85 = tpu.memref_slice %arg2[%dma_start3A_83, %dma_start3A_84] : memref<10000x128xf32, #tpu.memory_space<hbm>> -> memref<10000x128xf32, #tpu.memory_space<hbm>>
    tpu.enqueue_indirect_dma source(%dma_start3A_85 : memref<10000x128xf32, #tpu.memory_space<hbm>>) target(%dma_start3A_79 : memref<40x128xf32, #tpu.memory_space<vmem>>) offsets(%dma_start3A_82 : memref<40xi32, #tpu.memory_space<vmem>>) semaphore(%arg10 : memref<!tpu.dma_semaphore, #tpu.memory_space<semaphore_mem>>)
    %scan3A = arith.constant 0 : i32
    %scan3A_86 = arith.constant 0 : i32
    %scan3A_87 = arith.constant 250 : i32
    %scan3A_88 = arith.addi %scan3A_86, %scan3A_87 : i32
    %scan3A_89 = arith.constant 1 : i32
    scf.for %scan3A_215 = %scan3A_86 to %scan3A_88 step %scan3A_89  : i32 {
      %rem3A_216 = arith.constant 6 : i32
      %rem3A_217 = arith.remsi %scan3A_215, %rem3A_216 : i32
      %div3A_218 = arith.constant 10 : i32
      %div3A_219 = arith.divsi %scan3A_215, %div3A_218 : i32
      %rem3A_220 = arith.constant 10 : i32
      %rem3A_221 = arith.remsi %scan3A_215, %rem3A_220 : i32
      %rem3A_222 = arith.constant 3 : i32
      %rem3A_223 = arith.remsi %div3A_219, %rem3A_222 : i32
      %dma_wait3A_224 = arith.constant 0 : i32
      %dma_wait3A_225 = arith.constant 0 : i32
      %dma_wait3A_226 = tpu.memref_slice %arg9[%rem3A_217, %dma_wait3A_224, %dma_wait3A_225] : memref<6x40x128xf32, #tpu.memory_space<vmem>> -> memref<1x40x128xf32, #tpu.memory_space<vmem>>
      %dma_wait3A_227 = tpu.memref_squeeze %dma_wait3A_226 : memref<1x40x128xf32, #tpu.memory_space<vmem>> -> memref<40x128xf32, #tpu.memory_space<vmem>>
      %dma_wait3A_228 = arith.constant 0 : i32
      %dma_wait3A_229 = tpu.memref_slice %arg7[%rem3A_223, %rem3A_221, %dma_wait3A_228] : memref<3x10x40xi32, #tpu.memory_space<vmem>> -> memref<1x1x40xi32, #tpu.memory_space<vmem>>
      %dma_wait3A_230 = tpu.memref_squeeze %dma_wait3A_229 : memref<1x1x40xi32, #tpu.memory_space<vmem>> -> memref<40xi32, #tpu.memory_space<vmem>>
      %dma_wait3A_231 = arith.constant 0 : i32
      %dma_wait3A_232 = arith.constant 0 : i32
      %dma_wait3A_233 = tpu.memref_slice %arg2[%dma_wait3A_231, %dma_wait3A_232] : memref<10000x128xf32, #tpu.memory_space<hbm>> -> memref<10000x128xf32, #tpu.memory_space<hbm>>
      tpu.wait_indirect_dma semaphore(%arg10 : memref<!tpu.dma_semaphore, #tpu.memory_space<semaphore_mem>>) src(%dma_wait3A_233 : memref<10000x128xf32, #tpu.memory_space<hbm>>) dst(%dma_wait3A_227 : memref<40x128xf32, #tpu.memory_space<vmem>>)
      %div3A_234 = arith.constant 10 : i32
      %div3A_235 = arith.divsi %scan3A_215, %div3A_234 : i32
      %rem3A_236 = arith.constant 3 : i32
      %rem3A_237 = arith.remsi %div3A_235, %rem3A_236 : i32
      %rem3A_238 = arith.constant 10 : i32
      %rem3A_239 = arith.remsi %scan3A_215, %rem3A_238 : i32
      %dma_start3A_240 = arith.constant 0 : i32
      %dma_start3A_241 = arith.constant 0 : i32
      %dma_start3A_242 = tpu.memref_slice %arg9[%rem3A_217, %dma_start3A_240, %dma_start3A_241] : memref<6x40x128xf32, #tpu.memory_space<vmem>> -> memref<1x40x128xf32, #tpu.memory_space<vmem>>
      %dma_start3A_243 = tpu.memref_squeeze %dma_start3A_242 : memref<1x40x128xf32, #tpu.memory_space<vmem>> -> memref<40x128xf32, #tpu.memory_space<vmem>>
      %dma_start3A_244 = arith.constant 0 : i32
      %dma_start3A_245 = tpu.memref_slice %arg8[%rem3A_237, %rem3A_239, %dma_start3A_244] : memref<3x10x40xi32, #tpu.memory_space<vmem>> -> memref<1x1x40xi32, #tpu.memory_space<vmem>>
      %dma_start3A_246 = tpu.memref_squeeze %dma_start3A_245 : memref<1x1x40xi32, #tpu.memory_space<vmem>> -> memref<40xi32, #tpu.memory_space<vmem>>
      %dma_start3A_247 = arith.constant 0 : i32
      %dma_start3A_248 = arith.constant 0 : i32
      %dma_start3A_249 = tpu.memref_slice %arg13[%dma_start3A_247, %dma_start3A_248] : memref<10000x128xf32, #tpu.memory_space<vmem_shared>> -> memref<10000x128xf32, #tpu.memory_space<vmem_shared>>
      tpu.enqueue_indirect_dma source(%dma_start3A_243 : memref<40x128xf32, #tpu.memory_space<vmem>>) target(%dma_start3A_249 : memref<10000x128xf32, #tpu.memory_space<vmem_shared>>) offsets(%dma_start3A_246 : memref<40xi32, #tpu.memory_space<vmem>>) semaphore(%arg12 : memref<!tpu.dma_semaphore, #tpu.memory_space<semaphore_mem>>) {add = true}
      %add3A_250 = arith.constant 3 : i32
      %add3A_251 = arith.addi %scan3A_215, %add3A_250 : i32
      %div3A_252 = arith.constant 10 : i32
      %div3A_253 = arith.divsi %add3A_251, %div3A_252 : i32
      %rem3A_254 = arith.constant 10 : i32
      %rem3A_255 = arith.remsi %add3A_251, %rem3A_254 : i32
      %rem3A_256 = arith.constant 6 : i32
      %rem3A_257 = arith.remsi %add3A_251, %rem3A_256 : i32
      %lt3A_258 = arith.constant 250 : i32
      %lt3A_259 = arith.cmpi slt, %add3A_251, %lt3A_258 : i32
      %convert_element_type3A_260 = arith.extui %lt3A_259 : i1 to i32
      %cond3A_261 = arith.constant 0 : i32
      %cond3A_262 = arith.cmpi ne, %convert_element_type3A_260, %cond3A_261 : i32
      scf.if %cond3A_262 {
        %ge3A = arith.constant 3 : i32
        %ge3A_263 = arith.cmpi sge, %scan3A_215, %ge3A : i32
        %convert_element_type3A_264 = arith.extui %ge3A_263 : i1 to i32
        %cond3A_265 = arith.constant 0 : i32
        %cond3A_266 = arith.cmpi ne, %convert_element_type3A_264, %cond3A_265 : i32
        scf.if %cond3A_266 {
          %sub3A = arith.constant 3 : i32
          %sub3A_293 = arith.subi %scan3A_215, %sub3A : i32
          %div3A_294 = arith.constant 10 : i32
          %div3A_295 = arith.divsi %sub3A_293, %div3A_294 : i32
          %rem3A_296 = arith.constant 10 : i32
          %rem3A_297 = arith.remsi %sub3A_293, %rem3A_296 : i32
          %rem3A_298 = arith.constant 3 : i32
          %rem3A_299 = arith.remsi %div3A_295, %rem3A_298 : i32
          %dma_wait3A_300 = arith.constant 0 : i32
          %dma_wait3A_301 = arith.constant 0 : i32
          %dma_wait3A_302 = tpu.memref_slice %arg9[%rem3A_257, %dma_wait3A_300, %dma_wait3A_301] : memref<6x40x128xf32, #tpu.memory_space<vmem>> -> memref<1x40x128xf32, #tpu.memory_space<vmem>>
          %dma_wait3A_303 = tpu.memref_squeeze %dma_wait3A_302 : memref<1x40x128xf32, #tpu.memory_space<vmem>> -> memref<40x128xf32, #tpu.memory_space<vmem>>
          %dma_wait3A_304 = arith.constant 0 : i32
          %dma_wait3A_305 = tpu.memref_slice %arg8[%rem3A_299, %rem3A_297, %dma_wait3A_304] : memref<3x10x40xi32, #tpu.memory_space<vmem>> -> memref<1x1x40xi32, #tpu.memory_space<vmem>>
          %dma_wait3A_306 = tpu.memref_squeeze %dma_wait3A_305 : memref<1x1x40xi32, #tpu.memory_space<vmem>> -> memref<40xi32, #tpu.memory_space<vmem>>
          %dma_wait3A_307 = arith.constant 0 : i32
          %dma_wait3A_308 = arith.constant 0 : i32
          %dma_wait3A_309 = tpu.memref_slice %arg13[%dma_wait3A_307, %dma_wait3A_308] : memref<10000x128xf32, #tpu.memory_space<vmem_shared>> -> memref<10000x128xf32, #tpu.memory_space<vmem_shared>>
          tpu.wait_indirect_dma semaphore(%arg12 : memref<!tpu.dma_semaphore, #tpu.memory_space<semaphore_mem>>) src(%dma_wait3A_303 : memref<40x128xf32, #tpu.memory_space<vmem>>) dst(%dma_wait3A_309 : memref<10000x128xf32, #tpu.memory_space<vmem_shared>>)
        } else {
        }
        %eq3A_267 = arith.constant 0 : i32
        %eq3A_268 = arith.cmpi eq, %rem3A_255, %eq3A_267 : i32
        %convert_element_type3A_269 = arith.extui %eq3A_268 : i1 to i32
        %cond3A_270 = arith.constant 0 : i32
        %cond3A_271 = arith.cmpi ne, %convert_element_type3A_269, %cond3A_270 : i32
        scf.if %cond3A_271 {
          %rem3A_293 = arith.constant 3 : i32
          %rem3A_294 = arith.remsi %div3A_253, %rem3A_293 : i32
          %dma_wait3A_295 = arith.constant 0 : i32
          %dma_wait3A_296 = arith.constant 0 : i32
          %dma_wait3A_297 = tpu.memref_slice %arg7[%rem3A_294, %dma_wait3A_295, %dma_wait3A_296] : memref<3x10x40xi32, #tpu.memory_space<vmem>> -> memref<1x10x40xi32, #tpu.memory_space<vmem>>
          %dma_wait3A_298 = tpu.memref_squeeze %dma_wait3A_297 : memref<1x10x40xi32, #tpu.memory_space<vmem>> -> memref<10x40xi32, #tpu.memory_space<vmem>>
          %dma_wait3A_299 = arith.constant 0 : i32
          %dma_wait3A_300 = arith.constant 0 : i32
          %dma_wait3A_301 = tpu.memref_slice %arg3[%add3A, %div3A_253, %dma_wait3A_299, %dma_wait3A_300] : memref<32x25x10x40xi32, #tpu.memory_space<hbm>> -> memref<1x1x10x40xi32, #tpu.memory_space<hbm>>
          %dma_wait3A_302 = tpu.memref_squeeze %dma_wait3A_301 : memref<1x1x10x40xi32, #tpu.memory_space<hbm>> -> memref<10x40xi32, #tpu.memory_space<hbm>>
          %dma_wait3A_303 = arith.constant 0 : i32
          %dma_wait3A_304 = arith.constant 0 : i32
          %dma_wait3A_305 = tpu.memref_slice %arg7[%rem3A_294, %dma_wait3A_303, %dma_wait3A_304] : memref<3x10x40xi32, #tpu.memory_space<vmem>> -> memref<1x10x40xi32, #tpu.memory_space<vmem>>
          %dma_wait3A_306 = tpu.memref_squeeze %dma_wait3A_305 : memref<1x10x40xi32, #tpu.memory_space<vmem>> -> memref<10x40xi32, #tpu.memory_space<vmem>>
          %dma_wait3A_307 = arith.constant 0 : i32
          %dma_wait3A_308 = arith.constant 0 : i32
          %dma_wait3A_309 = tpu.memref_slice %arg3[%add3A, %div3A_253, %dma_wait3A_307, %dma_wait3A_308] : memref<32x25x10x40xi32, #tpu.memory_space<hbm>> -> memref<1x1x10x40xi32, #tpu.memory_space<hbm>>
          %dma_wait3A_310 = tpu.memref_squeeze %dma_wait3A_309 : memref<1x1x10x40xi32, #tpu.memory_space<hbm>> -> memref<10x40xi32, #tpu.memory_space<hbm>>
          tpu.wait_dma2 semaphore(%arg11 : memref<!tpu.dma_semaphore, #tpu.memory_space<semaphore_mem>>) src(%dma_wait3A_310 : memref<10x40xi32, #tpu.memory_space<hbm>>) dst(%dma_wait3A_306 : memref<10x40xi32, #tpu.memory_space<vmem>>)
          %dma_wait3A_311 = arith.constant 0 : i32
          %dma_wait3A_312 = arith.constant 0 : i32
          %dma_wait3A_313 = tpu.memref_slice %arg8[%rem3A_294, %dma_wait3A_311, %dma_wait3A_312] : memref<3x10x40xi32, #tpu.memory_space<vmem>> -> memref<1x10x40xi32, #tpu.memory_space<vmem>>
          %dma_wait3A_314 = tpu.memref_squeeze %dma_wait3A_313 : memref<1x10x40xi32, #tpu.memory_space<vmem>> -> memref<10x40xi32, #tpu.memory_space<vmem>>
          %dma_wait3A_315 = arith.constant 0 : i32
          %dma_wait3A_316 = arith.constant 0 : i32
          %dma_wait3A_317 = tpu.memref_slice %arg4[%add3A, %div3A_253, %dma_wait3A_315, %dma_wait3A_316] : memref<32x25x10x40xi32, #tpu.memory_space<hbm>> -> memref<1x1x10x40xi32, #tpu.memory_space<hbm>>
          %dma_wait3A_318 = tpu.memref_squeeze %dma_wait3A_317 : memref<1x1x10x40xi32, #tpu.memory_space<hbm>> -> memref<10x40xi32, #tpu.memory_space<hbm>>
          %dma_wait3A_319 = arith.constant 0 : i32
          %dma_wait3A_320 = arith.constant 0 : i32
          %dma_wait3A_321 = tpu.memref_slice %arg8[%rem3A_294, %dma_wait3A_319, %dma_wait3A_320] : memref<3x10x40xi32, #tpu.memory_space<vmem>> -> memref<1x10x40xi32, #tpu.memory_space<vmem>>
          %dma_wait3A_322 = tpu.memref_squeeze %dma_wait3A_321 : memref<1x10x40xi32, #tpu.memory_space<vmem>> -> memref<10x40xi32, #tpu.memory_space<vmem>>
          %dma_wait3A_323 = arith.constant 0 : i32
          %dma_wait3A_324 = arith.constant 0 : i32
          %dma_wait3A_325 = tpu.memref_slice %arg4[%add3A, %div3A_253, %dma_wait3A_323, %dma_wait3A_324] : memref<32x25x10x40xi32, #tpu.memory_space<hbm>> -> memref<1x1x10x40xi32, #tpu.memory_space<hbm>>
          %dma_wait3A_326 = tpu.memref_squeeze %dma_wait3A_325 : memref<1x1x10x40xi32, #tpu.memory_space<hbm>> -> memref<10x40xi32, #tpu.memory_space<hbm>>
          tpu.wait_dma2 semaphore(%arg11 : memref<!tpu.dma_semaphore, #tpu.memory_space<semaphore_mem>>) src(%dma_wait3A_326 : memref<10x40xi32, #tpu.memory_space<hbm>>) dst(%dma_wait3A_322 : memref<10x40xi32, #tpu.memory_space<vmem>>)
        } else {
        }
        %rem3A_272 = arith.constant 3 : i32
        %rem3A_273 = arith.remsi %div3A_253, %rem3A_272 : i32
        %dma_start3A_274 = arith.constant 0 : i32
        %dma_start3A_275 = arith.constant 0 : i32
        %dma_start3A_276 = tpu.memref_slice %arg9[%rem3A_257, %dma_start3A_274, %dma_start3A_275] : memref<6x40x128xf32, #tpu.memory_space<vmem>> -> memref<1x40x128xf32, #tpu.memory_space<vmem>>
        %dma_start3A_277 = tpu.memref_squeeze %dma_start3A_276 : memref<1x40x128xf32, #tpu.memory_space<vmem>> -> memref<40x128xf32, #tpu.memory_space<vmem>>
        %dma_start3A_278 = arith.constant 0 : i32
        %dma_start3A_279 = tpu.memref_slice %arg7[%rem3A_273, %rem3A_255, %dma_start3A_278] : memref<3x10x40xi32, #tpu.memory_space<vmem>> -> memref<1x1x40xi32, #tpu.memory_space<vmem>>
        %dma_start3A_280 = tpu.memref_squeeze %dma_start3A_279 : memref<1x1x40xi32, #tpu.memory_space<vmem>> -> memref<40xi32, #tpu.memory_space<vmem>>
        %dma_start3A_281 = arith.constant 0 : i32
        %dma_start3A_282 = arith.constant 0 : i32
        %dma_start3A_283 = tpu.memref_slice %arg2[%dma_start3A_281, %dma_start3A_282] : memref<10000x128xf32, #tpu.memory_space<hbm>> -> memref<10000x128xf32, #tpu.memory_space<hbm>>
        tpu.enqueue_indirect_dma source(%dma_start3A_283 : memref<10000x128xf32, #tpu.memory_space<hbm>>) target(%dma_start3A_277 : memref<40x128xf32, #tpu.memory_space<vmem>>) offsets(%dma_start3A_280 : memref<40xi32, #tpu.memory_space<vmem>>) semaphore(%arg10 : memref<!tpu.dma_semaphore, #tpu.memory_space<semaphore_mem>>)
        %eq3A_284 = arith.constant 0 : i32
        %eq3A_285 = arith.cmpi eq, %rem3A_255, %eq3A_284 : i32
        %add3A_286 = arith.constant 1 : i32
        %add3A_287 = arith.addi %div3A_253, %add3A_286 : i32
        %lt3A_288 = arith.constant 25 : i32
        %lt3A_289 = arith.cmpi slt, %add3A_287, %lt3A_288 : i32
        %and3A = arith.andi %eq3A_285, %lt3A_289 : i1
        %convert_element_type3A_290 = arith.extui %and3A : i1 to i32
        %cond3A_291 = arith.constant 0 : i32
        %cond3A_292 = arith.cmpi ne, %convert_element_type3A_290, %cond3A_291 : i32
        scf.if %cond3A_292 {
          %add3A_293 = arith.constant 1 : i32
          %add3A_294 = arith.addi %div3A_253, %add3A_293 : i32
          %add3A_295 = arith.constant 1 : i32
          %add3A_296 = arith.addi %div3A_253, %add3A_295 : i32
          %rem3A_297 = arith.constant 3 : i32
          %rem3A_298 = arith.remsi %add3A_296, %rem3A_297 : i32
          %dma_start3A_299 = arith.constant 0 : i32
          %dma_start3A_300 = arith.constant 0 : i32
          %dma_start3A_301 = tpu.memref_slice %arg7[%rem3A_298, %dma_start3A_299, %dma_start3A_300] : memref<3x10x40xi32, #tpu.memory_space<vmem>> -> memref<1x10x40xi32, #tpu.memory_space<vmem>>
          %dma_start3A_302 = tpu.memref_squeeze %dma_start3A_301 : memref<1x10x40xi32, #tpu.memory_space<vmem>> -> memref<10x40xi32, #tpu.memory_space<vmem>>
          %dma_start3A_303 = arith.constant 0 : i32
          %dma_start3A_304 = arith.constant 0 : i32
          %dma_start3A_305 = tpu.memref_slice %arg3[%add3A, %add3A_294, %dma_start3A_303, %dma_start3A_304] : memref<32x25x10x40xi32, #tpu.memory_space<hbm>> -> memref<1x1x10x40xi32, #tpu.memory_space<hbm>>
          %dma_start3A_306 = tpu.memref_squeeze %dma_start3A_305 : memref<1x1x10x40xi32, #tpu.memory_space<hbm>> -> memref<10x40xi32, #tpu.memory_space<hbm>>
          %dma_start3A_307 = arith.constant 0 : i32
          %dma_start3A_308 = arith.constant 0 : i32
          %dma_start3A_309 = tpu.memref_slice %arg7[%rem3A_298, %dma_start3A_307, %dma_start3A_308] : memref<3x10x40xi32, #tpu.memory_space<vmem>> -> memref<1x10x40xi32, #tpu.memory_space<vmem>>
          %dma_start3A_310 = tpu.memref_squeeze %dma_start3A_309 : memref<1x10x40xi32, #tpu.memory_space<vmem>> -> memref<10x40xi32, #tpu.memory_space<vmem>>
          %dma_start3A_311 = arith.constant 0 : i32
          %dma_start3A_312 = arith.constant 0 : i32
          %dma_start3A_313 = tpu.memref_slice %arg3[%add3A, %add3A_294, %dma_start3A_311, %dma_start3A_312] : memref<32x25x10x40xi32, #tpu.memory_space<hbm>> -> memref<1x1x10x40xi32, #tpu.memory_space<hbm>>
          %dma_start3A_314 = tpu.memref_squeeze %dma_start3A_313 : memref<1x1x10x40xi32, #tpu.memory_space<hbm>> -> memref<10x40xi32, #tpu.memory_space<hbm>>
          tpu.enqueue_dma source(%dma_start3A_314 : memref<10x40xi32, #tpu.memory_space<hbm>>) target(%dma_start3A_310 : memref<10x40xi32, #tpu.memory_space<vmem>>) target_semaphore(%arg11 : memref<!tpu.dma_semaphore, #tpu.memory_space<semaphore_mem>>)
          %dma_start3A_315 = arith.constant 0 : i32
          %dma_start3A_316 = arith.constant 0 : i32
          %dma_start3A_317 = tpu.memref_slice %arg8[%rem3A_298, %dma_start3A_315, %dma_start3A_316] : memref<3x10x40xi32, #tpu.memory_space<vmem>> -> memref<1x10x40xi32, #tpu.memory_space<vmem>>
          %dma_start3A_318 = tpu.memref_squeeze %dma_start3A_317 : memref<1x10x40xi32, #tpu.memory_space<vmem>> -> memref<10x40xi32, #tpu.memory_space<vmem>>
          %dma_start3A_319 = arith.constant 0 : i32
          %dma_start3A_320 = arith.constant 0 : i32
          %dma_start3A_321 = tpu.memref_slice %arg4[%add3A, %add3A_294, %dma_start3A_319, %dma_start3A_320] : memref<32x25x10x40xi32, #tpu.memory_space<hbm>> -> memref<1x1x10x40xi32, #tpu.memory_space<hbm>>
          %dma_start3A_322 = tpu.memref_squeeze %dma_start3A_321 : memref<1x1x10x40xi32, #tpu.memory_space<hbm>> -> memref<10x40xi32, #tpu.memory_space<hbm>>
          %dma_start3A_323 = arith.constant 0 : i32
          %dma_start3A_324 = arith.constant 0 : i32
          %dma_start3A_325 = tpu.memref_slice %arg8[%rem3A_298, %dma_start3A_323, %dma_start3A_324] : memref<3x10x40xi32, #tpu.memory_space<vmem>> -> memref<1x10x40xi32, #tpu.memory_space<vmem>>
          %dma_start3A_326 = tpu.memref_squeeze %dma_start3A_325 : memref<1x10x40xi32, #tpu.memory_space<vmem>> -> memref<10x40xi32, #tpu.memory_space<vmem>>
          %dma_start3A_327 = arith.constant 0 : i32
          %dma_start3A_328 = arith.constant 0 : i32
          %dma_start3A_329 = tpu.memref_slice %arg4[%add3A, %add3A_294, %dma_start3A_327, %dma_start3A_328] : memref<32x25x10x40xi32, #tpu.memory_space<hbm>> -> memref<1x1x10x40xi32, #tpu.memory_space<hbm>>
          %dma_start3A_330 = tpu.memref_squeeze %dma_start3A_329 : memref<1x1x10x40xi32, #tpu.memory_space<hbm>> -> memref<10x40xi32, #tpu.memory_space<hbm>>
          tpu.enqueue_dma source(%dma_start3A_330 : memref<10x40xi32, #tpu.memory_space<hbm>>) target(%dma_start3A_326 : memref<10x40xi32, #tpu.memory_space<vmem>>) target_semaphore(%arg11 : memref<!tpu.dma_semaphore, #tpu.memory_space<semaphore_mem>>)
        } else {
        }
      } else {
      }
    }
    %scan3A_90 = arith.constant 250 : i32
    %div3A = arith.constant 244 : i32
    %div3A_91 = arith.constant 10 : i32
    %div3A_92 = arith.divsi %div3A, %div3A_91 : i32
    %rem3A = arith.constant 244 : i32
    %rem3A_93 = arith.constant 10 : i32
    %rem3A_94 = arith.remsi %rem3A, %rem3A_93 : i32
    %rem3A_95 = arith.constant 3 : i32
    %rem3A_96 = arith.remsi %div3A_92, %rem3A_95 : i32
    %dma_wait3A = arith.constant 4 : i32
    %dma_wait3A_97 = arith.constant 0 : i32
    %dma_wait3A_98 = arith.constant 0 : i32
    %dma_wait3A_99 = tpu.memref_slice %arg9[%dma_wait3A, %dma_wait3A_97, %dma_wait3A_98] : memref<6x40x128xf32, #tpu.memory_space<vmem>> -> memref<1x40x128xf32, #tpu.memory_space<vmem>>
    %dma_wait3A_100 = tpu.memref_squeeze %dma_wait3A_99 : memref<1x40x128xf32, #tpu.memory_space<vmem>> -> memref<40x128xf32, #tpu.memory_space<vmem>>
    %dma_wait3A_101 = arith.constant 0 : i32
    %dma_wait3A_102 = tpu.memref_slice %arg8[%rem3A_96, %rem3A_94, %dma_wait3A_101] : memref<3x10x40xi32, #tpu.memory_space<vmem>> -> memref<1x1x40xi32, #tpu.memory_space<vmem>>
    %dma_wait3A_103 = tpu.memref_squeeze %dma_wait3A_102 : memref<1x1x40xi32, #tpu.memory_space<vmem>> -> memref<40xi32, #tpu.memory_space<vmem>>
    %dma_wait3A_104 = arith.constant 0 : i32
    %dma_wait3A_105 = arith.constant 0 : i32
    %dma_wait3A_106 = tpu.memref_slice %arg13[%dma_wait3A_104, %dma_wait3A_105] : memref<10000x128xf32, #tpu.memory_space<vmem_shared>> -> memref<10000x128xf32, #tpu.memory_space<vmem_shared>>
    tpu.wait_indirect_dma semaphore(%arg12 : memref<!tpu.dma_semaphore, #tpu.memory_space<semaphore_mem>>) src(%dma_wait3A_100 : memref<40x128xf32, #tpu.memory_space<vmem>>) dst(%dma_wait3A_106 : memref<10000x128xf32, #tpu.memory_space<vmem_shared>>)
    %div3A_107 = arith.constant 245 : i32
    %div3A_108 = arith.constant 10 : i32
    %div3A_109 = arith.divsi %div3A_107, %div3A_108 : i32
    %rem3A_110 = arith.constant 245 : i32
    %rem3A_111 = arith.constant 10 : i32
    %rem3A_112 = arith.remsi %rem3A_110, %rem3A_111 : i32
    %rem3A_113 = arith.constant 3 : i32
    %rem3A_114 = arith.remsi %div3A_109, %rem3A_113 : i32
    %dma_wait3A_115 = arith.constant 5 : i32
    %dma_wait3A_116 = arith.constant 0 : i32
    %dma_wait3A_117 = arith.constant 0 : i32
    %dma_wait3A_118 = tpu.memref_slice %arg9[%dma_wait3A_115, %dma_wait3A_116, %dma_wait3A_117] : memref<6x40x128xf32, #tpu.memory_space<vmem>> -> memref<1x40x128xf32, #tpu.memory_space<vmem>>
    %dma_wait3A_119 = tpu.memref_squeeze %dma_wait3A_118 : memref<1x40x128xf32, #tpu.memory_space<vmem>> -> memref<40x128xf32, #tpu.memory_space<vmem>>
    %dma_wait3A_120 = arith.constant 0 : i32
    %dma_wait3A_121 = tpu.memref_slice %arg8[%rem3A_114, %rem3A_112, %dma_wait3A_120] : memref<3x10x40xi32, #tpu.memory_space<vmem>> -> memref<1x1x40xi32, #tpu.memory_space<vmem>>
    %dma_wait3A_122 = tpu.memref_squeeze %dma_wait3A_121 : memref<1x1x40xi32, #tpu.memory_space<vmem>> -> memref<40xi32, #tpu.memory_space<vmem>>
    %dma_wait3A_123 = arith.constant 0 : i32
    %dma_wait3A_124 = arith.constant 0 : i32
    %dma_wait3A_125 = tpu.memref_slice %arg13[%dma_wait3A_123, %dma_wait3A_124] : memref<10000x128xf32, #tpu.memory_space<vmem_shared>> -> memref<10000x128xf32, #tpu.memory_space<vmem_shared>>
    tpu.wait_indirect_dma semaphore(%arg12 : memref<!tpu.dma_semaphore, #tpu.memory_space<semaphore_mem>>) src(%dma_wait3A_119 : memref<40x128xf32, #tpu.memory_space<vmem>>) dst(%dma_wait3A_125 : memref<10000x128xf32, #tpu.memory_space<vmem_shared>>)
    %div3A_126 = arith.constant 246 : i32
    %div3A_127 = arith.constant 10 : i32
    %div3A_128 = arith.divsi %div3A_126, %div3A_127 : i32
    %rem3A_129 = arith.constant 246 : i32
    %rem3A_130 = arith.constant 10 : i32
    %rem3A_131 = arith.remsi %rem3A_129, %rem3A_130 : i32
    %rem3A_132 = arith.constant 3 : i32
    %rem3A_133 = arith.remsi %div3A_128, %rem3A_132 : i32
    %dma_wait3A_134 = arith.constant 0 : i32
    %dma_wait3A_135 = arith.constant 0 : i32
    %dma_wait3A_136 = arith.constant 0 : i32
    %dma_wait3A_137 = tpu.memref_slice %arg9[%dma_wait3A_134, %dma_wait3A_135, %dma_wait3A_136] : memref<6x40x128xf32, #tpu.memory_space<vmem>> -> memref<1x40x128xf32, #tpu.memory_space<vmem>>
    %dma_wait3A_138 = tpu.memref_squeeze %dma_wait3A_137 : memref<1x40x128xf32, #tpu.memory_space<vmem>> -> memref<40x128xf32, #tpu.memory_space<vmem>>
    %dma_wait3A_139 = arith.constant 0 : i32
    %dma_wait3A_140 = tpu.memref_slice %arg8[%rem3A_133, %rem3A_131, %dma_wait3A_139] : memref<3x10x40xi32, #tpu.memory_space<vmem>> -> memref<1x1x40xi32, #tpu.memory_space<vmem>>
    %dma_wait3A_141 = tpu.memref_squeeze %dma_wait3A_140 : memref<1x1x40xi32, #tpu.memory_space<vmem>> -> memref<40xi32, #tpu.memory_space<vmem>>
    %dma_wait3A_142 = arith.constant 0 : i32
    %dma_wait3A_143 = arith.constant 0 : i32
    %dma_wait3A_144 = tpu.memref_slice %arg13[%dma_wait3A_142, %dma_wait3A_143] : memref<10000x128xf32, #tpu.memory_space<vmem_shared>> -> memref<10000x128xf32, #tpu.memory_space<vmem_shared>>
    tpu.wait_indirect_dma semaphore(%arg12 : memref<!tpu.dma_semaphore, #tpu.memory_space<semaphore_mem>>) src(%dma_wait3A_138 : memref<40x128xf32, #tpu.memory_space<vmem>>) dst(%dma_wait3A_144 : memref<10000x128xf32, #tpu.memory_space<vmem_shared>>)
    %div3A_145 = arith.constant 247 : i32
    %div3A_146 = arith.constant 10 : i32
    %div3A_147 = arith.divsi %div3A_145, %div3A_146 : i32
    %rem3A_148 = arith.constant 247 : i32
    %rem3A_149 = arith.constant 10 : i32
    %rem3A_150 = arith.remsi %rem3A_148, %rem3A_149 : i32
    %rem3A_151 = arith.constant 3 : i32
    %rem3A_152 = arith.remsi %div3A_147, %rem3A_151 : i32
    %dma_wait3A_153 = arith.constant 1 : i32
    %dma_wait3A_154 = arith.constant 0 : i32
    %dma_wait3A_155 = arith.constant 0 : i32
    %dma_wait3A_156 = tpu.memref_slice %arg9[%dma_wait3A_153, %dma_wait3A_154, %dma_wait3A_155] : memref<6x40x128xf32, #tpu.memory_space<vmem>> -> memref<1x40x128xf32, #tpu.memory_space<vmem>>
    %dma_wait3A_157 = tpu.memref_squeeze %dma_wait3A_156 : memref<1x40x128xf32, #tpu.memory_space<vmem>> -> memref<40x128xf32, #tpu.memory_space<vmem>>
    %dma_wait3A_158 = arith.constant 0 : i32
    %dma_wait3A_159 = tpu.memref_slice %arg8[%rem3A_152, %rem3A_150, %dma_wait3A_158] : memref<3x10x40xi32, #tpu.memory_space<vmem>> -> memref<1x1x40xi32, #tpu.memory_space<vmem>>
    %dma_wait3A_160 = tpu.memref_squeeze %dma_wait3A_159 : memref<1x1x40xi32, #tpu.memory_space<vmem>> -> memref<40xi32, #tpu.memory_space<vmem>>
    %dma_wait3A_161 = arith.constant 0 : i32
    %dma_wait3A_162 = arith.constant 0 : i32
    %dma_wait3A_163 = tpu.memref_slice %arg13[%dma_wait3A_161, %dma_wait3A_162] : memref<10000x128xf32, #tpu.memory_space<vmem_shared>> -> memref<10000x128xf32, #tpu.memory_space<vmem_shared>>
    tpu.wait_indirect_dma semaphore(%arg12 : memref<!tpu.dma_semaphore, #tpu.memory_space<semaphore_mem>>) src(%dma_wait3A_157 : memref<40x128xf32, #tpu.memory_space<vmem>>) dst(%dma_wait3A_163 : memref<10000x128xf32, #tpu.memory_space<vmem_shared>>)
    %div3A_164 = arith.constant 248 : i32
    %div3A_165 = arith.constant 10 : i32
    %div3A_166 = arith.divsi %div3A_164, %div3A_165 : i32
    %rem3A_167 = arith.constant 248 : i32
    %rem3A_168 = arith.constant 10 : i32
    %rem3A_169 = arith.remsi %rem3A_167, %rem3A_168 : i32
    %rem3A_170 = arith.constant 3 : i32
    %rem3A_171 = arith.remsi %div3A_166, %rem3A_170 : i32
    %dma_wait3A_172 = arith.constant 2 : i32
    %dma_wait3A_173 = arith.constant 0 : i32
    %dma_wait3A_174 = arith.constant 0 : i32
    %dma_wait3A_175 = tpu.memref_slice %arg9[%dma_wait3A_172, %dma_wait3A_173, %dma_wait3A_174] : memref<6x40x128xf32, #tpu.memory_space<vmem>> -> memref<1x40x128xf32, #tpu.memory_space<vmem>>
    %dma_wait3A_176 = tpu.memref_squeeze %dma_wait3A_175 : memref<1x40x128xf32, #tpu.memory_space<vmem>> -> memref<40x128xf32, #tpu.memory_space<vmem>>
    %dma_wait3A_177 = arith.constant 0 : i32
    %dma_wait3A_178 = tpu.memref_slice %arg8[%rem3A_171, %rem3A_169, %dma_wait3A_177] : memref<3x10x40xi32, #tpu.memory_space<vmem>> -> memref<1x1x40xi32, #tpu.memory_space<vmem>>
    %dma_wait3A_179 = tpu.memref_squeeze %dma_wait3A_178 : memref<1x1x40xi32, #tpu.memory_space<vmem>> -> memref<40xi32, #tpu.memory_space<vmem>>
    %dma_wait3A_180 = arith.constant 0 : i32
    %dma_wait3A_181 = arith.constant 0 : i32
    %dma_wait3A_182 = tpu.memref_slice %arg13[%dma_wait3A_180, %dma_wait3A_181] : memref<10000x128xf32, #tpu.memory_space<vmem_shared>> -> memref<10000x128xf32, #tpu.memory_space<vmem_shared>>
    tpu.wait_indirect_dma semaphore(%arg12 : memref<!tpu.dma_semaphore, #tpu.memory_space<semaphore_mem>>) src(%dma_wait3A_176 : memref<40x128xf32, #tpu.memory_space<vmem>>) dst(%dma_wait3A_182 : memref<10000x128xf32, #tpu.memory_space<vmem_shared>>)
    %div3A_183 = arith.constant 249 : i32
    %div3A_184 = arith.constant 10 : i32
    %div3A_185 = arith.divsi %div3A_183, %div3A_184 : i32
    %rem3A_186 = arith.constant 249 : i32
    %rem3A_187 = arith.constant 10 : i32
    %rem3A_188 = arith.remsi %rem3A_186, %rem3A_187 : i32
    %rem3A_189 = arith.constant 3 : i32
    %rem3A_190 = arith.remsi %div3A_185, %rem3A_189 : i32
    %dma_wait3A_191 = arith.constant 3 : i32
    %dma_wait3A_192 = arith.constant 0 : i32
    %dma_wait3A_193 = arith.constant 0 : i32
    %dma_wait3A_194 = tpu.memref_slice %arg9[%dma_wait3A_191, %dma_wait3A_192, %dma_wait3A_193] : memref<6x40x128xf32, #tpu.memory_space<vmem>> -> memref<1x40x128xf32, #tpu.memory_space<vmem>>
    %dma_wait3A_195 = tpu.memref_squeeze %dma_wait3A_194 : memref<1x40x128xf32, #tpu.memory_space<vmem>> -> memref<40x128xf32, #tpu.memory_space<vmem>>
    %dma_wait3A_196 = arith.constant 0 : i32
    %dma_wait3A_197 = tpu.memref_slice %arg8[%rem3A_190, %rem3A_188, %dma_wait3A_196] : memref<3x10x40xi32, #tpu.memory_space<vmem>> -> memref<1x1x40xi32, #tpu.memory_space<vmem>>
    %dma_wait3A_198 = tpu.memref_squeeze %dma_wait3A_197 : memref<1x1x40xi32, #tpu.memory_space<vmem>> -> memref<40xi32, #tpu.memory_space<vmem>>
    %dma_wait3A_199 = arith.constant 0 : i32
    %dma_wait3A_200 = arith.constant 0 : i32
    %dma_wait3A_201 = tpu.memref_slice %arg13[%dma_wait3A_199, %dma_wait3A_200] : memref<10000x128xf32, #tpu.memory_space<vmem_shared>> -> memref<10000x128xf32, #tpu.memory_space<vmem_shared>>
    tpu.wait_indirect_dma semaphore(%arg12 : memref<!tpu.dma_semaphore, #tpu.memory_space<semaphore_mem>>) src(%dma_wait3A_195 : memref<40x128xf32, #tpu.memory_space<vmem>>) dst(%dma_wait3A_201 : memref<10000x128xf32, #tpu.memory_space<vmem_shared>>)
    %barrier3A_202 = arith.constant 0 : index
    tpu.barrier barrier_id(%barrier3A_202)
    %mul3A_203 = arith.constant 624 : i32
    %mul3A_204 = arith.muli %arg1, %mul3A_203 : i32
    %lt3A_205 = arith.constant 15 : i32
    %lt3A_206 = arith.cmpi slt, %arg1, %lt3A_205 : i32
    %convert_element_type3A_207 = arith.extui %lt3A_206 : i1 to i32
    %cond3A_208 = arith.constant 0 : i32
    %cond3A_209 = arith.cmpi ne, %convert_element_type3A_207, %cond3A_208 : i32
    scf.if %cond3A_209 {
      "tpu.region"() ({
        %run_scoped3A_215 = tpu.sem_alloc : memref<!tpu.dma_semaphore, #tpu.memory_space<semaphore_mem>>
        %dma_start3A_216 = arith.constant 0 : i32
        %dma_start3A_217 = tpu.memref_slice %arg6[%arg0, %mul3A_204, %dma_start3A_216] : memref<2x10000x128xf32, #tpu.memory_space<hbm>> -> memref<1x624x128xf32, #tpu.memory_space<hbm>>
        %dma_start3A_218 = tpu.memref_squeeze %dma_start3A_217 : memref<1x624x128xf32, #tpu.memory_space<hbm>> -> memref<624x128xf32, #tpu.memory_space<hbm>>
        %dma_start3A_219 = arith.constant 0 : i32
        %dma_start3A_220 = tpu.memref_slice %arg13[%mul3A_204, %dma_start3A_219] : memref<10000x128xf32, #tpu.memory_space<vmem_shared>> -> memref<624x128xf32, #tpu.memory_space<vmem_shared>>
        tpu.enqueue_dma source(%dma_start3A_220 : memref<624x128xf32, #tpu.memory_space<vmem_shared>>) target(%dma_start3A_218 : memref<624x128xf32, #tpu.memory_space<hbm>>) target_semaphore(%run_scoped3A_215 : memref<!tpu.dma_semaphore, #tpu.memory_space<semaphore_mem>>)
        %dma_wait3A_221 = arith.constant 0 : i32
        %dma_wait3A_222 = tpu.memref_slice %arg6[%arg0, %mul3A_204, %dma_wait3A_221] : memref<2x10000x128xf32, #tpu.memory_space<hbm>> -> memref<1x624x128xf32, #tpu.memory_space<hbm>>
        %dma_wait3A_223 = tpu.memref_squeeze %dma_wait3A_222 : memref<1x624x128xf32, #tpu.memory_space<hbm>> -> memref<624x128xf32, #tpu.memory_space<hbm>>
        %dma_wait3A_224 = arith.constant 0 : i32
        %dma_wait3A_225 = tpu.memref_slice %arg13[%mul3A_204, %dma_wait3A_224] : memref<10000x128xf32, #tpu.memory_space<vmem_shared>> -> memref<624x128xf32, #tpu.memory_space<vmem_shared>>
        tpu.wait_dma2 semaphore(%run_scoped3A_215 : memref<!tpu.dma_semaphore, #tpu.memory_space<semaphore_mem>>) src(%dma_wait3A_225 : memref<624x128xf32, #tpu.memory_space<vmem_shared>>) dst(%dma_wait3A_223 : memref<624x128xf32, #tpu.memory_space<hbm>>)
        tpu.yield
      }) : () -> ()
    } else {
    }
    %eq3A_210 = arith.constant 15 : i32
    %eq3A_211 = arith.cmpi eq, %arg1, %eq3A_210 : i32
    %convert_element_type3A_212 = arith.extui %eq3A_211 : i1 to i32
    %cond3A_213 = arith.constant 0 : i32
    %cond3A_214 = arith.cmpi ne, %convert_element_type3A_212, %cond3A_213 : i32
    scf.if %cond3A_214 {
      "tpu.region"() ({
        %run_scoped3A_215 = tpu.sem_alloc : memref<!tpu.dma_semaphore, #tpu.memory_space<semaphore_mem>>
        %dma_start3A_216 = arith.constant 0 : i32
        %dma_start3A_217 = tpu.memref_slice %arg6[%arg0, %mul3A_204, %dma_start3A_216] : memref<2x10000x128xf32, #tpu.memory_space<hbm>> -> memref<1x640x128xf32, #tpu.memory_space<hbm>>
        %dma_start3A_218 = tpu.memref_squeeze %dma_start3A_217 : memref<1x640x128xf32, #tpu.memory_space<hbm>> -> memref<640x128xf32, #tpu.memory_space<hbm>>
        %dma_start3A_219 = arith.constant 0 : i32
        %dma_start3A_220 = tpu.memref_slice %arg13[%mul3A_204, %dma_start3A_219] : memref<10000x128xf32, #tpu.memory_space<vmem_shared>> -> memref<640x128xf32, #tpu.memory_space<vmem_shared>>
        tpu.enqueue_dma source(%dma_start3A_220 : memref<640x128xf32, #tpu.memory_space<vmem_shared>>) target(%dma_start3A_218 : memref<640x128xf32, #tpu.memory_space<hbm>>) target_semaphore(%run_scoped3A_215 : memref<!tpu.dma_semaphore, #tpu.memory_space<semaphore_mem>>)
        %dma_wait3A_221 = arith.constant 0 : i32
        %dma_wait3A_222 = tpu.memref_slice %arg6[%arg0, %mul3A_204, %dma_wait3A_221] : memref<2x10000x128xf32, #tpu.memory_space<hbm>> -> memref<1x640x128xf32, #tpu.memory_space<hbm>>
        %dma_wait3A_223 = tpu.memref_squeeze %dma_wait3A_222 : memref<1x640x128xf32, #tpu.memory_space<hbm>> -> memref<640x128xf32, #tpu.memory_space<hbm>>
        %dma_wait3A_224 = arith.constant 0 : i32
        %dma_wait3A_225 = tpu.memref_slice %arg13[%mul3A_204, %dma_wait3A_224] : memref<10000x128xf32, #tpu.memory_space<vmem_shared>> -> memref<640x128xf32, #tpu.memory_space<vmem_shared>>
        tpu.wait_dma2 semaphore(%run_scoped3A_215 : memref<!tpu.dma_semaphore, #tpu.memory_space<semaphore_mem>>) src(%dma_wait3A_225 : memref<640x128xf32, #tpu.memory_space<vmem_shared>>) dst(%dma_wait3A_223 : memref<640x128xf32, #tpu.memory_space<hbm>>)
        tpu.yield
      }) : () -> ()
    } else {
    }
    return
  }
}

#map = affine_map<(d0, d1) -> (0, 0, 0)>
#map1 = affine_map<(d0, d1) -> (0, 0)>
module attributes {stable_mosaic.version = 14 : i64} {
  func.func @_sc_hist_body(%arg0: i32, %arg1: i32, %arg2: memref<32x125x80xi32, #tpu.memory_space<hbm>>, %arg3: memref<10000x128xf32, #tpu.memory_space<hbm>>, %arg4: memref<32x80x128xf32, #tpu.memory_space<hbm>>, %arg5: memref<80x128xf32, #tpu.memory_space<vmem>>, %arg6: memref<125x80xi32, #tpu.memory_space<vmem>>) attributes {dimension_semantics = [#tpu.dimension_semantics<core_parallel>, #tpu.dimension_semantics<subcore_parallel>], iteration_bounds = array<i64: 2, 16>, scalar_prefetch = 0 : i64, scratch_operands = 2 : i64, tpu.core_type = #tpu.core_type<sc_vector_subcore>, window_params = [{transform_indices = #map}, {transform_indices = #map1}, {transform_indices = #map}]} {
    %mul3A = arith.constant 16 : i32
    %mul3A_0 = arith.muli %arg0, %mul3A : i32
    %add3A = arith.addi %mul3A_0, %arg1 : i32
    "tpu.region"() ({
      %run_scoped3A = tpu.sem_alloc : memref<!tpu.dma_semaphore, #tpu.memory_space<semaphore_mem>>
      %dma_start3A = arith.constant 0 : i32
      %dma_start3A_7 = arith.constant 0 : i32
      %dma_start3A_8 = tpu.memref_slice %arg3[%dma_start3A, %dma_start3A_7] : memref<10000x128xf32, #tpu.memory_space<hbm>> -> memref<80x128xf32, #tpu.memory_space<hbm>>
      %dma_start3A_9 = arith.constant 0 : i32
      %dma_start3A_10 = arith.constant 0 : i32
      %dma_start3A_11 = tpu.memref_slice %arg3[%dma_start3A_9, %dma_start3A_10] : memref<10000x128xf32, #tpu.memory_space<hbm>> -> memref<80x128xf32, #tpu.memory_space<hbm>>
      tpu.enqueue_dma source(%dma_start3A_11 : memref<80x128xf32, #tpu.memory_space<hbm>>) target(%arg5 : memref<80x128xf32, #tpu.memory_space<vmem>>) target_semaphore(%run_scoped3A : memref<!tpu.dma_semaphore, #tpu.memory_space<semaphore_mem>>)
      %dma_wait3A = arith.constant 0 : i32
      %dma_wait3A_12 = arith.constant 0 : i32
      %dma_wait3A_13 = tpu.memref_slice %arg3[%dma_wait3A, %dma_wait3A_12] : memref<10000x128xf32, #tpu.memory_space<hbm>> -> memref<80x128xf32, #tpu.memory_space<hbm>>
      %dma_wait3A_14 = arith.constant 0 : i32
      %dma_wait3A_15 = arith.constant 0 : i32
      %dma_wait3A_16 = tpu.memref_slice %arg3[%dma_wait3A_14, %dma_wait3A_15] : memref<10000x128xf32, #tpu.memory_space<hbm>> -> memref<80x128xf32, #tpu.memory_space<hbm>>
      tpu.wait_dma2 semaphore(%run_scoped3A : memref<!tpu.dma_semaphore, #tpu.memory_space<semaphore_mem>>) src(%dma_wait3A_16 : memref<80x128xf32, #tpu.memory_space<hbm>>) dst(%arg5 : memref<80x128xf32, #tpu.memory_space<vmem>>)
      tpu.yield
    }) : () -> ()
    "tpu.region"() ({
      %run_scoped3A = tpu.sem_alloc : memref<!tpu.dma_semaphore, #tpu.memory_space<semaphore_mem>>
      %dma_start3A = arith.constant 0 : i32
      %dma_start3A_7 = arith.constant 0 : i32
      %dma_start3A_8 = tpu.memref_slice %arg2[%add3A, %dma_start3A, %dma_start3A_7] : memref<32x125x80xi32, #tpu.memory_space<hbm>> -> memref<1x125x80xi32, #tpu.memory_space<hbm>>
      %dma_start3A_9 = tpu.memref_squeeze %dma_start3A_8 : memref<1x125x80xi32, #tpu.memory_space<hbm>> -> memref<125x80xi32, #tpu.memory_space<hbm>>
      %dma_start3A_10 = arith.constant 0 : i32
      %dma_start3A_11 = arith.constant 0 : i32
      %dma_start3A_12 = tpu.memref_slice %arg2[%add3A, %dma_start3A_10, %dma_start3A_11] : memref<32x125x80xi32, #tpu.memory_space<hbm>> -> memref<1x125x80xi32, #tpu.memory_space<hbm>>
      %dma_start3A_13 = tpu.memref_squeeze %dma_start3A_12 : memref<1x125x80xi32, #tpu.memory_space<hbm>> -> memref<125x80xi32, #tpu.memory_space<hbm>>
      tpu.enqueue_dma source(%dma_start3A_13 : memref<125x80xi32, #tpu.memory_space<hbm>>) target(%arg6 : memref<125x80xi32, #tpu.memory_space<vmem>>) target_semaphore(%run_scoped3A : memref<!tpu.dma_semaphore, #tpu.memory_space<semaphore_mem>>)
      %dma_wait3A = arith.constant 0 : i32
      %dma_wait3A_14 = arith.constant 0 : i32
      %dma_wait3A_15 = tpu.memref_slice %arg2[%add3A, %dma_wait3A, %dma_wait3A_14] : memref<32x125x80xi32, #tpu.memory_space<hbm>> -> memref<1x125x80xi32, #tpu.memory_space<hbm>>
      %dma_wait3A_16 = tpu.memref_squeeze %dma_wait3A_15 : memref<1x125x80xi32, #tpu.memory_space<hbm>> -> memref<125x80xi32, #tpu.memory_space<hbm>>
      %dma_wait3A_17 = arith.constant 0 : i32
      %dma_wait3A_18 = arith.constant 0 : i32
      %dma_wait3A_19 = tpu.memref_slice %arg2[%add3A, %dma_wait3A_17, %dma_wait3A_18] : memref<32x125x80xi32, #tpu.memory_space<hbm>> -> memref<1x125x80xi32, #tpu.memory_space<hbm>>
      %dma_wait3A_20 = tpu.memref_squeeze %dma_wait3A_19 : memref<1x125x80xi32, #tpu.memory_space<hbm>> -> memref<125x80xi32, #tpu.memory_space<hbm>>
      tpu.wait_dma2 semaphore(%run_scoped3A : memref<!tpu.dma_semaphore, #tpu.memory_space<semaphore_mem>>) src(%dma_wait3A_20 : memref<125x80xi32, #tpu.memory_space<hbm>>) dst(%arg6 : memref<125x80xi32, #tpu.memory_space<vmem>>)
      tpu.yield
    }) : () -> ()
    %broadcast_in_dim3A = arith.constant 1.000000e+00 : f32
    %broadcast_in_dim3A_1 = vector.broadcast %broadcast_in_dim3A : f32 to vector<16xf32>
    %scan3A = arith.constant 0 : i32
    %scan3A_2 = arith.constant 0 : i32
    %scan3A_3 = arith.constant 625 : i32
    %scan3A_4 = arith.addi %scan3A_2, %scan3A_3 : i32
    %scan3A_5 = arith.constant 1 : i32
    scf.for %scan3A_7 = %scan3A_2 to %scan3A_4 step %scan3A_5  : i32 {
      %div3A = arith.constant 5 : i32
      %div3A_8 = arith.divsi %scan3A_7, %div3A : i32
      %rem3A = arith.constant 5 : i32
      %rem3A_9 = arith.remsi %scan3A_7, %rem3A : i32
      %mul3A_10 = arith.constant 16 : i32
      %mul3A_11 = arith.muli %rem3A_9, %mul3A_10 : i32
      %get3A = arith.index_cast %div3A_8 : i32 to index
      %get3A_12 = arith.index_cast %mul3A_11 : i32 to index
      %get3A_13 = tpu.vector_load %arg6[%get3A, %get3A_12] {strides = array<i32>} : memref<125x80xi32, #tpu.memory_space<vmem>>, vector<16xi32>,
      %shift_right_logical3A = arith.constant 7 : i32
      %shift_right_logical3A_14 = vector.broadcast %shift_right_logical3A : i32 to vector<16xi32>
      %shift_right_logical3A_15 = arith.shrui %get3A_13, %shift_right_logical3A_14 : vector<16xi32>
      %and3A = arith.constant 127 : i32
      %and3A_16 = vector.broadcast %and3A : i32 to vector<16xi32>
      %and3A_17 = arith.andi %get3A_13, %and3A_16 : vector<16xi32>
      tpu.vector_store_idx %arg5[%shift_right_logical3A_15, %and3A_17], %broadcast_in_dim3A_1 {add = true} : memref<80x128xf32, #tpu.memory_space<vmem>>[vector<16xi32>, vector<16xi32>], vector<16xf32>,
    }
    %scan3A_6 = arith.constant 625 : i32
    "tpu.region"() ({
      %run_scoped3A = tpu.sem_alloc : memref<!tpu.dma_semaphore, #tpu.memory_space<semaphore_mem>>
      %dma_start3A = arith.constant 0 : i32
      %dma_start3A_7 = arith.constant 0 : i32
      %dma_start3A_8 = tpu.memref_slice %arg4[%add3A, %dma_start3A, %dma_start3A_7] : memref<32x80x128xf32, #tpu.memory_space<hbm>> -> memref<1x80x128xf32, #tpu.memory_space<hbm>>
      %dma_start3A_9 = tpu.memref_squeeze %dma_start3A_8 : memref<1x80x128xf32, #tpu.memory_space<hbm>> -> memref<80x128xf32, #tpu.memory_space<hbm>>
      %dma_start3A_10 = arith.constant 0 : i32
      %dma_start3A_11 = arith.constant 0 : i32
      %dma_start3A_12 = tpu.memref_slice %arg4[%add3A, %dma_start3A_10, %dma_start3A_11] : memref<32x80x128xf32, #tpu.memory_space<hbm>> -> memref<1x80x128xf32, #tpu.memory_space<hbm>>
      %dma_start3A_13 = tpu.memref_squeeze %dma_start3A_12 : memref<1x80x128xf32, #tpu.memory_space<hbm>> -> memref<80x128xf32, #tpu.memory_space<hbm>>
      tpu.enqueue_dma source(%arg5 : memref<80x128xf32, #tpu.memory_space<vmem>>) target(%dma_start3A_13 : memref<80x128xf32, #tpu.memory_space<hbm>>) target_semaphore(%run_scoped3A : memref<!tpu.dma_semaphore, #tpu.memory_space<semaphore_mem>>)
      %dma_wait3A = arith.constant 0 : i32
      %dma_wait3A_14 = arith.constant 0 : i32
      %dma_wait3A_15 = tpu.memref_slice %arg4[%add3A, %dma_wait3A, %dma_wait3A_14] : memref<32x80x128xf32, #tpu.memory_space<hbm>> -> memref<1x80x128xf32, #tpu.memory_space<hbm>>
      %dma_wait3A_16 = tpu.memref_squeeze %dma_wait3A_15 : memref<1x80x128xf32, #tpu.memory_space<hbm>> -> memref<80x128xf32, #tpu.memory_space<hbm>>
      %dma_wait3A_17 = arith.constant 0 : i32
      %dma_wait3A_18 = arith.constant 0 : i32
      %dma_wait3A_19 = tpu.memref_slice %arg4[%add3A, %dma_wait3A_17, %dma_wait3A_18] : memref<32x80x128xf32, #tpu.memory_space<hbm>> -> memref<1x80x128xf32, #tpu.memory_space<hbm>>
      %dma_wait3A_20 = tpu.memref_squeeze %dma_wait3A_19 : memref<1x80x128xf32, #tpu.memory_space<hbm>> -> memref<80x128xf32, #tpu.memory_space<hbm>>
      tpu.wait_dma2 semaphore(%run_scoped3A : memref<!tpu.dma_semaphore, #tpu.memory_space<semaphore_mem>>) src(%arg5 : memref<80x128xf32, #tpu.memory_space<vmem>>) dst(%dma_wait3A_20 : memref<80x128xf32, #tpu.memory_space<hbm>>)
      tpu.yield
    }) : () -> ()
    return
  }
}

#map = affine_map<(d0, d1) -> (0, 0)>
#map1 = affine_map<(d0, d1) -> (0, 0, 0, 0)>
#map2 = affine_map<(d0, d1) -> (0, 0, 0)>
module attributes {stable_mosaic.version = 14 : i64} {
  func.func @_sc_agg_body(%arg0: i32, %arg1: i32, %arg2: memref<10000x128xf32, #tpu.memory_space<hbm>>, %arg3: memref<32x25x10x40xi32, #tpu.memory_space<hbm>>, %arg4: memref<32x25x10x40xi32, #tpu.memory_space<hbm>>, %arg5: memref<10000x128xf32, #tpu.memory_space<hbm>>, %arg6: memref<2x10000x128xf32, #tpu.memory_space<hbm>>, %arg7: memref<3x10x40xi32, #tpu.memory_space<vmem>>, %arg8: memref<3x10x40xi32, #tpu.memory_space<vmem>>, %arg9: memref<6x40x128xf32, #tpu.memory_space<vmem>>, %arg10: memref<!tpu.dma_semaphore, #tpu.memory_space<semaphore_mem>>, %arg11: memref<!tpu.dma_semaphore, #tpu.memory_space<semaphore_mem>>, %arg12: memref<!tpu.dma_semaphore, #tpu.memory_space<semaphore_mem>>, %arg13: memref<10000x128xf32, #tpu.memory_space<vmem_shared>>) attributes {dimension_semantics = [#tpu.dimension_semantics<core_parallel>, #tpu.dimension_semantics<subcore_parallel>], iteration_bounds = array<i64: 2, 16>, scalar_prefetch = 0 : i64, scratch_operands = 7 : i64, tpu.core_type = #tpu.core_type<sc_vector_subcore>, window_params = [{transform_indices = #map}, {transform_indices = #map1}, {transform_indices = #map1}, {transform_indices = #map}, {transform_indices = #map2}]} {
    %mul3A = arith.constant 16 : i32
    %mul3A_0 = arith.muli %arg0, %mul3A : i32
    %add3A = arith.addi %mul3A_0, %arg1 : i32
    %mul3A_1 = arith.constant 624 : i32
    %mul3A_2 = arith.muli %arg1, %mul3A_1 : i32
    %lt3A = arith.constant 15 : i32
    %lt3A_3 = arith.cmpi slt, %arg1, %lt3A : i32
    %convert_element_type3A = arith.extui %lt3A_3 : i1 to i32
    %cond3A = arith.constant 0 : i32
    %cond3A_4 = arith.cmpi ne, %convert_element_type3A, %cond3A : i32
    scf.if %cond3A_4 {
      "tpu.region"() ({
        %run_scoped3A_215 = tpu.sem_alloc : memref<!tpu.dma_semaphore, #tpu.memory_space<semaphore_mem>>
        %dma_start3A_216 = arith.constant 0 : i32
        %dma_start3A_217 = tpu.memref_slice %arg13[%mul3A_2, %dma_start3A_216] : memref<10000x128xf32, #tpu.memory_space<vmem_shared>> -> memref<624x128xf32, #tpu.memory_space<vmem_shared>>
        %dma_start3A_218 = arith.constant 0 : i32
        %dma_start3A_219 = tpu.memref_slice %arg5[%mul3A_2, %dma_start3A_218] : memref<10000x128xf32, #tpu.memory_space<hbm>> -> memref<624x128xf32, #tpu.memory_space<hbm>>
        tpu.enqueue_dma source(%dma_start3A_219 : memref<624x128xf32, #tpu.memory_space<hbm>>) target(%dma_start3A_217 : memref<624x128xf32, #tpu.memory_space<vmem_shared>>) target_semaphore(%run_scoped3A_215 : memref<!tpu.dma_semaphore, #tpu.memory_space<semaphore_mem>>)
        %dma_wait3A_220 = arith.constant 0 : i32
        %dma_wait3A_221 = tpu.memref_slice %arg13[%mul3A_2, %dma_wait3A_220] : memref<10000x128xf32, #tpu.memory_space<vmem_shared>> -> memref<624x128xf32, #tpu.memory_space<vmem_shared>>
        %dma_wait3A_222 = arith.constant 0 : i32
        %dma_wait3A_223 = tpu.memref_slice %arg5[%mul3A_2, %dma_wait3A_222] : memref<10000x128xf32, #tpu.memory_space<hbm>> -> memref<624x128xf32, #tpu.memory_space<hbm>>
        tpu.wait_dma2 semaphore(%run_scoped3A_215 : memref<!tpu.dma_semaphore, #tpu.memory_space<semaphore_mem>>) src(%dma_wait3A_223 : memref<624x128xf32, #tpu.memory_space<hbm>>) dst(%dma_wait3A_221 : memref<624x128xf32, #tpu.memory_space<vmem_shared>>)
        tpu.yield
      }) : () -> ()
    } else {
    }
    %eq3A = arith.constant 15 : i32
    %eq3A_5 = arith.cmpi eq, %arg1, %eq3A : i32
    %convert_element_type3A_6 = arith.extui %eq3A_5 : i1 to i32
    %cond3A_7 = arith.constant 0 : i32
    %cond3A_8 = arith.cmpi ne, %convert_element_type3A_6, %cond3A_7 : i32
    scf.if %cond3A_8 {
      "tpu.region"() ({
        %run_scoped3A_215 = tpu.sem_alloc : memref<!tpu.dma_semaphore, #tpu.memory_space<semaphore_mem>>
        %dma_start3A_216 = arith.constant 0 : i32
        %dma_start3A_217 = tpu.memref_slice %arg13[%mul3A_2, %dma_start3A_216] : memref<10000x128xf32, #tpu.memory_space<vmem_shared>> -> memref<640x128xf32, #tpu.memory_space<vmem_shared>>
        %dma_start3A_218 = arith.constant 0 : i32
        %dma_start3A_219 = tpu.memref_slice %arg5[%mul3A_2, %dma_start3A_218] : memref<10000x128xf32, #tpu.memory_space<hbm>> -> memref<640x128xf32, #tpu.memory_space<hbm>>
        tpu.enqueue_dma source(%dma_start3A_219 : memref<640x128xf32, #tpu.memory_space<hbm>>) target(%dma_start3A_217 : memref<640x128xf32, #tpu.memory_space<vmem_shared>>) target_semaphore(%run_scoped3A_215 : memref<!tpu.dma_semaphore, #tpu.memory_space<semaphore_mem>>)
        %dma_wait3A_220 = arith.constant 0 : i32
        %dma_wait3A_221 = tpu.memref_slice %arg13[%mul3A_2, %dma_wait3A_220] : memref<10000x128xf32, #tpu.memory_space<vmem_shared>> -> memref<640x128xf32, #tpu.memory_space<vmem_shared>>
        %dma_wait3A_222 = arith.constant 0 : i32
        %dma_wait3A_223 = tpu.memref_slice %arg5[%mul3A_2, %dma_wait3A_222] : memref<10000x128xf32, #tpu.memory_space<hbm>> -> memref<640x128xf32, #tpu.memory_space<hbm>>
        tpu.wait_dma2 semaphore(%run_scoped3A_215 : memref<!tpu.dma_semaphore, #tpu.memory_space<semaphore_mem>>) src(%dma_wait3A_223 : memref<640x128xf32, #tpu.memory_space<hbm>>) dst(%dma_wait3A_221 : memref<640x128xf32, #tpu.memory_space<vmem_shared>>)
        tpu.yield
      }) : () -> ()
    } else {
    }
    %run_scoped3A = arith.constant 0 : i32
    %run_scoped3A_9 = arith.constant 0 : i32
    "tpu.region"() ({
      %run_scoped3A_215 = tpu.sem_alloc : memref<!tpu.dma_semaphore, #tpu.memory_space<semaphore_mem>>
      %dma_start3A_216 = arith.constant 0 : i32
      %dma_start3A_217 = arith.constant 0 : i32
      %dma_start3A_218 = tpu.memref_slice %arg7[%run_scoped3A_9, %dma_start3A_216, %dma_start3A_217] : memref<3x10x40xi32, #tpu.memory_space<vmem>> -> memref<1x10x40xi32, #tpu.memory_space<vmem>>
      %dma_start3A_219 = tpu.memref_squeeze %dma_start3A_218 : memref<1x10x40xi32, #tpu.memory_space<vmem>> -> memref<10x40xi32, #tpu.memory_space<vmem>>
      %dma_start3A_220 = arith.constant 0 : i32
      %dma_start3A_221 = arith.constant 0 : i32
      %dma_start3A_222 = tpu.memref_slice %arg3[%add3A, %run_scoped3A, %dma_start3A_220, %dma_start3A_221] : memref<32x25x10x40xi32, #tpu.memory_space<hbm>> -> memref<1x1x10x40xi32, #tpu.memory_space<hbm>>
      %dma_start3A_223 = tpu.memref_squeeze %dma_start3A_222 : memref<1x1x10x40xi32, #tpu.memory_space<hbm>> -> memref<10x40xi32, #tpu.memory_space<hbm>>
      %dma_start3A_224 = arith.constant 0 : i32
      %dma_start3A_225 = arith.constant 0 : i32
      %dma_start3A_226 = tpu.memref_slice %arg7[%run_scoped3A_9, %dma_start3A_224, %dma_start3A_225] : memref<3x10x40xi32, #tpu.memory_space<vmem>> -> memref<1x10x40xi32, #tpu.memory_space<vmem>>
      %dma_start3A_227 = tpu.memref_squeeze %dma_start3A_226 : memref<1x10x40xi32, #tpu.memory_space<vmem>> -> memref<10x40xi32, #tpu.memory_space<vmem>>
      %dma_start3A_228 = arith.constant 0 : i32
      %dma_start3A_229 = arith.constant 0 : i32
      %dma_start3A_230 = tpu.memref_slice %arg3[%add3A, %run_scoped3A, %dma_start3A_228, %dma_start3A_229] : memref<32x25x10x40xi32, #tpu.memory_space<hbm>> -> memref<1x1x10x40xi32, #tpu.memory_space<hbm>>
      %dma_start3A_231 = tpu.memref_squeeze %dma_start3A_230 : memref<1x1x10x40xi32, #tpu.memory_space<hbm>> -> memref<10x40xi32, #tpu.memory_space<hbm>>
      tpu.enqueue_dma source(%dma_start3A_231 : memref<10x40xi32, #tpu.memory_space<hbm>>) target(%dma_start3A_227 : memref<10x40xi32, #tpu.memory_space<vmem>>) target_semaphore(%run_scoped3A_215 : memref<!tpu.dma_semaphore, #tpu.memory_space<semaphore_mem>>)
      %dma_wait3A_232 = arith.constant 0 : i32
      %dma_wait3A_233 = arith.constant 0 : i32
      %dma_wait3A_234 = tpu.memref_slice %arg7[%run_scoped3A_9, %dma_wait3A_232, %dma_wait3A_233] : memref<3x10x40xi32, #tpu.memory_space<vmem>> -> memref<1x10x40xi32, #tpu.memory_space<vmem>>
      %dma_wait3A_235 = tpu.memref_squeeze %dma_wait3A_234 : memref<1x10x40xi32, #tpu.memory_space<vmem>> -> memref<10x40xi32, #tpu.memory_space<vmem>>
      %dma_wait3A_236 = arith.constant 0 : i32
      %dma_wait3A_237 = arith.constant 0 : i32
      %dma_wait3A_238 = tpu.memref_slice %arg3[%add3A, %run_scoped3A, %dma_wait3A_236, %dma_wait3A_237] : memref<32x25x10x40xi32, #tpu.memory_space<hbm>> -> memref<1x1x10x40xi32, #tpu.memory_space<hbm>>
      %dma_wait3A_239 = tpu.memref_squeeze %dma_wait3A_238 : memref<1x1x10x40xi32, #tpu.memory_space<hbm>> -> memref<10x40xi32, #tpu.memory_space<hbm>>
      %dma_wait3A_240 = arith.constant 0 : i32
      %dma_wait3A_241 = arith.constant 0 : i32
      %dma_wait3A_242 = tpu.memref_slice %arg7[%run_scoped3A_9, %dma_wait3A_240, %dma_wait3A_241] : memref<3x10x40xi32, #tpu.memory_space<vmem>> -> memref<1x10x40xi32, #tpu.memory_space<vmem>>
      %dma_wait3A_243 = tpu.memref_squeeze %dma_wait3A_242 : memref<1x10x40xi32, #tpu.memory_space<vmem>> -> memref<10x40xi32, #tpu.memory_space<vmem>>
      %dma_wait3A_244 = arith.constant 0 : i32
      %dma_wait3A_245 = arith.constant 0 : i32
      %dma_wait3A_246 = tpu.memref_slice %arg3[%add3A, %run_scoped3A, %dma_wait3A_244, %dma_wait3A_245] : memref<32x25x10x40xi32, #tpu.memory_space<hbm>> -> memref<1x1x10x40xi32, #tpu.memory_space<hbm>>
      %dma_wait3A_247 = tpu.memref_squeeze %dma_wait3A_246 : memref<1x1x10x40xi32, #tpu.memory_space<hbm>> -> memref<10x40xi32, #tpu.memory_space<hbm>>
      tpu.wait_dma2 semaphore(%run_scoped3A_215 : memref<!tpu.dma_semaphore, #tpu.memory_space<semaphore_mem>>) src(%dma_wait3A_247 : memref<10x40xi32, #tpu.memory_space<hbm>>) dst(%dma_wait3A_243 : memref<10x40xi32, #tpu.memory_space<vmem>>)
      tpu.yield
    }) : () -> ()
    %run_scoped3A_10 = arith.constant 0 : i32
    %run_scoped3A_11 = arith.constant 0 : i32
    "tpu.region"() ({
      %run_scoped3A_215 = tpu.sem_alloc : memref<!tpu.dma_semaphore, #tpu.memory_space<semaphore_mem>>
      %dma_start3A_216 = arith.constant 0 : i32
      %dma_start3A_217 = arith.constant 0 : i32
      %dma_start3A_218 = tpu.memref_slice %arg8[%run_scoped3A_11, %dma_start3A_216, %dma_start3A_217] : memref<3x10x40xi32, #tpu.memory_space<vmem>> -> memref<1x10x40xi32, #tpu.memory_space<vmem>>
      %dma_start3A_219 = tpu.memref_squeeze %dma_start3A_218 : memref<1x10x40xi32, #tpu.memory_space<vmem>> -> memref<10x40xi32, #tpu.memory_space<vmem>>
      %dma_start3A_220 = arith.constant 0 : i32
      %dma_start3A_221 = arith.constant 0 : i32
      %dma_start3A_222 = tpu.memref_slice %arg4[%add3A, %run_scoped3A_10, %dma_start3A_220, %dma_start3A_221] : memref<32x25x10x40xi32, #tpu.memory_space<hbm>> -> memref<1x1x10x40xi32, #tpu.memory_space<hbm>>
      %dma_start3A_223 = tpu.memref_squeeze %dma_start3A_222 : memref<1x1x10x40xi32, #tpu.memory_space<hbm>> -> memref<10x40xi32, #tpu.memory_space<hbm>>
      %dma_start3A_224 = arith.constant 0 : i32
      %dma_start3A_225 = arith.constant 0 : i32
      %dma_start3A_226 = tpu.memref_slice %arg8[%run_scoped3A_11, %dma_start3A_224, %dma_start3A_225] : memref<3x10x40xi32, #tpu.memory_space<vmem>> -> memref<1x10x40xi32, #tpu.memory_space<vmem>>
      %dma_start3A_227 = tpu.memref_squeeze %dma_start3A_226 : memref<1x10x40xi32, #tpu.memory_space<vmem>> -> memref<10x40xi32, #tpu.memory_space<vmem>>
      %dma_start3A_228 = arith.constant 0 : i32
      %dma_start3A_229 = arith.constant 0 : i32
      %dma_start3A_230 = tpu.memref_slice %arg4[%add3A, %run_scoped3A_10, %dma_start3A_228, %dma_start3A_229] : memref<32x25x10x40xi32, #tpu.memory_space<hbm>> -> memref<1x1x10x40xi32, #tpu.memory_space<hbm>>
      %dma_start3A_231 = tpu.memref_squeeze %dma_start3A_230 : memref<1x1x10x40xi32, #tpu.memory_space<hbm>> -> memref<10x40xi32, #tpu.memory_space<hbm>>
      tpu.enqueue_dma source(%dma_start3A_231 : memref<10x40xi32, #tpu.memory_space<hbm>>) target(%dma_start3A_227 : memref<10x40xi32, #tpu.memory_space<vmem>>) target_semaphore(%run_scoped3A_215 : memref<!tpu.dma_semaphore, #tpu.memory_space<semaphore_mem>>)
      %dma_wait3A_232 = arith.constant 0 : i32
      %dma_wait3A_233 = arith.constant 0 : i32
      %dma_wait3A_234 = tpu.memref_slice %arg8[%run_scoped3A_11, %dma_wait3A_232, %dma_wait3A_233] : memref<3x10x40xi32, #tpu.memory_space<vmem>> -> memref<1x10x40xi32, #tpu.memory_space<vmem>>
      %dma_wait3A_235 = tpu.memref_squeeze %dma_wait3A_234 : memref<1x10x40xi32, #tpu.memory_space<vmem>> -> memref<10x40xi32, #tpu.memory_space<vmem>>
      %dma_wait3A_236 = arith.constant 0 : i32
      %dma_wait3A_237 = arith.constant 0 : i32
      %dma_wait3A_238 = tpu.memref_slice %arg4[%add3A, %run_scoped3A_10, %dma_wait3A_236, %dma_wait3A_237] : memref<32x25x10x40xi32, #tpu.memory_space<hbm>> -> memref<1x1x10x40xi32, #tpu.memory_space<hbm>>
      %dma_wait3A_239 = tpu.memref_squeeze %dma_wait3A_238 : memref<1x1x10x40xi32, #tpu.memory_space<hbm>> -> memref<10x40xi32, #tpu.memory_space<hbm>>
      %dma_wait3A_240 = arith.constant 0 : i32
      %dma_wait3A_241 = arith.constant 0 : i32
      %dma_wait3A_242 = tpu.memref_slice %arg8[%run_scoped3A_11, %dma_wait3A_240, %dma_wait3A_241] : memref<3x10x40xi32, #tpu.memory_space<vmem>> -> memref<1x10x40xi32, #tpu.memory_space<vmem>>
      %dma_wait3A_243 = tpu.memref_squeeze %dma_wait3A_242 : memref<1x10x40xi32, #tpu.memory_space<vmem>> -> memref<10x40xi32, #tpu.memory_space<vmem>>
      %dma_wait3A_244 = arith.constant 0 : i32
      %dma_wait3A_245 = arith.constant 0 : i32
      %dma_wait3A_246 = tpu.memref_slice %arg4[%add3A, %run_scoped3A_10, %dma_wait3A_244, %dma_wait3A_245] : memref<32x25x10x40xi32, #tpu.memory_space<hbm>> -> memref<1x1x10x40xi32, #tpu.memory_space<hbm>>
      %dma_wait3A_247 = tpu.memref_squeeze %dma_wait3A_246 : memref<1x1x10x40xi32, #tpu.memory_space<hbm>> -> memref<10x40xi32, #tpu.memory_space<hbm>>
      tpu.wait_dma2 semaphore(%run_scoped3A_215 : memref<!tpu.dma_semaphore, #tpu.memory_space<semaphore_mem>>) src(%dma_wait3A_247 : memref<10x40xi32, #tpu.memory_space<hbm>>) dst(%dma_wait3A_243 : memref<10x40xi32, #tpu.memory_space<vmem>>)
      tpu.yield
    }) : () -> ()
    %barrier3A = arith.constant 0 : index
    tpu.barrier barrier_id(%barrier3A)
    %dma_start3A = arith.constant 1 : i32
    %dma_start3A_12 = arith.constant 1 : i32
    %dma_start3A_13 = arith.constant 0 : i32
    %dma_start3A_14 = arith.constant 0 : i32
    %dma_start3A_15 = tpu.memref_slice %arg7[%dma_start3A_12, %dma_start3A_13, %dma_start3A_14] : memref<3x10x40xi32, #tpu.memory_space<vmem>> -> memref<1x10x40xi32, #tpu.memory_space<vmem>>
    %dma_start3A_16 = tpu.memref_squeeze %dma_start3A_15 : memref<1x10x40xi32, #tpu.memory_space<vmem>> -> memref<10x40xi32, #tpu.memory_space<vmem>>
    %dma_start3A_17 = arith.constant 0 : i32
    %dma_start3A_18 = arith.constant 0 : i32
    %dma_start3A_19 = tpu.memref_slice %arg3[%add3A, %dma_start3A, %dma_start3A_17, %dma_start3A_18] : memref<32x25x10x40xi32, #tpu.memory_space<hbm>> -> memref<1x1x10x40xi32, #tpu.memory_space<hbm>>
    %dma_start3A_20 = tpu.memref_squeeze %dma_start3A_19 : memref<1x1x10x40xi32, #tpu.memory_space<hbm>> -> memref<10x40xi32, #tpu.memory_space<hbm>>
    %dma_start3A_21 = arith.constant 0 : i32
    %dma_start3A_22 = arith.constant 0 : i32
    %dma_start3A_23 = tpu.memref_slice %arg7[%dma_start3A_12, %dma_start3A_21, %dma_start3A_22] : memref<3x10x40xi32, #tpu.memory_space<vmem>> -> memref<1x10x40xi32, #tpu.memory_space<vmem>>
    %dma_start3A_24 = tpu.memref_squeeze %dma_start3A_23 : memref<1x10x40xi32, #tpu.memory_space<vmem>> -> memref<10x40xi32, #tpu.memory_space<vmem>>
    %dma_start3A_25 = arith.constant 0 : i32
    %dma_start3A_26 = arith.constant 0 : i32
    %dma_start3A_27 = tpu.memref_slice %arg3[%add3A, %dma_start3A, %dma_start3A_25, %dma_start3A_26] : memref<32x25x10x40xi32, #tpu.memory_space<hbm>> -> memref<1x1x10x40xi32, #tpu.memory_space<hbm>>
    %dma_start3A_28 = tpu.memref_squeeze %dma_start3A_27 : memref<1x1x10x40xi32, #tpu.memory_space<hbm>> -> memref<10x40xi32, #tpu.memory_space<hbm>>
    tpu.enqueue_dma source(%dma_start3A_28 : memref<10x40xi32, #tpu.memory_space<hbm>>) target(%dma_start3A_24 : memref<10x40xi32, #tpu.memory_space<vmem>>) target_semaphore(%arg11 : memref<!tpu.dma_semaphore, #tpu.memory_space<semaphore_mem>>)
    %dma_start3A_29 = arith.constant 1 : i32
    %dma_start3A_30 = arith.constant 1 : i32
    %dma_start3A_31 = arith.constant 0 : i32
    %dma_start3A_32 = arith.constant 0 : i32
    %dma_start3A_33 = tpu.memref_slice %arg8[%dma_start3A_30, %dma_start3A_31, %dma_start3A_32] : memref<3x10x40xi32, #tpu.memory_space<vmem>> -> memref<1x10x40xi32, #tpu.memory_space<vmem>>
    %dma_start3A_34 = tpu.memref_squeeze %dma_start3A_33 : memref<1x10x40xi32, #tpu.memory_space<vmem>> -> memref<10x40xi32, #tpu.memory_space<vmem>>
    %dma_start3A_35 = arith.constant 0 : i32
    %dma_start3A_36 = arith.constant 0 : i32
    %dma_start3A_37 = tpu.memref_slice %arg4[%add3A, %dma_start3A_29, %dma_start3A_35, %dma_start3A_36] : memref<32x25x10x40xi32, #tpu.memory_space<hbm>> -> memref<1x1x10x40xi32, #tpu.memory_space<hbm>>
    %dma_start3A_38 = tpu.memref_squeeze %dma_start3A_37 : memref<1x1x10x40xi32, #tpu.memory_space<hbm>> -> memref<10x40xi32, #tpu.memory_space<hbm>>
    %dma_start3A_39 = arith.constant 0 : i32
    %dma_start3A_40 = arith.constant 0 : i32
    %dma_start3A_41 = tpu.memref_slice %arg8[%dma_start3A_30, %dma_start3A_39, %dma_start3A_40] : memref<3x10x40xi32, #tpu.memory_space<vmem>> -> memref<1x10x40xi32, #tpu.memory_space<vmem>>
    %dma_start3A_42 = tpu.memref_squeeze %dma_start3A_41 : memref<1x10x40xi32, #tpu.memory_space<vmem>> -> memref<10x40xi32, #tpu.memory_space<vmem>>
    %dma_start3A_43 = arith.constant 0 : i32
    %dma_start3A_44 = arith.constant 0 : i32
    %dma_start3A_45 = tpu.memref_slice %arg4[%add3A, %dma_start3A_29, %dma_start3A_43, %dma_start3A_44] : memref<32x25x10x40xi32, #tpu.memory_space<hbm>> -> memref<1x1x10x40xi32, #tpu.memory_space<hbm>>
    %dma_start3A_46 = tpu.memref_squeeze %dma_start3A_45 : memref<1x1x10x40xi32, #tpu.memory_space<hbm>> -> memref<10x40xi32, #tpu.memory_space<hbm>>
    tpu.enqueue_dma source(%dma_start3A_46 : memref<10x40xi32, #tpu.memory_space<hbm>>) target(%dma_start3A_42 : memref<10x40xi32, #tpu.memory_space<vmem>>) target_semaphore(%arg11 : memref<!tpu.dma_semaphore, #tpu.memory_space<semaphore_mem>>)
    %dma_start3A_47 = arith.constant 0 : i32
    %dma_start3A_48 = arith.constant 0 : i32
    %dma_start3A_49 = arith.constant 0 : i32
    %dma_start3A_50 = arith.constant 0 : i32
    %dma_start3A_51 = arith.constant 0 : i32
    %dma_start3A_52 = tpu.memref_slice %arg9[%dma_start3A_49, %dma_start3A_50, %dma_start3A_51] : memref<6x40x128xf32, #tpu.memory_space<vmem>> -> memref<1x40x128xf32, #tpu.memory_space<vmem>>
    %dma_start3A_53 = tpu.memref_squeeze %dma_start3A_52 : memref<1x40x128xf32, #tpu.memory_space<vmem>> -> memref<40x128xf32, #tpu.memory_space<vmem>>
    %dma_start3A_54 = arith.constant 0 : i32
    %dma_start3A_55 = tpu.memref_slice %arg7[%dma_start3A_47, %dma_start3A_48, %dma_start3A_54] : memref<3x10x40xi32, #tpu.memory_space<vmem>> -> memref<1x1x40xi32, #tpu.memory_space<vmem>>
    %dma_start3A_56 = tpu.memref_squeeze %dma_start3A_55 : memref<1x1x40xi32, #tpu.memory_space<vmem>> -> memref<40xi32, #tpu.memory_space<vmem>>
    %dma_start3A_57 = arith.constant 0 : i32
    %dma_start3A_58 = arith.constant 0 : i32
    %dma_start3A_59 = tpu.memref_slice %arg2[%dma_start3A_57, %dma_start3A_58] : memref<10000x128xf32, #tpu.memory_space<hbm>> -> memref<10000x128xf32, #tpu.memory_space<hbm>>
    tpu.enqueue_indirect_dma source(%dma_start3A_59 : memref<10000x128xf32, #tpu.memory_space<hbm>>) target(%dma_start3A_53 : memref<40x128xf32, #tpu.memory_space<vmem>>) offsets(%dma_start3A_56 : memref<40xi32, #tpu.memory_space<vmem>>) semaphore(%arg10 : memref<!tpu.dma_semaphore, #tpu.memory_space<semaphore_mem>>)
    %dma_start3A_60 = arith.constant 0 : i32
    %dma_start3A_61 = arith.constant 1 : i32
    %dma_start3A_62 = arith.constant 1 : i32
    %dma_start3A_63 = arith.constant 0 : i32
    %dma_start3A_64 = arith.constant 0 : i32
    %dma_start3A_65 = tpu.memref_slice %arg9[%dma_start3A_62, %dma_start3A_63, %dma_start3A_64] : memref<6x40x128xf32, #tpu.memory_space<vmem>> -> memref<1x40x128xf32, #tpu.memory_space<vmem>>
    %dma_start3A_66 = tpu.memref_squeeze %dma_start3A_65 : memref<1x40x128xf32, #tpu.memory_space<vmem>> -> memref<40x128xf32, #tpu.memory_space<vmem>>
    %dma_start3A_67 = arith.constant 0 : i32
    %dma_start3A_68 = tpu.memref_slice %arg7[%dma_start3A_60, %dma_start3A_61, %dma_start3A_67] : memref<3x10x40xi32, #tpu.memory_space<vmem>> -> memref<1x1x40xi32, #tpu.memory_space<vmem>>
    %dma_start3A_69 = tpu.memref_squeeze %dma_start3A_68 : memref<1x1x40xi32, #tpu.memory_space<vmem>> -> memref<40xi32, #tpu.memory_space<vmem>>
    %dma_start3A_70 = arith.constant 0 : i32
    %dma_start3A_71 = arith.constant 0 : i32
    %dma_start3A_72 = tpu.memref_slice %arg2[%dma_start3A_70, %dma_start3A_71] : memref<10000x128xf32, #tpu.memory_space<hbm>> -> memref<10000x128xf32, #tpu.memory_space<hbm>>
    tpu.enqueue_indirect_dma source(%dma_start3A_72 : memref<10000x128xf32, #tpu.memory_space<hbm>>) target(%dma_start3A_66 : memref<40x128xf32, #tpu.memory_space<vmem>>) offsets(%dma_start3A_69 : memref<40xi32, #tpu.memory_space<vmem>>) semaphore(%arg10 : memref<!tpu.dma_semaphore, #tpu.memory_space<semaphore_mem>>)
    %dma_start3A_73 = arith.constant 0 : i32
    %dma_start3A_74 = arith.constant 2 : i32
    %dma_start3A_75 = arith.constant 2 : i32
    %dma_start3A_76 = arith.constant 0 : i32
    %dma_start3A_77 = arith.constant 0 : i32
    %dma_start3A_78 = tpu.memref_slice %arg9[%dma_start3A_75, %dma_start3A_76, %dma_start3A_77] : memref<6x40x128xf32, #tpu.memory_space<vmem>> -> memref<1x40x128xf32, #tpu.memory_space<vmem>>
    %dma_start3A_79 = tpu.memref_squeeze %dma_start3A_78 : memref<1x40x128xf32, #tpu.memory_space<vmem>> -> memref<40x128xf32, #tpu.memory_space<vmem>>
    %dma_start3A_80 = arith.constant 0 : i32
    %dma_start3A_81 = tpu.memref_slice %arg7[%dma_start3A_73, %dma_start3A_74, %dma_start3A_80] : memref<3x10x40xi32, #tpu.memory_space<vmem>> -> memref<1x1x40xi32, #tpu.memory_space<vmem>>
    %dma_start3A_82 = tpu.memref_squeeze %dma_start3A_81 : memref<1x1x40xi32, #tpu.memory_space<vmem>> -> memref<40xi32, #tpu.memory_space<vmem>>
    %dma_start3A_83 = arith.constant 0 : i32
    %dma_start3A_84 = arith.constant 0 : i32
    %dma_start3A_85 = tpu.memref_slice %arg2[%dma_start3A_83, %dma_start3A_84] : memref<10000x128xf32, #tpu.memory_space<hbm>> -> memref<10000x128xf32, #tpu.memory_space<hbm>>
    tpu.enqueue_indirect_dma source(%dma_start3A_85 : memref<10000x128xf32, #tpu.memory_space<hbm>>) target(%dma_start3A_79 : memref<40x128xf32, #tpu.memory_space<vmem>>) offsets(%dma_start3A_82 : memref<40xi32, #tpu.memory_space<vmem>>) semaphore(%arg10 : memref<!tpu.dma_semaphore, #tpu.memory_space<semaphore_mem>>)
    %scan3A = arith.constant 0 : i32
    %scan3A_86 = arith.constant 0 : i32
    %scan3A_87 = arith.constant 250 : i32
    %scan3A_88 = arith.addi %scan3A_86, %scan3A_87 : i32
    %scan3A_89 = arith.constant 1 : i32
    scf.for %scan3A_215 = %scan3A_86 to %scan3A_88 step %scan3A_89  : i32 {
      %rem3A_216 = arith.constant 6 : i32
      %rem3A_217 = arith.remsi %scan3A_215, %rem3A_216 : i32
      %div3A_218 = arith.constant 10 : i32
      %div3A_219 = arith.divsi %scan3A_215, %div3A_218 : i32
      %rem3A_220 = arith.constant 10 : i32
      %rem3A_221 = arith.remsi %scan3A_215, %rem3A_220 : i32
      %rem3A_222 = arith.constant 3 : i32
      %rem3A_223 = arith.remsi %div3A_219, %rem3A_222 : i32
      %dma_wait3A_224 = arith.constant 0 : i32
      %dma_wait3A_225 = arith.constant 0 : i32
      %dma_wait3A_226 = tpu.memref_slice %arg9[%rem3A_217, %dma_wait3A_224, %dma_wait3A_225] : memref<6x40x128xf32, #tpu.memory_space<vmem>> -> memref<1x40x128xf32, #tpu.memory_space<vmem>>
      %dma_wait3A_227 = tpu.memref_squeeze %dma_wait3A_226 : memref<1x40x128xf32, #tpu.memory_space<vmem>> -> memref<40x128xf32, #tpu.memory_space<vmem>>
      %dma_wait3A_228 = arith.constant 0 : i32
      %dma_wait3A_229 = tpu.memref_slice %arg7[%rem3A_223, %rem3A_221, %dma_wait3A_228] : memref<3x10x40xi32, #tpu.memory_space<vmem>> -> memref<1x1x40xi32, #tpu.memory_space<vmem>>
      %dma_wait3A_230 = tpu.memref_squeeze %dma_wait3A_229 : memref<1x1x40xi32, #tpu.memory_space<vmem>> -> memref<40xi32, #tpu.memory_space<vmem>>
      %dma_wait3A_231 = arith.constant 0 : i32
      %dma_wait3A_232 = arith.constant 0 : i32
      %dma_wait3A_233 = tpu.memref_slice %arg2[%dma_wait3A_231, %dma_wait3A_232] : memref<10000x128xf32, #tpu.memory_space<hbm>> -> memref<10000x128xf32, #tpu.memory_space<hbm>>
      tpu.wait_indirect_dma semaphore(%arg10 : memref<!tpu.dma_semaphore, #tpu.memory_space<semaphore_mem>>) src(%dma_wait3A_233 : memref<10000x128xf32, #tpu.memory_space<hbm>>) dst(%dma_wait3A_227 : memref<40x128xf32, #tpu.memory_space<vmem>>)
      %div3A_234 = arith.constant 10 : i32
      %div3A_235 = arith.divsi %scan3A_215, %div3A_234 : i32
      %rem3A_236 = arith.constant 3 : i32
      %rem3A_237 = arith.remsi %div3A_235, %rem3A_236 : i32
      %rem3A_238 = arith.constant 10 : i32
      %rem3A_239 = arith.remsi %scan3A_215, %rem3A_238 : i32
      %dma_start3A_240 = arith.constant 0 : i32
      %dma_start3A_241 = arith.constant 0 : i32
      %dma_start3A_242 = tpu.memref_slice %arg9[%rem3A_217, %dma_start3A_240, %dma_start3A_241] : memref<6x40x128xf32, #tpu.memory_space<vmem>> -> memref<1x40x128xf32, #tpu.memory_space<vmem>>
      %dma_start3A_243 = tpu.memref_squeeze %dma_start3A_242 : memref<1x40x128xf32, #tpu.memory_space<vmem>> -> memref<40x128xf32, #tpu.memory_space<vmem>>
      %dma_start3A_244 = arith.constant 0 : i32
      %dma_start3A_245 = tpu.memref_slice %arg8[%rem3A_237, %rem3A_239, %dma_start3A_244] : memref<3x10x40xi32, #tpu.memory_space<vmem>> -> memref<1x1x40xi32, #tpu.memory_space<vmem>>
      %dma_start3A_246 = tpu.memref_squeeze %dma_start3A_245 : memref<1x1x40xi32, #tpu.memory_space<vmem>> -> memref<40xi32, #tpu.memory_space<vmem>>
      %dma_start3A_247 = arith.constant 0 : i32
      %dma_start3A_248 = arith.constant 0 : i32
      %dma_start3A_249 = tpu.memref_slice %arg13[%dma_start3A_247, %dma_start3A_248] : memref<10000x128xf32, #tpu.memory_space<vmem_shared>> -> memref<10000x128xf32, #tpu.memory_space<vmem_shared>>
      tpu.enqueue_indirect_dma source(%dma_start3A_243 : memref<40x128xf32, #tpu.memory_space<vmem>>) target(%dma_start3A_249 : memref<10000x128xf32, #tpu.memory_space<vmem_shared>>) offsets(%dma_start3A_246 : memref<40xi32, #tpu.memory_space<vmem>>) semaphore(%arg12 : memref<!tpu.dma_semaphore, #tpu.memory_space<semaphore_mem>>) {add = true}
      %add3A_250 = arith.constant 3 : i32
      %add3A_251 = arith.addi %scan3A_215, %add3A_250 : i32
      %div3A_252 = arith.constant 10 : i32
      %div3A_253 = arith.divsi %add3A_251, %div3A_252 : i32
      %rem3A_254 = arith.constant 10 : i32
      %rem3A_255 = arith.remsi %add3A_251, %rem3A_254 : i32
      %rem3A_256 = arith.constant 6 : i32
      %rem3A_257 = arith.remsi %add3A_251, %rem3A_256 : i32
      %lt3A_258 = arith.constant 250 : i32
      %lt3A_259 = arith.cmpi slt, %add3A_251, %lt3A_258 : i32
      %convert_element_type3A_260 = arith.extui %lt3A_259 : i1 to i32
      %cond3A_261 = arith.constant 0 : i32
      %cond3A_262 = arith.cmpi ne, %convert_element_type3A_260, %cond3A_261 : i32
      scf.if %cond3A_262 {
        %ge3A = arith.constant 3 : i32
        %ge3A_263 = arith.cmpi sge, %scan3A_215, %ge3A : i32
        %convert_element_type3A_264 = arith.extui %ge3A_263 : i1 to i32
        %cond3A_265 = arith.constant 0 : i32
        %cond3A_266 = arith.cmpi ne, %convert_element_type3A_264, %cond3A_265 : i32
        scf.if %cond3A_266 {
          %sub3A = arith.constant 3 : i32
          %sub3A_293 = arith.subi %scan3A_215, %sub3A : i32
          %div3A_294 = arith.constant 10 : i32
          %div3A_295 = arith.divsi %sub3A_293, %div3A_294 : i32
          %rem3A_296 = arith.constant 10 : i32
          %rem3A_297 = arith.remsi %sub3A_293, %rem3A_296 : i32
          %rem3A_298 = arith.constant 3 : i32
          %rem3A_299 = arith.remsi %div3A_295, %rem3A_298 : i32
          %dma_wait3A_300 = arith.constant 0 : i32
          %dma_wait3A_301 = arith.constant 0 : i32
          %dma_wait3A_302 = tpu.memref_slice %arg9[%rem3A_257, %dma_wait3A_300, %dma_wait3A_301] : memref<6x40x128xf32, #tpu.memory_space<vmem>> -> memref<1x40x128xf32, #tpu.memory_space<vmem>>
          %dma_wait3A_303 = tpu.memref_squeeze %dma_wait3A_302 : memref<1x40x128xf32, #tpu.memory_space<vmem>> -> memref<40x128xf32, #tpu.memory_space<vmem>>
          %dma_wait3A_304 = arith.constant 0 : i32
          %dma_wait3A_305 = tpu.memref_slice %arg8[%rem3A_299, %rem3A_297, %dma_wait3A_304] : memref<3x10x40xi32, #tpu.memory_space<vmem>> -> memref<1x1x40xi32, #tpu.memory_space<vmem>>
          %dma_wait3A_306 = tpu.memref_squeeze %dma_wait3A_305 : memref<1x1x40xi32, #tpu.memory_space<vmem>> -> memref<40xi32, #tpu.memory_space<vmem>>
          %dma_wait3A_307 = arith.constant 0 : i32
          %dma_wait3A_308 = arith.constant 0 : i32
          %dma_wait3A_309 = tpu.memref_slice %arg13[%dma_wait3A_307, %dma_wait3A_308] : memref<10000x128xf32, #tpu.memory_space<vmem_shared>> -> memref<10000x128xf32, #tpu.memory_space<vmem_shared>>
          tpu.wait_indirect_dma semaphore(%arg12 : memref<!tpu.dma_semaphore, #tpu.memory_space<semaphore_mem>>) src(%dma_wait3A_303 : memref<40x128xf32, #tpu.memory_space<vmem>>) dst(%dma_wait3A_309 : memref<10000x128xf32, #tpu.memory_space<vmem_shared>>)
        } else {
        }
        %eq3A_267 = arith.constant 0 : i32
        %eq3A_268 = arith.cmpi eq, %rem3A_255, %eq3A_267 : i32
        %convert_element_type3A_269 = arith.extui %eq3A_268 : i1 to i32
        %cond3A_270 = arith.constant 0 : i32
        %cond3A_271 = arith.cmpi ne, %convert_element_type3A_269, %cond3A_270 : i32
        scf.if %cond3A_271 {
          %rem3A_293 = arith.constant 3 : i32
          %rem3A_294 = arith.remsi %div3A_253, %rem3A_293 : i32
          %dma_wait3A_295 = arith.constant 0 : i32
          %dma_wait3A_296 = arith.constant 0 : i32
          %dma_wait3A_297 = tpu.memref_slice %arg7[%rem3A_294, %dma_wait3A_295, %dma_wait3A_296] : memref<3x10x40xi32, #tpu.memory_space<vmem>> -> memref<1x10x40xi32, #tpu.memory_space<vmem>>
          %dma_wait3A_298 = tpu.memref_squeeze %dma_wait3A_297 : memref<1x10x40xi32, #tpu.memory_space<vmem>> -> memref<10x40xi32, #tpu.memory_space<vmem>>
          %dma_wait3A_299 = arith.constant 0 : i32
          %dma_wait3A_300 = arith.constant 0 : i32
          %dma_wait3A_301 = tpu.memref_slice %arg3[%add3A, %div3A_253, %dma_wait3A_299, %dma_wait3A_300] : memref<32x25x10x40xi32, #tpu.memory_space<hbm>> -> memref<1x1x10x40xi32, #tpu.memory_space<hbm>>
          %dma_wait3A_302 = tpu.memref_squeeze %dma_wait3A_301 : memref<1x1x10x40xi32, #tpu.memory_space<hbm>> -> memref<10x40xi32, #tpu.memory_space<hbm>>
          %dma_wait3A_303 = arith.constant 0 : i32
          %dma_wait3A_304 = arith.constant 0 : i32
          %dma_wait3A_305 = tpu.memref_slice %arg7[%rem3A_294, %dma_wait3A_303, %dma_wait3A_304] : memref<3x10x40xi32, #tpu.memory_space<vmem>> -> memref<1x10x40xi32, #tpu.memory_space<vmem>>
          %dma_wait3A_306 = tpu.memref_squeeze %dma_wait3A_305 : memref<1x10x40xi32, #tpu.memory_space<vmem>> -> memref<10x40xi32, #tpu.memory_space<vmem>>
          %dma_wait3A_307 = arith.constant 0 : i32
          %dma_wait3A_308 = arith.constant 0 : i32
          %dma_wait3A_309 = tpu.memref_slice %arg3[%add3A, %div3A_253, %dma_wait3A_307, %dma_wait3A_308] : memref<32x25x10x40xi32, #tpu.memory_space<hbm>> -> memref<1x1x10x40xi32, #tpu.memory_space<hbm>>
          %dma_wait3A_310 = tpu.memref_squeeze %dma_wait3A_309 : memref<1x1x10x40xi32, #tpu.memory_space<hbm>> -> memref<10x40xi32, #tpu.memory_space<hbm>>
          tpu.wait_dma2 semaphore(%arg11 : memref<!tpu.dma_semaphore, #tpu.memory_space<semaphore_mem>>) src(%dma_wait3A_310 : memref<10x40xi32, #tpu.memory_space<hbm>>) dst(%dma_wait3A_306 : memref<10x40xi32, #tpu.memory_space<vmem>>)
          %dma_wait3A_311 = arith.constant 0 : i32
          %dma_wait3A_312 = arith.constant 0 : i32
          %dma_wait3A_313 = tpu.memref_slice %arg8[%rem3A_294, %dma_wait3A_311, %dma_wait3A_312] : memref<3x10x40xi32, #tpu.memory_space<vmem>> -> memref<1x10x40xi32, #tpu.memory_space<vmem>>
          %dma_wait3A_314 = tpu.memref_squeeze %dma_wait3A_313 : memref<1x10x40xi32, #tpu.memory_space<vmem>> -> memref<10x40xi32, #tpu.memory_space<vmem>>
          %dma_wait3A_315 = arith.constant 0 : i32
          %dma_wait3A_316 = arith.constant 0 : i32
          %dma_wait3A_317 = tpu.memref_slice %arg4[%add3A, %div3A_253, %dma_wait3A_315, %dma_wait3A_316] : memref<32x25x10x40xi32, #tpu.memory_space<hbm>> -> memref<1x1x10x40xi32, #tpu.memory_space<hbm>>
          %dma_wait3A_318 = tpu.memref_squeeze %dma_wait3A_317 : memref<1x1x10x40xi32, #tpu.memory_space<hbm>> -> memref<10x40xi32, #tpu.memory_space<hbm>>
          %dma_wait3A_319 = arith.constant 0 : i32
          %dma_wait3A_320 = arith.constant 0 : i32
          %dma_wait3A_321 = tpu.memref_slice %arg8[%rem3A_294, %dma_wait3A_319, %dma_wait3A_320] : memref<3x10x40xi32, #tpu.memory_space<vmem>> -> memref<1x10x40xi32, #tpu.memory_space<vmem>>
          %dma_wait3A_322 = tpu.memref_squeeze %dma_wait3A_321 : memref<1x10x40xi32, #tpu.memory_space<vmem>> -> memref<10x40xi32, #tpu.memory_space<vmem>>
          %dma_wait3A_323 = arith.constant 0 : i32
          %dma_wait3A_324 = arith.constant 0 : i32
          %dma_wait3A_325 = tpu.memref_slice %arg4[%add3A, %div3A_253, %dma_wait3A_323, %dma_wait3A_324] : memref<32x25x10x40xi32, #tpu.memory_space<hbm>> -> memref<1x1x10x40xi32, #tpu.memory_space<hbm>>
          %dma_wait3A_326 = tpu.memref_squeeze %dma_wait3A_325 : memref<1x1x10x40xi32, #tpu.memory_space<hbm>> -> memref<10x40xi32, #tpu.memory_space<hbm>>
          tpu.wait_dma2 semaphore(%arg11 : memref<!tpu.dma_semaphore, #tpu.memory_space<semaphore_mem>>) src(%dma_wait3A_326 : memref<10x40xi32, #tpu.memory_space<hbm>>) dst(%dma_wait3A_322 : memref<10x40xi32, #tpu.memory_space<vmem>>)
        } else {
        }
        %rem3A_272 = arith.constant 3 : i32
        %rem3A_273 = arith.remsi %div3A_253, %rem3A_272 : i32
        %dma_start3A_274 = arith.constant 0 : i32
        %dma_start3A_275 = arith.constant 0 : i32
        %dma_start3A_276 = tpu.memref_slice %arg9[%rem3A_257, %dma_start3A_274, %dma_start3A_275] : memref<6x40x128xf32, #tpu.memory_space<vmem>> -> memref<1x40x128xf32, #tpu.memory_space<vmem>>
        %dma_start3A_277 = tpu.memref_squeeze %dma_start3A_276 : memref<1x40x128xf32, #tpu.memory_space<vmem>> -> memref<40x128xf32, #tpu.memory_space<vmem>>
        %dma_start3A_278 = arith.constant 0 : i32
        %dma_start3A_279 = tpu.memref_slice %arg7[%rem3A_273, %rem3A_255, %dma_start3A_278] : memref<3x10x40xi32, #tpu.memory_space<vmem>> -> memref<1x1x40xi32, #tpu.memory_space<vmem>>
        %dma_start3A_280 = tpu.memref_squeeze %dma_start3A_279 : memref<1x1x40xi32, #tpu.memory_space<vmem>> -> memref<40xi32, #tpu.memory_space<vmem>>
        %dma_start3A_281 = arith.constant 0 : i32
        %dma_start3A_282 = arith.constant 0 : i32
        %dma_start3A_283 = tpu.memref_slice %arg2[%dma_start3A_281, %dma_start3A_282] : memref<10000x128xf32, #tpu.memory_space<hbm>> -> memref<10000x128xf32, #tpu.memory_space<hbm>>
        tpu.enqueue_indirect_dma source(%dma_start3A_283 : memref<10000x128xf32, #tpu.memory_space<hbm>>) target(%dma_start3A_277 : memref<40x128xf32, #tpu.memory_space<vmem>>) offsets(%dma_start3A_280 : memref<40xi32, #tpu.memory_space<vmem>>) semaphore(%arg10 : memref<!tpu.dma_semaphore, #tpu.memory_space<semaphore_mem>>)
        %eq3A_284 = arith.constant 0 : i32
        %eq3A_285 = arith.cmpi eq, %rem3A_255, %eq3A_284 : i32
        %add3A_286 = arith.constant 1 : i32
        %add3A_287 = arith.addi %div3A_253, %add3A_286 : i32
        %lt3A_288 = arith.constant 25 : i32
        %lt3A_289 = arith.cmpi slt, %add3A_287, %lt3A_288 : i32
        %and3A = arith.andi %eq3A_285, %lt3A_289 : i1
        %convert_element_type3A_290 = arith.extui %and3A : i1 to i32
        %cond3A_291 = arith.constant 0 : i32
        %cond3A_292 = arith.cmpi ne, %convert_element_type3A_290, %cond3A_291 : i32
        scf.if %cond3A_292 {
          %add3A_293 = arith.constant 1 : i32
          %add3A_294 = arith.addi %div3A_253, %add3A_293 : i32
          %add3A_295 = arith.constant 1 : i32
          %add3A_296 = arith.addi %div3A_253, %add3A_295 : i32
          %rem3A_297 = arith.constant 3 : i32
          %rem3A_298 = arith.remsi %add3A_296, %rem3A_297 : i32
          %dma_start3A_299 = arith.constant 0 : i32
          %dma_start3A_300 = arith.constant 0 : i32
          %dma_start3A_301 = tpu.memref_slice %arg7[%rem3A_298, %dma_start3A_299, %dma_start3A_300] : memref<3x10x40xi32, #tpu.memory_space<vmem>> -> memref<1x10x40xi32, #tpu.memory_space<vmem>>
          %dma_start3A_302 = tpu.memref_squeeze %dma_start3A_301 : memref<1x10x40xi32, #tpu.memory_space<vmem>> -> memref<10x40xi32, #tpu.memory_space<vmem>>
          %dma_start3A_303 = arith.constant 0 : i32
          %dma_start3A_304 = arith.constant 0 : i32
          %dma_start3A_305 = tpu.memref_slice %arg3[%add3A, %add3A_294, %dma_start3A_303, %dma_start3A_304] : memref<32x25x10x40xi32, #tpu.memory_space<hbm>> -> memref<1x1x10x40xi32, #tpu.memory_space<hbm>>
          %dma_start3A_306 = tpu.memref_squeeze %dma_start3A_305 : memref<1x1x10x40xi32, #tpu.memory_space<hbm>> -> memref<10x40xi32, #tpu.memory_space<hbm>>
          %dma_start3A_307 = arith.constant 0 : i32
          %dma_start3A_308 = arith.constant 0 : i32
          %dma_start3A_309 = tpu.memref_slice %arg7[%rem3A_298, %dma_start3A_307, %dma_start3A_308] : memref<3x10x40xi32, #tpu.memory_space<vmem>> -> memref<1x10x40xi32, #tpu.memory_space<vmem>>
          %dma_start3A_310 = tpu.memref_squeeze %dma_start3A_309 : memref<1x10x40xi32, #tpu.memory_space<vmem>> -> memref<10x40xi32, #tpu.memory_space<vmem>>
          %dma_start3A_311 = arith.constant 0 : i32
          %dma_start3A_312 = arith.constant 0 : i32
          %dma_start3A_313 = tpu.memref_slice %arg3[%add3A, %add3A_294, %dma_start3A_311, %dma_start3A_312] : memref<32x25x10x40xi32, #tpu.memory_space<hbm>> -> memref<1x1x10x40xi32, #tpu.memory_space<hbm>>
          %dma_start3A_314 = tpu.memref_squeeze %dma_start3A_313 : memref<1x1x10x40xi32, #tpu.memory_space<hbm>> -> memref<10x40xi32, #tpu.memory_space<hbm>>
          tpu.enqueue_dma source(%dma_start3A_314 : memref<10x40xi32, #tpu.memory_space<hbm>>) target(%dma_start3A_310 : memref<10x40xi32, #tpu.memory_space<vmem>>) target_semaphore(%arg11 : memref<!tpu.dma_semaphore, #tpu.memory_space<semaphore_mem>>)
          %dma_start3A_315 = arith.constant 0 : i32
          %dma_start3A_316 = arith.constant 0 : i32
          %dma_start3A_317 = tpu.memref_slice %arg8[%rem3A_298, %dma_start3A_315, %dma_start3A_316] : memref<3x10x40xi32, #tpu.memory_space<vmem>> -> memref<1x10x40xi32, #tpu.memory_space<vmem>>
          %dma_start3A_318 = tpu.memref_squeeze %dma_start3A_317 : memref<1x10x40xi32, #tpu.memory_space<vmem>> -> memref<10x40xi32, #tpu.memory_space<vmem>>
          %dma_start3A_319 = arith.constant 0 : i32
          %dma_start3A_320 = arith.constant 0 : i32
          %dma_start3A_321 = tpu.memref_slice %arg4[%add3A, %add3A_294, %dma_start3A_319, %dma_start3A_320] : memref<32x25x10x40xi32, #tpu.memory_space<hbm>> -> memref<1x1x10x40xi32, #tpu.memory_space<hbm>>
          %dma_start3A_322 = tpu.memref_squeeze %dma_start3A_321 : memref<1x1x10x40xi32, #tpu.memory_space<hbm>> -> memref<10x40xi32, #tpu.memory_space<hbm>>
          %dma_start3A_323 = arith.constant 0 : i32
          %dma_start3A_324 = arith.constant 0 : i32
          %dma_start3A_325 = tpu.memref_slice %arg8[%rem3A_298, %dma_start3A_323, %dma_start3A_324] : memref<3x10x40xi32, #tpu.memory_space<vmem>> -> memref<1x10x40xi32, #tpu.memory_space<vmem>>
          %dma_start3A_326 = tpu.memref_squeeze %dma_start3A_325 : memref<1x10x40xi32, #tpu.memory_space<vmem>> -> memref<10x40xi32, #tpu.memory_space<vmem>>
          %dma_start3A_327 = arith.constant 0 : i32
          %dma_start3A_328 = arith.constant 0 : i32
          %dma_start3A_329 = tpu.memref_slice %arg4[%add3A, %add3A_294, %dma_start3A_327, %dma_start3A_328] : memref<32x25x10x40xi32, #tpu.memory_space<hbm>> -> memref<1x1x10x40xi32, #tpu.memory_space<hbm>>
          %dma_start3A_330 = tpu.memref_squeeze %dma_start3A_329 : memref<1x1x10x40xi32, #tpu.memory_space<hbm>> -> memref<10x40xi32, #tpu.memory_space<hbm>>
          tpu.enqueue_dma source(%dma_start3A_330 : memref<10x40xi32, #tpu.memory_space<hbm>>) target(%dma_start3A_326 : memref<10x40xi32, #tpu.memory_space<vmem>>) target_semaphore(%arg11 : memref<!tpu.dma_semaphore, #tpu.memory_space<semaphore_mem>>)
        } else {
        }
      } else {
      }
    }
    %scan3A_90 = arith.constant 250 : i32
    %div3A = arith.constant 244 : i32
    %div3A_91 = arith.constant 10 : i32
    %div3A_92 = arith.divsi %div3A, %div3A_91 : i32
    %rem3A = arith.constant 244 : i32
    %rem3A_93 = arith.constant 10 : i32
    %rem3A_94 = arith.remsi %rem3A, %rem3A_93 : i32
    %rem3A_95 = arith.constant 3 : i32
    %rem3A_96 = arith.remsi %div3A_92, %rem3A_95 : i32
    %dma_wait3A = arith.constant 4 : i32
    %dma_wait3A_97 = arith.constant 0 : i32
    %dma_wait3A_98 = arith.constant 0 : i32
    %dma_wait3A_99 = tpu.memref_slice %arg9[%dma_wait3A, %dma_wait3A_97, %dma_wait3A_98] : memref<6x40x128xf32, #tpu.memory_space<vmem>> -> memref<1x40x128xf32, #tpu.memory_space<vmem>>
    %dma_wait3A_100 = tpu.memref_squeeze %dma_wait3A_99 : memref<1x40x128xf32, #tpu.memory_space<vmem>> -> memref<40x128xf32, #tpu.memory_space<vmem>>
    %dma_wait3A_101 = arith.constant 0 : i32
    %dma_wait3A_102 = tpu.memref_slice %arg8[%rem3A_96, %rem3A_94, %dma_wait3A_101] : memref<3x10x40xi32, #tpu.memory_space<vmem>> -> memref<1x1x40xi32, #tpu.memory_space<vmem>>
    %dma_wait3A_103 = tpu.memref_squeeze %dma_wait3A_102 : memref<1x1x40xi32, #tpu.memory_space<vmem>> -> memref<40xi32, #tpu.memory_space<vmem>>
    %dma_wait3A_104 = arith.constant 0 : i32
    %dma_wait3A_105 = arith.constant 0 : i32
    %dma_wait3A_106 = tpu.memref_slice %arg13[%dma_wait3A_104, %dma_wait3A_105] : memref<10000x128xf32, #tpu.memory_space<vmem_shared>> -> memref<10000x128xf32, #tpu.memory_space<vmem_shared>>
    tpu.wait_indirect_dma semaphore(%arg12 : memref<!tpu.dma_semaphore, #tpu.memory_space<semaphore_mem>>) src(%dma_wait3A_100 : memref<40x128xf32, #tpu.memory_space<vmem>>) dst(%dma_wait3A_106 : memref<10000x128xf32, #tpu.memory_space<vmem_shared>>)
    %div3A_107 = arith.constant 245 : i32
    %div3A_108 = arith.constant 10 : i32
    %div3A_109 = arith.divsi %div3A_107, %div3A_108 : i32
    %rem3A_110 = arith.constant 245 : i32
    %rem3A_111 = arith.constant 10 : i32
    %rem3A_112 = arith.remsi %rem3A_110, %rem3A_111 : i32
    %rem3A_113 = arith.constant 3 : i32
    %rem3A_114 = arith.remsi %div3A_109, %rem3A_113 : i32
    %dma_wait3A_115 = arith.constant 5 : i32
    %dma_wait3A_116 = arith.constant 0 : i32
    %dma_wait3A_117 = arith.constant 0 : i32
    %dma_wait3A_118 = tpu.memref_slice %arg9[%dma_wait3A_115, %dma_wait3A_116, %dma_wait3A_117] : memref<6x40x128xf32, #tpu.memory_space<vmem>> -> memref<1x40x128xf32, #tpu.memory_space<vmem>>
    %dma_wait3A_119 = tpu.memref_squeeze %dma_wait3A_118 : memref<1x40x128xf32, #tpu.memory_space<vmem>> -> memref<40x128xf32, #tpu.memory_space<vmem>>
    %dma_wait3A_120 = arith.constant 0 : i32
    %dma_wait3A_121 = tpu.memref_slice %arg8[%rem3A_114, %rem3A_112, %dma_wait3A_120] : memref<3x10x40xi32, #tpu.memory_space<vmem>> -> memref<1x1x40xi32, #tpu.memory_space<vmem>>
    %dma_wait3A_122 = tpu.memref_squeeze %dma_wait3A_121 : memref<1x1x40xi32, #tpu.memory_space<vmem>> -> memref<40xi32, #tpu.memory_space<vmem>>
    %dma_wait3A_123 = arith.constant 0 : i32
    %dma_wait3A_124 = arith.constant 0 : i32
    %dma_wait3A_125 = tpu.memref_slice %arg13[%dma_wait3A_123, %dma_wait3A_124] : memref<10000x128xf32, #tpu.memory_space<vmem_shared>> -> memref<10000x128xf32, #tpu.memory_space<vmem_shared>>
    tpu.wait_indirect_dma semaphore(%arg12 : memref<!tpu.dma_semaphore, #tpu.memory_space<semaphore_mem>>) src(%dma_wait3A_119 : memref<40x128xf32, #tpu.memory_space<vmem>>) dst(%dma_wait3A_125 : memref<10000x128xf32, #tpu.memory_space<vmem_shared>>)
    %div3A_126 = arith.constant 246 : i32
    %div3A_127 = arith.constant 10 : i32
    %div3A_128 = arith.divsi %div3A_126, %div3A_127 : i32
    %rem3A_129 = arith.constant 246 : i32
    %rem3A_130 = arith.constant 10 : i32
    %rem3A_131 = arith.remsi %rem3A_129, %rem3A_130 : i32
    %rem3A_132 = arith.constant 3 : i32
    %rem3A_133 = arith.remsi %div3A_128, %rem3A_132 : i32
    %dma_wait3A_134 = arith.constant 0 : i32
    %dma_wait3A_135 = arith.constant 0 : i32
    %dma_wait3A_136 = arith.constant 0 : i32
    %dma_wait3A_137 = tpu.memref_slice %arg9[%dma_wait3A_134, %dma_wait3A_135, %dma_wait3A_136] : memref<6x40x128xf32, #tpu.memory_space<vmem>> -> memref<1x40x128xf32, #tpu.memory_space<vmem>>
    %dma_wait3A_138 = tpu.memref_squeeze %dma_wait3A_137 : memref<1x40x128xf32, #tpu.memory_space<vmem>> -> memref<40x128xf32, #tpu.memory_space<vmem>>
    %dma_wait3A_139 = arith.constant 0 : i32
    %dma_wait3A_140 = tpu.memref_slice %arg8[%rem3A_133, %rem3A_131, %dma_wait3A_139] : memref<3x10x40xi32, #tpu.memory_space<vmem>> -> memref<1x1x40xi32, #tpu.memory_space<vmem>>
    %dma_wait3A_141 = tpu.memref_squeeze %dma_wait3A_140 : memref<1x1x40xi32, #tpu.memory_space<vmem>> -> memref<40xi32, #tpu.memory_space<vmem>>
    %dma_wait3A_142 = arith.constant 0 : i32
    %dma_wait3A_143 = arith.constant 0 : i32
    %dma_wait3A_144 = tpu.memref_slice %arg13[%dma_wait3A_142, %dma_wait3A_143] : memref<10000x128xf32, #tpu.memory_space<vmem_shared>> -> memref<10000x128xf32, #tpu.memory_space<vmem_shared>>
    tpu.wait_indirect_dma semaphore(%arg12 : memref<!tpu.dma_semaphore, #tpu.memory_space<semaphore_mem>>) src(%dma_wait3A_138 : memref<40x128xf32, #tpu.memory_space<vmem>>) dst(%dma_wait3A_144 : memref<10000x128xf32, #tpu.memory_space<vmem_shared>>)
    %div3A_145 = arith.constant 247 : i32
    %div3A_146 = arith.constant 10 : i32
    %div3A_147 = arith.divsi %div3A_145, %div3A_146 : i32
    %rem3A_148 = arith.constant 247 : i32
    %rem3A_149 = arith.constant 10 : i32
    %rem3A_150 = arith.remsi %rem3A_148, %rem3A_149 : i32
    %rem3A_151 = arith.constant 3 : i32
    %rem3A_152 = arith.remsi %div3A_147, %rem3A_151 : i32
    %dma_wait3A_153 = arith.constant 1 : i32
    %dma_wait3A_154 = arith.constant 0 : i32
    %dma_wait3A_155 = arith.constant 0 : i32
    %dma_wait3A_156 = tpu.memref_slice %arg9[%dma_wait3A_153, %dma_wait3A_154, %dma_wait3A_155] : memref<6x40x128xf32, #tpu.memory_space<vmem>> -> memref<1x40x128xf32, #tpu.memory_space<vmem>>
    %dma_wait3A_157 = tpu.memref_squeeze %dma_wait3A_156 : memref<1x40x128xf32, #tpu.memory_space<vmem>> -> memref<40x128xf32, #tpu.memory_space<vmem>>
    %dma_wait3A_158 = arith.constant 0 : i32
    %dma_wait3A_159 = tpu.memref_slice %arg8[%rem3A_152, %rem3A_150, %dma_wait3A_158] : memref<3x10x40xi32, #tpu.memory_space<vmem>> -> memref<1x1x40xi32, #tpu.memory_space<vmem>>
    %dma_wait3A_160 = tpu.memref_squeeze %dma_wait3A_159 : memref<1x1x40xi32, #tpu.memory_space<vmem>> -> memref<40xi32, #tpu.memory_space<vmem>>
    %dma_wait3A_161 = arith.constant 0 : i32
    %dma_wait3A_162 = arith.constant 0 : i32
    %dma_wait3A_163 = tpu.memref_slice %arg13[%dma_wait3A_161, %dma_wait3A_162] : memref<10000x128xf32, #tpu.memory_space<vmem_shared>> -> memref<10000x128xf32, #tpu.memory_space<vmem_shared>>
    tpu.wait_indirect_dma semaphore(%arg12 : memref<!tpu.dma_semaphore, #tpu.memory_space<semaphore_mem>>) src(%dma_wait3A_157 : memref<40x128xf32, #tpu.memory_space<vmem>>) dst(%dma_wait3A_163 : memref<10000x128xf32, #tpu.memory_space<vmem_shared>>)
    %div3A_164 = arith.constant 248 : i32
    %div3A_165 = arith.constant 10 : i32
    %div3A_166 = arith.divsi %div3A_164, %div3A_165 : i32
    %rem3A_167 = arith.constant 248 : i32
    %rem3A_168 = arith.constant 10 : i32
    %rem3A_169 = arith.remsi %rem3A_167, %rem3A_168 : i32
    %rem3A_170 = arith.constant 3 : i32
    %rem3A_171 = arith.remsi %div3A_166, %rem3A_170 : i32
    %dma_wait3A_172 = arith.constant 2 : i32
    %dma_wait3A_173 = arith.constant 0 : i32
    %dma_wait3A_174 = arith.constant 0 : i32
    %dma_wait3A_175 = tpu.memref_slice %arg9[%dma_wait3A_172, %dma_wait3A_173, %dma_wait3A_174] : memref<6x40x128xf32, #tpu.memory_space<vmem>> -> memref<1x40x128xf32, #tpu.memory_space<vmem>>
    %dma_wait3A_176 = tpu.memref_squeeze %dma_wait3A_175 : memref<1x40x128xf32, #tpu.memory_space<vmem>> -> memref<40x128xf32, #tpu.memory_space<vmem>>
    %dma_wait3A_177 = arith.constant 0 : i32
    %dma_wait3A_178 = tpu.memref_slice %arg8[%rem3A_171, %rem3A_169, %dma_wait3A_177] : memref<3x10x40xi32, #tpu.memory_space<vmem>> -> memref<1x1x40xi32, #tpu.memory_space<vmem>>
    %dma_wait3A_179 = tpu.memref_squeeze %dma_wait3A_178 : memref<1x1x40xi32, #tpu.memory_space<vmem>> -> memref<40xi32, #tpu.memory_space<vmem>>
    %dma_wait3A_180 = arith.constant 0 : i32
    %dma_wait3A_181 = arith.constant 0 : i32
    %dma_wait3A_182 = tpu.memref_slice %arg13[%dma_wait3A_180, %dma_wait3A_181] : memref<10000x128xf32, #tpu.memory_space<vmem_shared>> -> memref<10000x128xf32, #tpu.memory_space<vmem_shared>>
    tpu.wait_indirect_dma semaphore(%arg12 : memref<!tpu.dma_semaphore, #tpu.memory_space<semaphore_mem>>) src(%dma_wait3A_176 : memref<40x128xf32, #tpu.memory_space<vmem>>) dst(%dma_wait3A_182 : memref<10000x128xf32, #tpu.memory_space<vmem_shared>>)
    %div3A_183 = arith.constant 249 : i32
    %div3A_184 = arith.constant 10 : i32
    %div3A_185 = arith.divsi %div3A_183, %div3A_184 : i32
    %rem3A_186 = arith.constant 249 : i32
    %rem3A_187 = arith.constant 10 : i32
    %rem3A_188 = arith.remsi %rem3A_186, %rem3A_187 : i32
    %rem3A_189 = arith.constant 3 : i32
    %rem3A_190 = arith.remsi %div3A_185, %rem3A_189 : i32
    %dma_wait3A_191 = arith.constant 3 : i32
    %dma_wait3A_192 = arith.constant 0 : i32
    %dma_wait3A_193 = arith.constant 0 : i32
    %dma_wait3A_194 = tpu.memref_slice %arg9[%dma_wait3A_191, %dma_wait3A_192, %dma_wait3A_193] : memref<6x40x128xf32, #tpu.memory_space<vmem>> -> memref<1x40x128xf32, #tpu.memory_space<vmem>>
    %dma_wait3A_195 = tpu.memref_squeeze %dma_wait3A_194 : memref<1x40x128xf32, #tpu.memory_space<vmem>> -> memref<40x128xf32, #tpu.memory_space<vmem>>
    %dma_wait3A_196 = arith.constant 0 : i32
    %dma_wait3A_197 = tpu.memref_slice %arg8[%rem3A_190, %rem3A_188, %dma_wait3A_196] : memref<3x10x40xi32, #tpu.memory_space<vmem>> -> memref<1x1x40xi32, #tpu.memory_space<vmem>>
    %dma_wait3A_198 = tpu.memref_squeeze %dma_wait3A_197 : memref<1x1x40xi32, #tpu.memory_space<vmem>> -> memref<40xi32, #tpu.memory_space<vmem>>
    %dma_wait3A_199 = arith.constant 0 : i32
    %dma_wait3A_200 = arith.constant 0 : i32
    %dma_wait3A_201 = tpu.memref_slice %arg13[%dma_wait3A_199, %dma_wait3A_200] : memref<10000x128xf32, #tpu.memory_space<vmem_shared>> -> memref<10000x128xf32, #tpu.memory_space<vmem_shared>>
    tpu.wait_indirect_dma semaphore(%arg12 : memref<!tpu.dma_semaphore, #tpu.memory_space<semaphore_mem>>) src(%dma_wait3A_195 : memref<40x128xf32, #tpu.memory_space<vmem>>) dst(%dma_wait3A_201 : memref<10000x128xf32, #tpu.memory_space<vmem_shared>>)
    %barrier3A_202 = arith.constant 0 : index
    tpu.barrier barrier_id(%barrier3A_202)
    %mul3A_203 = arith.constant 624 : i32
    %mul3A_204 = arith.muli %arg1, %mul3A_203 : i32
    %lt3A_205 = arith.constant 15 : i32
    %lt3A_206 = arith.cmpi slt, %arg1, %lt3A_205 : i32
    %convert_element_type3A_207 = arith.extui %lt3A_206 : i1 to i32
    %cond3A_208 = arith.constant 0 : i32
    %cond3A_209 = arith.cmpi ne, %convert_element_type3A_207, %cond3A_208 : i32
    scf.if %cond3A_209 {
      "tpu.region"() ({
        %run_scoped3A_215 = tpu.sem_alloc : memref<!tpu.dma_semaphore, #tpu.memory_space<semaphore_mem>>
        %dma_start3A_216 = arith.constant 0 : i32
        %dma_start3A_217 = tpu.memref_slice %arg6[%arg0, %mul3A_204, %dma_start3A_216] : memref<2x10000x128xf32, #tpu.memory_space<hbm>> -> memref<1x624x128xf32, #tpu.memory_space<hbm>>
        %dma_start3A_218 = tpu.memref_squeeze %dma_start3A_217 : memref<1x624x128xf32, #tpu.memory_space<hbm>> -> memref<624x128xf32, #tpu.memory_space<hbm>>
        %dma_start3A_219 = arith.constant 0 : i32
        %dma_start3A_220 = tpu.memref_slice %arg13[%mul3A_204, %dma_start3A_219] : memref<10000x128xf32, #tpu.memory_space<vmem_shared>> -> memref<624x128xf32, #tpu.memory_space<vmem_shared>>
        tpu.enqueue_dma source(%dma_start3A_220 : memref<624x128xf32, #tpu.memory_space<vmem_shared>>) target(%dma_start3A_218 : memref<624x128xf32, #tpu.memory_space<hbm>>) target_semaphore(%run_scoped3A_215 : memref<!tpu.dma_semaphore, #tpu.memory_space<semaphore_mem>>)
        %dma_wait3A_221 = arith.constant 0 : i32
        %dma_wait3A_222 = tpu.memref_slice %arg6[%arg0, %mul3A_204, %dma_wait3A_221] : memref<2x10000x128xf32, #tpu.memory_space<hbm>> -> memref<1x624x128xf32, #tpu.memory_space<hbm>>
        %dma_wait3A_223 = tpu.memref_squeeze %dma_wait3A_222 : memref<1x624x128xf32, #tpu.memory_space<hbm>> -> memref<624x128xf32, #tpu.memory_space<hbm>>
        %dma_wait3A_224 = arith.constant 0 : i32
        %dma_wait3A_225 = tpu.memref_slice %arg13[%mul3A_204, %dma_wait3A_224] : memref<10000x128xf32, #tpu.memory_space<vmem_shared>> -> memref<624x128xf32, #tpu.memory_space<vmem_shared>>
        tpu.wait_dma2 semaphore(%run_scoped3A_215 : memref<!tpu.dma_semaphore, #tpu.memory_space<semaphore_mem>>) src(%dma_wait3A_225 : memref<624x128xf32, #tpu.memory_space<vmem_shared>>) dst(%dma_wait3A_223 : memref<624x128xf32, #tpu.memory_space<hbm>>)
        tpu.yield
      }) : () -> ()
    } else {
    }
    %eq3A_210 = arith.constant 15 : i32
    %eq3A_211 = arith.cmpi eq, %arg1, %eq3A_210 : i32
    %convert_element_type3A_212 = arith.extui %eq3A_211 : i1 to i32
    %cond3A_213 = arith.constant 0 : i32
    %cond3A_214 = arith.cmpi ne, %convert_element_type3A_212, %cond3A_213 : i32
    scf.if %cond3A_214 {
      "tpu.region"() ({
        %run_scoped3A_215 = tpu.sem_alloc : memref<!tpu.dma_semaphore, #tpu.memory_space<semaphore_mem>>
        %dma_start3A_216 = arith.constant 0 : i32
        %dma_start3A_217 = tpu.memref_slice %arg6[%arg0, %mul3A_204, %dma_start3A_216] : memref<2x10000x128xf32, #tpu.memory_space<hbm>> -> memref<1x640x128xf32, #tpu.memory_space<hbm>>
        %dma_start3A_218 = tpu.memref_squeeze %dma_start3A_217 : memref<1x640x128xf32, #tpu.memory_space<hbm>> -> memref<640x128xf32, #tpu.memory_space<hbm>>
        %dma_start3A_219 = arith.constant 0 : i32
        %dma_start3A_220 = tpu.memref_slice %arg13[%mul3A_204, %dma_start3A_219] : memref<10000x128xf32, #tpu.memory_space<vmem_shared>> -> memref<640x128xf32, #tpu.memory_space<vmem_shared>>
        tpu.enqueue_dma source(%dma_start3A_220 : memref<640x128xf32, #tpu.memory_space<vmem_shared>>) target(%dma_start3A_218 : memref<640x128xf32, #tpu.memory_space<hbm>>) target_semaphore(%run_scoped3A_215 : memref<!tpu.dma_semaphore, #tpu.memory_space<semaphore_mem>>)
        %dma_wait3A_221 = arith.constant 0 : i32
        %dma_wait3A_222 = tpu.memref_slice %arg6[%arg0, %mul3A_204, %dma_wait3A_221] : memref<2x10000x128xf32, #tpu.memory_space<hbm>> -> memref<1x640x128xf32, #tpu.memory_space<hbm>>
        %dma_wait3A_223 = tpu.memref_squeeze %dma_wait3A_222 : memref<1x640x128xf32, #tpu.memory_space<hbm>> -> memref<640x128xf32, #tpu.memory_space<hbm>>
        %dma_wait3A_224 = arith.constant 0 : i32
        %dma_wait3A_225 = tpu.memref_slice %arg13[%mul3A_204, %dma_wait3A_224] : memref<10000x128xf32, #tpu.memory_space<vmem_shared>> -> memref<640x128xf32, #tpu.memory_space<vmem_shared>>
        tpu.wait_dma2 semaphore(%run_scoped3A_215 : memref<!tpu.dma_semaphore, #tpu.memory_space<semaphore_mem>>) src(%dma_wait3A_225 : memref<640x128xf32, #tpu.memory_space<vmem_shared>>) dst(%dma_wait3A_223 : memref<640x128xf32, #tpu.memory_space<hbm>>)
        tpu.yield
      }) : () -> ()
    } else {
    }
    return
  }
}

module attributes {stable_mosaic.version = 14 : i64} {
  func.func @_tc_dinv_body(%arg0: memref<32x80x128xf32, #tpu.memory_space<vmem>>, %arg1: memref<80x128xf32, #tpu.memory_space<vmem>>) attributes {dimension_semantics = [], scalar_prefetch = 0 : i64, scratch_operands = 0 : i64, tpu.core_type = #tpu.core_type<tc>} {
    %get3A = arith.constant 0 : index
    %get3A_0 = arith.constant 0 : index
    %get3A_1 = arith.constant 0 : index
    %get3A_2 = vector.load %arg0[%get3A, %get3A_0, %get3A_1] : memref<32x80x128xf32, #tpu.memory_space<vmem>>, vector<32x80x128xf32>
    %reduce_sum3A = arith.constant dense<0.000000e+00> : vector<80x128xf32>
    %reduce_sum3A_3 = vector.multi_reduction <add>, %get3A_2, %reduce_sum3A [0] : vector<32x80x128xf32> to vector<80x128xf32>
    %add3A = arith.constant 1.000000e+00 : f32
    %add3A_4 = vector.broadcast %add3A : f32 to vector<80x128xf32>
    %add3A_5 = arith.addf %reduce_sum3A_3, %add3A_4 : vector<80x128xf32>
    %rsqrt3A = math.rsqrt %add3A_5 : vector<80x128xf32>
    %swap3A = arith.constant 0 : index
    %swap3A_6 = arith.constant 0 : index
    %swap3A_7 = vector.load %arg1[%swap3A, %swap3A_6] : memref<80x128xf32, #tpu.memory_space<vmem>>, vector<80x128xf32>
    tpu.vector_store %arg1[%swap3A, %swap3A_6], %rsqrt3A {strides = array<i32>} : memref<80x128xf32, #tpu.memory_space<vmem>>, vector<80x128xf32>,
    return
  }
}

module attributes {stable_mosaic.version = 14 : i64} {
  func.func @_tc_prep_body(%arg0: i32, %arg1: memref<2000x128xf32, #tpu.memory_space<vmem>>, %arg2: memref<128x128xf32, #tpu.memory_space<vmem>>, %arg3: memref<2000x1xf32, #tpu.memory_space<vmem>>, %arg4: memref<2000x128xf32, #tpu.memory_space<vmem>>, %arg5: memref<2000x128xf32, #tpu.memory_space<vmem>>) attributes {dimension_semantics = [#tpu.dimension_semantics<arbitrary>], iteration_bounds = array<i64: 5>, scalar_prefetch = 0 : i64, scratch_operands = 0 : i64, tpu.core_type = #tpu.core_type<tc>, window_params = [{transform_indices = @transform_0, window_bounds = array<i64: 2000, 128>}, {pipeline_mode = #tpu.pipeline_mode<synchronous>, transform_indices = @transform_1, window_bounds = array<i64: 128, 128>}, {transform_indices = @transform_2, window_bounds = array<i64: 2000, 1>}, {transform_indices = @transform_3, window_bounds = array<i64: 2000, 128>}, {transform_indices = @transform_4, window_bounds = array<i64: 2000, 128>}]} {
    %get3A = arith.constant 0 : index
    %get3A_0 = arith.constant 0 : index
    %get3A_1 = vector.load %arg1[%get3A, %get3A_0] : memref<2000x128xf32, #tpu.memory_space<vmem>>, vector<2000x128xf32>
    %get3A_2 = arith.constant 0 : index
    %get3A_3 = arith.constant 0 : index
    %get3A_4 = vector.load %arg2[%get3A_2, %get3A_3] : memref<128x128xf32, #tpu.memory_space<vmem>>, vector<128x128xf32>
    %transpose3A = tpu.transpose %get3A_4, [1, 0] : vector<128x128xf32> -> vector<128x128xf32>
    %dot_general3A = arith.constant dense<0.000000e+00> : vector<2000x128xf32>
    %dot_general3A_5 = tpu.matmul %get3A_1, %transpose3A, %dot_general3A {dimension_numbers = #tpu.dot_dimension_numbers<[1], [0], [0], [1], [0, 0, 1, 1], [], []>, transpose_lhs_hint = false} : vector<2000x128xf32>, vector<128x128xf32>, vector<2000x128xf32> -> vector<2000x128xf32>
    %get3A_6 = arith.constant 0 : index
    %get3A_7 = arith.constant 0 : index
    %get3A_8 = vector.load %arg3[%get3A_6, %get3A_7] : memref<2000x1xf32, #tpu.memory_space<vmem>>, vector<2000x1xf32>
    %squeeze3A = vector.shape_cast %get3A_8 : vector<2000x1xf32> to vector<2000xf32>
    %swap3A = arith.constant 0 : index
    %swap3A_9 = arith.constant 0 : index
    %swap3A_10 = vector.load %arg4[%swap3A, %swap3A_9] : memref<2000x128xf32, #tpu.memory_space<vmem>>, vector<2000x128xf32>
    tpu.vector_store %arg4[%swap3A, %swap3A_9], %dot_general3A_5 {strides = array<i32>} : memref<2000x128xf32, #tpu.memory_space<vmem>>, vector<2000x128xf32>,
    %broadcast_in_dim3A = vector.shape_cast %squeeze3A : vector<2000xf32> to vector<2000x1xf32>
    %mul3A = vector.broadcast %broadcast_in_dim3A : vector<2000x1xf32> to vector<2000x128xf32>
    %mul3A_11 = arith.mulf %dot_general3A_5, %mul3A : vector<2000x128xf32>
    %swap3A_12 = arith.constant 0 : index
    %swap3A_13 = arith.constant 0 : index
    %swap3A_14 = vector.load %arg5[%swap3A_12, %swap3A_13] : memref<2000x128xf32, #tpu.memory_space<vmem>>, vector<2000x128xf32>
    tpu.vector_store %arg5[%swap3A_12, %swap3A_13], %mul3A_11 {strides = array<i32>} : memref<2000x128xf32, #tpu.memory_space<vmem>>, vector<2000x128xf32>,
    return
  }
  func.func @transform_0(%arg0: i32) -> (i32, i32) {
    %c0_i32 = arith.constant 0 : i32
    %c0_i32_0 = arith.constant 0 : i32
    return %arg0, %c0_i32 : i32, i32
  }
  func.func @transform_1(%arg0: i32) -> (i32, i32) {
    %c0_i32 = arith.constant 0 : i32
    %c0_i32_0 = arith.constant 0 : i32
    %c0_i32_1 = arith.constant 0 : i32
    return %c0_i32, %c0_i32_0 : i32, i32
  }
  func.func @transform_2(%arg0: i32) -> (i32, i32) {
    %c0_i32 = arith.constant 0 : i32
    %c0_i32_0 = arith.constant 0 : i32
    return %arg0, %c0_i32 : i32, i32
  }
  func.func @transform_3(%arg0: i32) -> (i32, i32) {
    %c0_i32 = arith.constant 0 : i32
    %c0_i32_0 = arith.constant 0 : i32
    return %arg0, %c0_i32 : i32, i32
  }
  func.func @transform_4(%arg0: i32) -> (i32, i32) {
    %c0_i32 = arith.constant 0 : i32
    %c0_i32_0 = arith.constant 0 : i32
    return %arg0, %c0_i32 : i32, i32
  }
}

module attributes {stable_mosaic.version = 14 : i64} {
  func.func @_tc_stats_body(%arg0: i32, %arg1: memref<2x2000x128xf32, #tpu.memory_space<vmem>>, %arg2: memref<2000x128xf32, #tpu.memory_space<vmem>>, %arg3: memref<2000x1xf32, #tpu.memory_space<vmem>>, %arg4: memref<1x128xf32, #tpu.memory_space<vmem>>, %arg5: memref<2000x128xf32, #tpu.memory_space<vmem>>, %arg6: memref<2x128xf32, #tpu.memory_space<vmem>>, %arg7: memref<2x128xf32, #tpu.memory_space<vmem>>) attributes {dimension_semantics = [#tpu.dimension_semantics<arbitrary>], iteration_bounds = array<i64: 5>, scalar_prefetch = 0 : i64, scratch_operands = 1 : i64, tpu.core_type = #tpu.core_type<tc>, window_params = [{transform_indices = @transform_0, window_bounds = array<i64: 2, 2000, 128>}, {transform_indices = @transform_1, window_bounds = array<i64: 2000, 128>}, {transform_indices = @transform_2, window_bounds = array<i64: 2000, 1>}, {pipeline_mode = #tpu.pipeline_mode<synchronous>, transform_indices = @transform_3, window_bounds = array<i64: 1, 128>}, {transform_indices = @transform_4, window_bounds = array<i64: 2000, 128>}, {pipeline_mode = #tpu.pipeline_mode<synchronous>, transform_indices = @transform_5, window_bounds = array<i64: 2, 128>}]} {
    %get3A = arith.constant 0 : index
    %get3A_0 = arith.constant 0 : index
    %get3A_1 = vector.load %arg3[%get3A, %get3A_0] : memref<2000x1xf32, #tpu.memory_space<vmem>>, vector<2000x1xf32>
    %squeeze3A = vector.shape_cast %get3A_1 : vector<2000x1xf32> to vector<2000xf32>
    %get3A_2 = arith.constant 0 : index
    %get3A_3 = arith.constant 0 : index
    %get3A_4 = arith.constant 0 : index
    %get3A_5 = vector.load %arg1[%get3A_2, %get3A_3, %get3A_4] : memref<2x2000x128xf32, #tpu.memory_space<vmem>>, vector<1x2000x128xf32>
    %get3A_6 = vector.shape_cast %get3A_5 : vector<1x2000x128xf32> to vector<2000x128xf32>
    %get3A_7 = arith.constant 1 : index
    %get3A_8 = arith.constant 0 : index
    %get3A_9 = arith.constant 0 : index
    %get3A_10 = vector.load %arg1[%get3A_7, %get3A_8, %get3A_9] : memref<2x2000x128xf32, #tpu.memory_space<vmem>>, vector<1x2000x128xf32>
    %get3A_11 = vector.shape_cast %get3A_10 : vector<1x2000x128xf32> to vector<2000x128xf32>
    %add3A = arith.addf %get3A_6, %get3A_11 : vector<2000x128xf32>
    %broadcast_in_dim3A = vector.shape_cast %squeeze3A : vector<2000xf32> to vector<2000x1xf32>
    %mul3A = vector.broadcast %broadcast_in_dim3A : vector<2000x1xf32> to vector<2000x128xf32>
    %mul3A_12 = arith.mulf %add3A, %mul3A : vector<2000x128xf32>
    %get3A_13 = arith.constant 0 : index
    %get3A_14 = arith.constant 0 : index
    %get3A_15 = vector.load %arg2[%get3A_13, %get3A_14] : memref<2000x128xf32, #tpu.memory_space<vmem>>, vector<2000x128xf32>
    %mul3A_16 = arith.mulf %squeeze3A, %squeeze3A : vector<2000xf32>
    %broadcast_in_dim3A_17 = vector.shape_cast %mul3A_16 : vector<2000xf32> to vector<2000x1xf32>
    %mul3A_18 = vector.broadcast %broadcast_in_dim3A_17 : vector<2000x1xf32> to vector<2000x128xf32>
    %mul3A_19 = arith.mulf %get3A_15, %mul3A_18 : vector<2000x128xf32>
    %add3A_20 = arith.addf %mul3A_12, %mul3A_19 : vector<2000x128xf32>
    %get3A_21 = arith.constant 0 : index
    %get3A_22 = arith.constant 0 : index
    %get3A_23 = vector.load %arg4[%get3A_21, %get3A_22] : memref<1x128xf32, #tpu.memory_space<vmem>>, vector<1x128xf32>
    %add3A_24 = vector.broadcast %get3A_23 : vector<1x128xf32> to vector<2000x128xf32>
    %add3A_25 = arith.addf %add3A_20, %add3A_24 : vector<2000x128xf32>
    %swap3A = arith.constant 0 : index
    %swap3A_26 = arith.constant 0 : index
    %swap3A_27 = vector.load %arg5[%swap3A, %swap3A_26] : memref<2000x128xf32, #tpu.memory_space<vmem>>, vector<2000x128xf32>
    tpu.vector_store %arg5[%swap3A, %swap3A_26], %add3A_25 {strides = array<i32>} : memref<2000x128xf32, #tpu.memory_space<vmem>>, vector<2000x128xf32>,
    %reduce_sum3A = arith.constant dense<0.000000e+00> : vector<128xf32>
    %reduce_sum3A_28 = vector.multi_reduction <add>, %add3A_25, %reduce_sum3A [0] : vector<2000x128xf32> to vector<128xf32>
    %mul3A_29 = arith.mulf %add3A_25, %add3A_25 : vector<2000x128xf32>
    %reduce_sum3A_30 = arith.constant dense<0.000000e+00> : vector<128xf32>
    %reduce_sum3A_31 = vector.multi_reduction <add>, %mul3A_29, %reduce_sum3A_30 [0] : vector<2000x128xf32> to vector<128xf32>
    %eq3A = arith.constant 0 : i32
    %eq3A_32 = arith.cmpi eq, %arg0, %eq3A : i32
    %convert_element_type3A = arith.extui %eq3A_32 : i1 to i32
    %cond3A = arith.constant 0 : i32
    %cond3A_33 = arith.cmpi ne, %convert_element_type3A, %cond3A : i32
    scf.if %cond3A_33 {
      %broadcast_in_dim3A_60 = arith.constant 0.000000e+00 : f32
      %broadcast_in_dim3A_61 = vector.broadcast %broadcast_in_dim3A_60 : f32 to vector<2x128xf32>
      %swap3A_62 = arith.constant 0 : index
      %swap3A_63 = arith.constant 0 : index
      %swap3A_64 = vector.load %arg7[%swap3A_62, %swap3A_63] : memref<2x128xf32, #tpu.memory_space<vmem>>, vector<2x128xf32>
      tpu.vector_store %arg7[%swap3A_62, %swap3A_63], %broadcast_in_dim3A_61 {strides = array<i32>} : memref<2x128xf32, #tpu.memory_space<vmem>>, vector<2x128xf32>,
    } else {
    }
    %get3A_34 = arith.constant 0 : index
    %get3A_35 = arith.constant 0 : index
    %get3A_36 = vector.load %arg7[%get3A_34, %get3A_35] : memref<2x128xf32, #tpu.memory_space<vmem>>, vector<1x128xf32>
    %get3A_37 = vector.shape_cast %get3A_36 : vector<1x128xf32> to vector<128xf32>
    %add3A_38 = arith.addf %get3A_37, %reduce_sum3A_28 : vector<128xf32>
    %swap3A_39 = arith.constant 0 : index
    %swap3A_40 = arith.constant 0 : index
    %swap3A_41 = vector.load %arg7[%swap3A_39, %swap3A_40] : memref<2x128xf32, #tpu.memory_space<vmem>>, vector<1x128xf32>
    %swap3A_42 = vector.shape_cast %swap3A_41 : vector<1x128xf32> to vector<128xf32>
    %swap3A_43 = vector.shape_cast %add3A_38 : vector<128xf32> to vector<1x128xf32>
    tpu.vector_store %arg7[%swap3A_39, %swap3A_40], %swap3A_43 {strides = array<i32>} : memref<2x128xf32, #tpu.memory_space<vmem>>, vector<1x128xf32>,
    %get3A_44 = arith.constant 1 : index
    %get3A_45 = arith.constant 0 : index
    %get3A_46 = vector.load %arg7[%get3A_44, %get3A_45] : memref<2x128xf32, #tpu.memory_space<vmem>>, vector<1x128xf32>
    %get3A_47 = vector.shape_cast %get3A_46 : vector<1x128xf32> to vector<128xf32>
    %add3A_48 = arith.addf %get3A_47, %reduce_sum3A_31 : vector<128xf32>
    %swap3A_49 = arith.constant 1 : index
    %swap3A_50 = arith.constant 0 : index
    %swap3A_51 = vector.load %arg7[%swap3A_49, %swap3A_50] : memref<2x128xf32, #tpu.memory_space<vmem>>, vector<1x128xf32>
    %swap3A_52 = vector.shape_cast %swap3A_51 : vector<1x128xf32> to vector<128xf32>
    %swap3A_53 = vector.shape_cast %add3A_48 : vector<128xf32> to vector<1x128xf32>
    tpu.vector_store %arg7[%swap3A_49, %swap3A_50], %swap3A_53 {strides = array<i32>} : memref<2x128xf32, #tpu.memory_space<vmem>>, vector<1x128xf32>,
    %get3A_54 = arith.constant 0 : index
    %get3A_55 = arith.constant 0 : index
    %get3A_56 = vector.load %arg7[%get3A_54, %get3A_55] : memref<2x128xf32, #tpu.memory_space<vmem>>, vector<2x128xf32>
    %swap3A_57 = arith.constant 0 : index
    %swap3A_58 = arith.constant 0 : index
    %swap3A_59 = vector.load %arg6[%swap3A_57, %swap3A_58] : memref<2x128xf32, #tpu.memory_space<vmem>>, vector<2x128xf32>
    tpu.vector_store %arg6[%swap3A_57, %swap3A_58], %get3A_56 {strides = array<i32>} : memref<2x128xf32, #tpu.memory_space<vmem>>, vector<2x128xf32>,
    return
  }
  func.func @transform_0(%arg0: i32) -> (i32, i32, i32) {
    %c0_i32 = arith.constant 0 : i32
    %c0_i32_0 = arith.constant 0 : i32
    %c0_i32_1 = arith.constant 0 : i32
    return %c0_i32, %arg0, %c0_i32_0 : i32, i32, i32
  }
  func.func @transform_1(%arg0: i32) -> (i32, i32) {
    %c0_i32 = arith.constant 0 : i32
    %c0_i32_0 = arith.constant 0 : i32
    return %arg0, %c0_i32 : i32, i32
  }
  func.func @transform_2(%arg0: i32) -> (i32, i32) {
    %c0_i32 = arith.constant 0 : i32
    %c0_i32_0 = arith.constant 0 : i32
    return %arg0, %c0_i32 : i32, i32
  }
  func.func @transform_3(%arg0: i32) -> (i32, i32) {
    %c0_i32 = arith.constant 0 : i32
    %c0_i32_0 = arith.constant 0 : i32
    %c0_i32_1 = arith.constant 0 : i32
    return %c0_i32, %c0_i32_0 : i32, i32
  }
  func.func @transform_4(%arg0: i32) -> (i32, i32) {
    %c0_i32 = arith.constant 0 : i32
    %c0_i32_0 = arith.constant 0 : i32
    return %arg0, %c0_i32 : i32, i32
  }
  func.func @transform_5(%arg0: i32) -> (i32, i32) {
    %c0_i32 = arith.constant 0 : i32
    %c0_i32_0 = arith.constant 0 : i32
    %c0_i32_1 = arith.constant 0 : i32
    return %c0_i32, %c0_i32_0 : i32, i32
  }
}

module attributes {stable_mosaic.version = 14 : i64} {
  func.func @_tc_apply_mm_body(%arg0: i32, %arg1: memref<2000x128xf32, #tpu.memory_space<vmem>>, %arg2: memref<2x128xf32, #tpu.memory_space<vmem>>, %arg3: memref<1x128xf32, #tpu.memory_space<vmem>>, %arg4: memref<1x128xf32, #tpu.memory_space<vmem>>, %arg5: memref<1x1xf32, #tpu.memory_space<vmem>>, %arg6: memref<2000x1xf32, #tpu.memory_space<vmem>>, %arg7: memref<128x128xf32, #tpu.memory_space<vmem>>, %arg8: memref<2000x128xf32, #tpu.memory_space<vmem>>, %arg9: memref<2000x128xf32, #tpu.memory_space<vmem>>) attributes {dimension_semantics = [#tpu.dimension_semantics<arbitrary>], iteration_bounds = array<i64: 5>, scalar_prefetch = 0 : i64, scratch_operands = 0 : i64, tpu.core_type = #tpu.core_type<tc>, window_params = [{transform_indices = @transform_0, window_bounds = array<i64: 2000, 128>}, {pipeline_mode = #tpu.pipeline_mode<synchronous>, transform_indices = @transform_1, window_bounds = array<i64: 2, 128>}, {pipeline_mode = #tpu.pipeline_mode<synchronous>, transform_indices = @transform_2, window_bounds = array<i64: 1, 128>}, {pipeline_mode = #tpu.pipeline_mode<synchronous>, transform_indices = @transform_3, window_bounds = array<i64: 1, 128>}, {pipeline_mode = #tpu.pipeline_mode<synchronous>, transform_indices = @transform_4, window_bounds = array<i64: 1, 1>}, {transform_indices = @transform_5, window_bounds = array<i64: 2000, 1>}, {pipeline_mode = #tpu.pipeline_mode<synchronous>, transform_indices = @transform_6, window_bounds = array<i64: 128, 128>}, {transform_indices = @transform_7, window_bounds = array<i64: 2000, 128>}, {transform_indices = @transform_8, window_bounds = array<i64: 2000, 128>}]} {
    %get3A = arith.constant 0 : index
    %get3A_0 = arith.constant 0 : index
    %get3A_1 = vector.load %arg1[%get3A, %get3A_0] : memref<2000x128xf32, #tpu.memory_space<vmem>>, vector<2000x128xf32>
    %get3A_2 = arith.constant 0 : index
    %get3A_3 = arith.constant 0 : index
    %get3A_4 = vector.load %arg2[%get3A_2, %get3A_3] : memref<2x128xf32, #tpu.memory_space<vmem>>, vector<2x128xf32>
    %get3A_5 = arith.constant 0 : index
    %get3A_6 = arith.constant 0 : index
    %get3A_7 = vector.load %arg3[%get3A_5, %get3A_6] : memref<1x128xf32, #tpu.memory_space<vmem>>, vector<1x128xf32>
    %get3A_8 = vector.shape_cast %get3A_7 : vector<1x128xf32> to vector<128xf32>
    %get3A_9 = arith.constant 0 : index
    %get3A_10 = arith.constant 0 : index
    %get3A_11 = vector.load %arg4[%get3A_9, %get3A_10] : memref<1x128xf32, #tpu.memory_space<vmem>>, vector<1x128xf32>
    %get3A_12 = vector.shape_cast %get3A_11 : vector<1x128xf32> to vector<128xf32>
    %get3A_13 = arith.constant 0 : index
    %get3A_14 = arith.constant 0 : index
    %get3A_15 = vector.load %arg5[%get3A_13, %get3A_14] : memref<1x1xf32, #tpu.memory_space<vmem>>, vector<1x1xf32>
    %get3A_16 = vector.extract %get3A_15[0, 0] : f32 from vector<1x1xf32>
    %slice3A = vector.extract_strided_slice %get3A_4 {offsets = [0, 0], sizes = [1, 128], strides = [1, 1]} : vector<2x128xf32> to vector<1x128xf32>
    %squeeze3A = vector.shape_cast %slice3A : vector<1x128xf32> to vector<128xf32>
    %div3A = arith.constant 1.000000e+04 : f32
    %div3A_17 = vector.broadcast %div3A : f32 to vector<128xf32>
    %div3A_18 = arith.divf %squeeze3A, %div3A_17 : vector<128xf32>
    %slice3A_19 = vector.extract_strided_slice %get3A_4 {offsets = [1, 0], sizes = [1, 128], strides = [1, 1]} : vector<2x128xf32> to vector<1x128xf32>
    %squeeze3A_20 = vector.shape_cast %slice3A_19 : vector<1x128xf32> to vector<128xf32>
    %div3A_21 = arith.constant 1.000000e+04 : f32
    %div3A_22 = vector.broadcast %div3A_21 : f32 to vector<128xf32>
    %div3A_23 = arith.divf %squeeze3A_20, %div3A_22 : vector<128xf32>
    %mul3A = arith.mulf %div3A_18, %div3A_18 : vector<128xf32>
    %sub3A = arith.subf %div3A_23, %mul3A : vector<128xf32>
    %broadcast_in_dim3A = vector.shape_cast %div3A_18 : vector<128xf32> to vector<1x128xf32>
    %sub3A_24 = vector.broadcast %broadcast_in_dim3A : vector<1x128xf32> to vector<2000x128xf32>
    %sub3A_25 = arith.subf %get3A_1, %sub3A_24 : vector<2000x128xf32>
    %add3A = arith.constant 9.99999974E-6 : f32
    %add3A_26 = vector.broadcast %add3A : f32 to vector<128xf32>
    %add3A_27 = arith.addf %sub3A, %add3A_26 : vector<128xf32>
    %rsqrt3A = math.rsqrt %add3A_27 : vector<128xf32>
    %broadcast_in_dim3A_28 = vector.shape_cast %rsqrt3A : vector<128xf32> to vector<1x128xf32>
    %mul3A_29 = vector.broadcast %broadcast_in_dim3A_28 : vector<1x128xf32> to vector<2000x128xf32>
    %mul3A_30 = arith.mulf %sub3A_25, %mul3A_29 : vector<2000x128xf32>
    %broadcast_in_dim3A_31 = vector.shape_cast %get3A_8 : vector<128xf32> to vector<1x128xf32>
    %mul3A_32 = vector.broadcast %broadcast_in_dim3A_31 : vector<1x128xf32> to vector<2000x128xf32>
    %mul3A_33 = arith.mulf %mul3A_30, %mul3A_32 : vector<2000x128xf32>
    %broadcast_in_dim3A_34 = vector.shape_cast %get3A_12 : vector<128xf32> to vector<1x128xf32>
    %add3A_35 = vector.broadcast %broadcast_in_dim3A_34 : vector<1x128xf32> to vector<2000x128xf32>
    %add3A_36 = arith.addf %mul3A_33, %add3A_35 : vector<2000x128xf32>
    %ge3A = arith.constant 0.000000e+00 : f32
    %ge3A_37 = vector.broadcast %ge3A : f32 to vector<2000x128xf32>
    %ge3A_38 = arith.cmpf oge, %add3A_36, %ge3A_37 : vector<2000x128xf32>
    %mul3A_39 = vector.broadcast %get3A_16 : f32 to vector<2000x128xf32>
    %mul3A_40 = arith.mulf %mul3A_39, %add3A_36 : vector<2000x128xf32>
    %select_n3A = arith.select %ge3A_38, %add3A_36, %mul3A_40 : vector<2000x128xi1>, vector<2000x128xf32>
    %get3A_41 = arith.constant 0 : index
    %get3A_42 = arith.constant 0 : index
    %get3A_43 = vector.load %arg7[%get3A_41, %get3A_42] : memref<128x128xf32, #tpu.memory_space<vmem>>, vector<128x128xf32>
    %transpose3A = tpu.transpose %get3A_43, [1, 0] : vector<128x128xf32> -> vector<128x128xf32>
    %dot_general3A = arith.constant dense<0.000000e+00> : vector<2000x128xf32>
    %dot_general3A_44 = tpu.matmul %select_n3A, %transpose3A, %dot_general3A {dimension_numbers = #tpu.dot_dimension_numbers<[1], [0], [0], [1], [0, 0, 1, 1], [], []>, transpose_lhs_hint = false} : vector<2000x128xf32>, vector<128x128xf32>, vector<2000x128xf32> -> vector<2000x128xf32>
    %get3A_45 = arith.constant 0 : index
    %get3A_46 = arith.constant 0 : index
    %get3A_47 = vector.load %arg6[%get3A_45, %get3A_46] : memref<2000x1xf32, #tpu.memory_space<vmem>>, vector<2000x1xf32>
    %squeeze3A_48 = vector.shape_cast %get3A_47 : vector<2000x1xf32> to vector<2000xf32>
    %swap3A = arith.constant 0 : index
    %swap3A_49 = arith.constant 0 : index
    %swap3A_50 = vector.load %arg8[%swap3A, %swap3A_49] : memref<2000x128xf32, #tpu.memory_space<vmem>>, vector<2000x128xf32>
    tpu.vector_store %arg8[%swap3A, %swap3A_49], %dot_general3A_44 {strides = array<i32>} : memref<2000x128xf32, #tpu.memory_space<vmem>>, vector<2000x128xf32>,
    %broadcast_in_dim3A_51 = vector.shape_cast %squeeze3A_48 : vector<2000xf32> to vector<2000x1xf32>
    %mul3A_52 = vector.broadcast %broadcast_in_dim3A_51 : vector<2000x1xf32> to vector<2000x128xf32>
    %mul3A_53 = arith.mulf %dot_general3A_44, %mul3A_52 : vector<2000x128xf32>
    %swap3A_54 = arith.constant 0 : index
    %swap3A_55 = arith.constant 0 : index
    %swap3A_56 = vector.load %arg9[%swap3A_54, %swap3A_55] : memref<2000x128xf32, #tpu.memory_space<vmem>>, vector<2000x128xf32>
    tpu.vector_store %arg9[%swap3A_54, %swap3A_55], %mul3A_53 {strides = array<i32>} : memref<2000x128xf32, #tpu.memory_space<vmem>>, vector<2000x128xf32>,
    return
  }
  func.func @transform_0(%arg0: i32) -> (i32, i32) {
    %c0_i32 = arith.constant 0 : i32
    %c0_i32_0 = arith.constant 0 : i32
    return %arg0, %c0_i32 : i32, i32
  }
  func.func @transform_1(%arg0: i32) -> (i32, i32) {
    %c0_i32 = arith.constant 0 : i32
    %c0_i32_0 = arith.constant 0 : i32
    %c0_i32_1 = arith.constant 0 : i32
    return %c0_i32, %c0_i32_0 : i32, i32
  }
  func.func @transform_2(%arg0: i32) -> (i32, i32) {
    %c0_i32 = arith.constant 0 : i32
    %c0_i32_0 = arith.constant 0 : i32
    %c0_i32_1 = arith.constant 0 : i32
    return %c0_i32, %c0_i32_0 : i32, i32
  }
  func.func @transform_3(%arg0: i32) -> (i32, i32) {
    %c0_i32 = arith.constant 0 : i32
    %c0_i32_0 = arith.constant 0 : i32
    %c0_i32_1 = arith.constant 0 : i32
    return %c0_i32, %c0_i32_0 : i32, i32
  }
  func.func @transform_4(%arg0: i32) -> (i32, i32) {
    %c0_i32 = arith.constant 0 : i32
    %c0_i32_0 = arith.constant 0 : i32
    %c0_i32_1 = arith.constant 0 : i32
    return %c0_i32, %c0_i32_0 : i32, i32
  }
  func.func @transform_5(%arg0: i32) -> (i32, i32) {
    %c0_i32 = arith.constant 0 : i32
    %c0_i32_0 = arith.constant 0 : i32
    return %arg0, %c0_i32 : i32, i32
  }
  func.func @transform_6(%arg0: i32) -> (i32, i32) {
    %c0_i32 = arith.constant 0 : i32
    %c0_i32_0 = arith.constant 0 : i32
    %c0_i32_1 = arith.constant 0 : i32
    return %c0_i32, %c0_i32_0 : i32, i32
  }
  func.func @transform_7(%arg0: i32) -> (i32, i32) {
    %c0_i32 = arith.constant 0 : i32
    %c0_i32_0 = arith.constant 0 : i32
    return %arg0, %c0_i32 : i32, i32
  }
  func.func @transform_8(%arg0: i32) -> (i32, i32) {
    %c0_i32 = arith.constant 0 : i32
    %c0_i32_0 = arith.constant 0 : i32
    return %arg0, %c0_i32 : i32, i32
  }
}

module attributes {stable_mosaic.version = 14 : i64} {
  func.func @_tc_apply_body(%arg0: i32, %arg1: memref<2000x128xf32, #tpu.memory_space<vmem>>, %arg2: memref<2x128xf32, #tpu.memory_space<vmem>>, %arg3: memref<1x128xf32, #tpu.memory_space<vmem>>, %arg4: memref<1x128xf32, #tpu.memory_space<vmem>>, %arg5: memref<1x1xf32, #tpu.memory_space<vmem>>, %arg6: memref<2000x128xf32, #tpu.memory_space<vmem>>) attributes {dimension_semantics = [#tpu.dimension_semantics<arbitrary>], iteration_bounds = array<i64: 5>, scalar_prefetch = 0 : i64, scratch_operands = 0 : i64, tpu.core_type = #tpu.core_type<tc>, window_params = [{transform_indices = @transform_0, window_bounds = array<i64: 2000, 128>}, {pipeline_mode = #tpu.pipeline_mode<synchronous>, transform_indices = @transform_1, window_bounds = array<i64: 2, 128>}, {pipeline_mode = #tpu.pipeline_mode<synchronous>, transform_indices = @transform_2, window_bounds = array<i64: 1, 128>}, {pipeline_mode = #tpu.pipeline_mode<synchronous>, transform_indices = @transform_3, window_bounds = array<i64: 1, 128>}, {pipeline_mode = #tpu.pipeline_mode<synchronous>, transform_indices = @transform_4, window_bounds = array<i64: 1, 1>}, {transform_indices = @transform_5, window_bounds = array<i64: 2000, 128>}]} {
    %get3A = arith.constant 0 : index
    %get3A_0 = arith.constant 0 : index
    %get3A_1 = vector.load %arg1[%get3A, %get3A_0] : memref<2000x128xf32, #tpu.memory_space<vmem>>, vector<2000x128xf32>
    %get3A_2 = arith.constant 0 : index
    %get3A_3 = arith.constant 0 : index
    %get3A_4 = vector.load %arg2[%get3A_2, %get3A_3] : memref<2x128xf32, #tpu.memory_space<vmem>>, vector<2x128xf32>
    %get3A_5 = arith.constant 0 : index
    %get3A_6 = arith.constant 0 : index
    %get3A_7 = vector.load %arg3[%get3A_5, %get3A_6] : memref<1x128xf32, #tpu.memory_space<vmem>>, vector<1x128xf32>
    %get3A_8 = vector.shape_cast %get3A_7 : vector<1x128xf32> to vector<128xf32>
    %get3A_9 = arith.constant 0 : index
    %get3A_10 = arith.constant 0 : index
    %get3A_11 = vector.load %arg4[%get3A_9, %get3A_10] : memref<1x128xf32, #tpu.memory_space<vmem>>, vector<1x128xf32>
    %get3A_12 = vector.shape_cast %get3A_11 : vector<1x128xf32> to vector<128xf32>
    %get3A_13 = arith.constant 0 : index
    %get3A_14 = arith.constant 0 : index
    %get3A_15 = vector.load %arg5[%get3A_13, %get3A_14] : memref<1x1xf32, #tpu.memory_space<vmem>>, vector<1x1xf32>
    %get3A_16 = vector.extract %get3A_15[0, 0] : f32 from vector<1x1xf32>
    %slice3A = vector.extract_strided_slice %get3A_4 {offsets = [0, 0], sizes = [1, 128], strides = [1, 1]} : vector<2x128xf32> to vector<1x128xf32>
    %squeeze3A = vector.shape_cast %slice3A : vector<1x128xf32> to vector<128xf32>
    %div3A = arith.constant 1.000000e+04 : f32
    %div3A_17 = vector.broadcast %div3A : f32 to vector<128xf32>
    %div3A_18 = arith.divf %squeeze3A, %div3A_17 : vector<128xf32>
    %slice3A_19 = vector.extract_strided_slice %get3A_4 {offsets = [1, 0], sizes = [1, 128], strides = [1, 1]} : vector<2x128xf32> to vector<1x128xf32>
    %squeeze3A_20 = vector.shape_cast %slice3A_19 : vector<1x128xf32> to vector<128xf32>
    %div3A_21 = arith.constant 1.000000e+04 : f32
    %div3A_22 = vector.broadcast %div3A_21 : f32 to vector<128xf32>
    %div3A_23 = arith.divf %squeeze3A_20, %div3A_22 : vector<128xf32>
    %mul3A = arith.mulf %div3A_18, %div3A_18 : vector<128xf32>
    %sub3A = arith.subf %div3A_23, %mul3A : vector<128xf32>
    %broadcast_in_dim3A = vector.shape_cast %div3A_18 : vector<128xf32> to vector<1x128xf32>
    %sub3A_24 = vector.broadcast %broadcast_in_dim3A : vector<1x128xf32> to vector<2000x128xf32>
    %sub3A_25 = arith.subf %get3A_1, %sub3A_24 : vector<2000x128xf32>
    %add3A = arith.constant 9.99999974E-6 : f32
    %add3A_26 = vector.broadcast %add3A : f32 to vector<128xf32>
    %add3A_27 = arith.addf %sub3A, %add3A_26 : vector<128xf32>
    %rsqrt3A = math.rsqrt %add3A_27 : vector<128xf32>
    %broadcast_in_dim3A_28 = vector.shape_cast %rsqrt3A : vector<128xf32> to vector<1x128xf32>
    %mul3A_29 = vector.broadcast %broadcast_in_dim3A_28 : vector<1x128xf32> to vector<2000x128xf32>
    %mul3A_30 = arith.mulf %sub3A_25, %mul3A_29 : vector<2000x128xf32>
    %broadcast_in_dim3A_31 = vector.shape_cast %get3A_8 : vector<128xf32> to vector<1x128xf32>
    %mul3A_32 = vector.broadcast %broadcast_in_dim3A_31 : vector<1x128xf32> to vector<2000x128xf32>
    %mul3A_33 = arith.mulf %mul3A_30, %mul3A_32 : vector<2000x128xf32>
    %broadcast_in_dim3A_34 = vector.shape_cast %get3A_12 : vector<128xf32> to vector<1x128xf32>
    %add3A_35 = vector.broadcast %broadcast_in_dim3A_34 : vector<1x128xf32> to vector<2000x128xf32>
    %add3A_36 = arith.addf %mul3A_33, %add3A_35 : vector<2000x128xf32>
    %ge3A = arith.constant 0.000000e+00 : f32
    %ge3A_37 = vector.broadcast %ge3A : f32 to vector<2000x128xf32>
    %ge3A_38 = arith.cmpf oge, %add3A_36, %ge3A_37 : vector<2000x128xf32>
    %mul3A_39 = vector.broadcast %get3A_16 : f32 to vector<2000x128xf32>
    %mul3A_40 = arith.mulf %mul3A_39, %add3A_36 : vector<2000x128xf32>
    %select_n3A = arith.select %ge3A_38, %add3A_36, %mul3A_40 : vector<2000x128xi1>, vector<2000x128xf32>
    %swap3A = arith.constant 0 : index
    %swap3A_41 = arith.constant 0 : index
    %swap3A_42 = vector.load %arg6[%swap3A, %swap3A_41] : memref<2000x128xf32, #tpu.memory_space<vmem>>, vector<2000x128xf32>
    tpu.vector_store %arg6[%swap3A, %swap3A_41], %select_n3A {strides = array<i32>} : memref<2000x128xf32, #tpu.memory_space<vmem>>, vector<2000x128xf32>,
    return
  }
  func.func @transform_0(%arg0: i32) -> (i32, i32) {
    %c0_i32 = arith.constant 0 : i32
    %c0_i32_0 = arith.constant 0 : i32
    return %arg0, %c0_i32 : i32, i32
  }
  func.func @transform_1(%arg0: i32) -> (i32, i32) {
    %c0_i32 = arith.constant 0 : i32
    %c0_i32_0 = arith.constant 0 : i32
    %c0_i32_1 = arith.constant 0 : i32
    return %c0_i32, %c0_i32_0 : i32, i32
  }
  func.func @transform_2(%arg0: i32) -> (i32, i32) {
    %c0_i32 = arith.constant 0 : i32
    %c0_i32_0 = arith.constant 0 : i32
    %c0_i32_1 = arith.constant 0 : i32
    return %c0_i32, %c0_i32_0 : i32, i32
  }
  func.func @transform_3(%arg0: i32) -> (i32, i32) {
    %c0_i32 = arith.constant 0 : i32
    %c0_i32_0 = arith.constant 0 : i32
    %c0_i32_1 = arith.constant 0 : i32
    return %c0_i32, %c0_i32_0 : i32, i32
  }
  func.func @transform_4(%arg0: i32) -> (i32, i32) {
    %c0_i32 = arith.constant 0 : i32
    %c0_i32_0 = arith.constant 0 : i32
    %c0_i32_1 = arith.constant 0 : i32
    return %c0_i32, %c0_i32_0 : i32, i32
  }
  func.func @transform_5(%arg0: i32) -> (i32, i32) {
    %c0_i32 = arith.constant 0 : i32
    %c0_i32_0 = arith.constant 0 : i32
    return %arg0, %c0_i32 : i32, i32
  }
}

</mosaic_0001>

<sc_bundles>
// kernel: _run.11.cloned.1.call-start
scs
__scs_entry_jumppad:
0x0: {  	(pc) =	sbr.rel $0x88, $3  }
0x1: {  	(tag) =	ssettag $0x0;
	lr =	simm.s32 $0x1  }
0x2: {  	[smem:$0x3F95] =	sst lr;
	_ =	strace $0xD0000000  }
0x3: {  	_ = 	snop  }
0x4: {  	_ = 	snop  }
0x5: {  	_ = 	snop  }
0x6: {  	_ = 	snop  }
0x7: {  	_ = 	snop  }
__scs_overlays_trampoline_lowered:
0x8: {  	[smem:$0x3FA4] =	sst s0  }
0x9: {  	[smem:$0x3FA5] =	sst s1  }
0xa: {  	[smem:$0x3FA6] =	sst s2  }
0xb: {  	[smem:$0x3FA7] =	sst s3  }
0xc: {  	[smem:$0x3FA8] =	sst s4  }
0xd: {  	[smem:$0x3FA9] =	sst s5  }
0xe: {  	[smem:$0x3FAA] =	sst s6  }
0xf: {  	[smem:$0x3FAB] =	sst s7  }
0x10: {  	[smem:$0x3FAC] =	sst s8  }
0x11: {  	[smem:$0x3FAD] =	sst s9;
	s0 =	simm.s32 @!p0 $0x0  }
0x12: {  	s1 =	sld [smem:$0x3F93];
	s0 =	simm.s32 @p0 $0x1  }
0x13: {  	[smem:$0x3FAE] =	sst s0;
	s0 =	simm.s32 @!p1 $0x0  }
0x14: {  	s2 =	sld [smem:$0x3F92];
	s0 =	simm.s32 @p1 $0x1  }
0x15: {  	[smem:$0x3FAF] =	sst s0;
	s0 =	simm.s32 @!p2 $0x0  }
0x16: {  	s3 =	sld [smem:$0x3FDB];
	s0 =	simm.s32 @p2 $0x1  }
0x17: {  	s4 =	simm.s32 $0x1BF5;
	[smem:$0x3FB1] =	sst s0  }
0x18: {  	s0 =	sld [smem:$0x3F94];
	_ =	swait.ge [sflag:s4], $0x0  }
0x19: {  	s7 =	sld [smem:$0x3F95]  }
0x1a: {  	s8 =	sadd.s32 $0xFFFFE003, lr  }
0x1b: {  	s9 =	sadd.s32 $0xFFFFFEF7, lr;
	s5 =	simm.s32 $0xFFFFFFFF;
	p2 =	slt.u32 s8, $0xFFFFF086  }
0x1c: {  	p1 =	slt.u32 s9, $0xF7A;
	s5 =	simm.s32 @!p2 $0x0  }
0x1d: {  	s5 =	simm.s32 @p1 $0x1;
	p0 =	seq.s32 s7, s2  }
0x1e: {  	s7 =	smul.u32 @!p0 $0xF7A, s2;
	p2 =	seq.s32 @!p0 s5, $0x0  }
0x1f: {  	s9 =	smul.u32 $0xF7A, s1;
	s8 =	simm.s32 @!p0 $0x1BF5;
	p2 =	por !p2, p0  }
0x20: {  	[sflag:s8] =	ssyncset.s32 @!p0 $0xFFFFF086;
	s6 =	sadd.s32 @!p0 s3, s7;
	s7 =	simm.s32 @!p0 $0x108  }
0x21: {  	s3 =	sadd.s32 s3, s9;
	s6 =	sadd.s32 @!p0 $0x88, s6;
	s7 =	simm.s32 @p2 $0x1082  }
0x22: {  	[simem:s7], [sflag:s8] =	dma.local @!p0 [hbm:s6], $0xF7A  }
0x23: {  	s9 =	sor.u32 $0xD0000000, s2;
	s6 =	simm.s32 $0x108;
	_ =	swait.ge @!p0 [sflag:s8], $0x0  }
0x24: {  	s3 =	sadd.s32 $0x88, s3;
	s6 =	simm.s32 @!p1 $0x1082;
	[sflag:s4] =	ssyncset.s32 $0xFFFFF086  }
0x25: {  	[simem:s6], [sflag:s4] =	dma.local [hbm:s3], $0xF7A  }
0x26: {  	[smem:$0x3F95] =	sst s1;
	(tag) =	ssettag s2;
	_ =	strace s9  }
0x27: {  	s1 =	sld [smem:$0x3FA5]  }
0x28: {  	s2 =	sld [smem:$0x3FA6]  }
0x29: {  	s4 =	sld [smem:$0x3FA8]  }
0x2a: {  	p0 =	seq.s32 s5, $0x0;
	s5 =	sld [smem:$0x3FA9]  }
0x2b: {  	s6 =	sld [smem:$0x3FAA]  }
0x2c: {  	s7 =	sld [smem:$0x3FAB]  }
0x2d: {  	s3 =	simm.s32 $0x108;
	s8 =	sld [smem:$0x3FAC]  }
0x2e: {  	s3 =	simm.s32 @!p0 $0x1082;
	s9 =	sld [smem:$0x3FAD]  }
0x2f: {  	lr =	sadd.s32 s0, s3;
	s0 =	sld [smem:$0x3FA4]  }
0x30: {  	s3 =	sld [smem:$0x3FA7]  }
0x31: {  	[smem:$0x3FB0] =	sst s10  }
0x32: {  	s10 =	sld [smem:$0x3FAE];
	_ =	sdelay $0x3  }
0x33: {  	p0 =	seq.s32 s10, $0x1;
	s10 =	sld [smem:$0x3FB0];
	_ =	sdelay $0x3  }
0x34: {  	[smem:$0x3FB0] =	sst s10  }
0x35: {  	s10 =	sld [smem:$0x3FAF];
	_ =	sdelay $0x3  }
0x36: {  	p1 =	seq.s32 s10, $0x1;
	s10 =	sld [smem:$0x3FB0];
	_ =	sdelay $0x3  }
0x37: {  	[smem:$0x3FB0] =	sst s10  }
0x38: {  	s10 =	sld [smem:$0x3FB1]  }
0x39: {  	_ = 	snop;
	(pc) =	sbr.ind lr, $3  }
0x3a: {  	_ = 	snop  }
0x3b: {  	_ = 	snop  }
0x3c: {  	p2 =	seq.s32 s10, $0x1;
	s10 =	sld [smem:$0x3FB0]  }
0x3d: {  	_ =	shalt  }
0x3e: {  	_ =	shalt  }
0x3f: {  	_ =	shalt  }
0x40: {  	_ =	shalt  }
0x41: {  	_ =	shalt  }
0x42: {  	_ =	shalt  }
0x43: {  	_ =	shalt  }
0x44: {  	_ =	shalt  }
0x45: {  	_ =	shalt  }
0x46: {  	_ =	shalt  }
0x47: {  	_ =	shalt  }
0x48: {  	_ =	shalt  }
0x49: {  	_ =	shalt  }
0x4a: {  	_ =	shalt  }
0x4b: {  	_ =	shalt  }
0x4c: {  	_ =	shalt  }
0x4d: {  	_ =	shalt  }
0x4e: {  	_ =	shalt  }
0x4f: {  	_ =	shalt  }
0x50: {  	_ =	shalt  }
0x51: {  	_ =	shalt  }
0x52: {  	_ =	shalt  }
0x53: {  	_ =	shalt  }
0x54: {  	_ =	shalt  }
0x55: {  	_ =	shalt  }
0x56: {  	_ =	shalt  }
0x57: {  	_ =	shalt  }
0x58: {  	_ =	shalt  }
0x59: {  	_ =	shalt  }
0x5a: {  	_ =	shalt  }
0x5b: {  	_ =	shalt  }
0x5c: {  	_ =	shalt  }
0x5d: {  	_ =	shalt  }
0x5e: {  	_ =	shalt  }
0x5f: {  	_ =	shalt  }
0x60: {  	_ =	shalt  }
0x61: {  	_ =	shalt  }
0x62: {  	_ =	shalt  }
0x63: {  	_ =	shalt  }
0x64: {  	_ =	shalt  }
0x65: {  	_ =	shalt  }
0x66: {  	_ =	shalt  }
0x67: {  	_ =	shalt  }
0x68: {  	_ =	shalt  }
0x69: {  	_ =	shalt  }
0x6a: {  	_ =	shalt  }
0x6b: {  	_ =	shalt  }
0x6c: {  	_ =	shalt  }
0x6d: {  	_ =	shalt  }
0x6e: {  	_ =	shalt  }
0x6f: {  	_ =	shalt  }
0x70: {  	_ =	shalt  }
0x71: {  	_ =	shalt  }
0x72: {  	_ =	shalt  }
0x73: {  	_ =	shalt  }
0x74: {  	_ =	shalt  }
0x75: {  	_ =	shalt  }
0x76: {  	_ =	shalt  }
0x77: {  	_ =	shalt  }
0x78: {  	_ =	shalt  }
0x79: {  	_ =	shalt  }
0x7a: {  	_ =	shalt  }
0x7b: {  	_ =	shalt  }
0x7c: {  	_ =	shalt  }
0x7d: {  	_ =	shalt  }
0x7e: {  	_ =	shalt  }
0x7f: {  	_ =	shalt  }
0x80: {  	_ =	shalt  }
0x81: {  	_ =	shalt  }
0x82: {  	_ =	shalt  }
0x83: {  	_ =	shalt  }
0x84: {  	_ =	shalt  }
0x85: {  	_ =	shalt  }
0x86: {  	_ =	shalt  }
0x87: {  	_ =	shalt  }
.Lfunc_end0:
.L_simem_size_0:
called_computation_lowered:
.L_overlay_start_0:
0x88: {  	s2 =	sld [smem:$0x3FD9]  }
0x89: {  	s3 =	sld [smem:$0x3FFE];
	_ =	sdelay $0x1  }
0x8a: {  	s1 =	srdreg.scid  }
0x8b: {  	s0 =	sand.u32 $0x1, s1  }
0x8c: {  	s17 =	sshll.u32 s0, $0xA;
	s2 =	sadd.s32 s3, s2  }
0x8d: {  	s2 =	sadd.s32 s2, s17  }
0x8e: {  	[smem:$0x3FBC] =	sst s2  }
0x8f: {  	_ = 	snop  }
0x90: {  	s2 =	sld [smem:$0x3FD0];
	(tm) =	ssettm $0x1  }
0x91: {  	s18 =	sld [smem:$0x3FFB];
	_ =	sdelay $0x3  }
0x92: {  	_ =	strace s18  }
0x93: {  	s3 =	sld [smem:$0x3FFC];
	_ =	sdelay $0x3  }
0x94: {  	_ =	strace s3  }
0x95: {  	s3 =	sld [smem:$0x3FFD];
	_ =	sdelay $0x3  }
0x96: {  	_ =	strace s3  }
0x97: {  	_ =	strace $0x8FFFFFFF  }
0x98: {  	s19 =	sld [smem:$0x3FDB];
	_ =	sdelay $0x1  }
0x99: {  	s4 =	simm.s32 $_scs_section_size  }
0x9a: {  	s5 =	simm.s32 $_size__tile_overlayer_lowered;
	s6 =	simm.s32 $_tile_overlayer_lowered  }
0x9b: {  	s22 =	simm.s32 $0x1BFF;
	s21 =	sshll.u32 s6, $0x1;
	s3 =	sadd.s32 s4, s19  }
0x9c: {  	s7 =	simm.s32 $0x0;
	s20 =	sshll.u32 s5, $0x1;
	s5 =	sadd.s32 s21, s3  }
0x9d: {  	[timem:s7], [sflag:s22] =	dma.local [hbm:s5], s20  }
0x9e: {  	_ =	swait.ge [sflag:s22], s20  }
0x9f: {  	s4 =	ssub.s32 $0x0, s20;
	[sflag:s22] =	ssyncset.done $0x0  }
0xa0: {  	[sflag:s22] =	ssyncadd.s32 s4;
	_ =	sdelay $0x1  }
0xa1: {  	s23 =	simm.s32 $0x1B8B  }
0xa2: {  	_ =	swait.ge [sflag:s23], $0x1  }
0xa3: {  	[sflag:s23] =	ssyncset.done $0x0  }
0xa4: {  	s25 =	simm.s32 $0x1B8E;
	s24 =	sld [smem:$0x3FFE];
	[sflag:s23] =	ssyncadd.s32 $0xFFFFFFFF  }
0xa5: {  	s26 =	simm.s32 $execute0_lowered;
	[smem:$0x3FD2] =	sst s25  }
0xa6: {  	s5 =	sshll.u32 s26, $0x1;
	_ =	strace $0x80000046;
	[dreg:$0x1] =	wrdreg $0xFFFFFFFF  }
0xa7: {  	s28 =	simm.s32 $_size_execute0_lowered;
	s3 =	sadd.s32 s3, s5;
	[dreg:$0x0] =	wrdreg $0x0  }
0xa8: {  	s5 =	sshll.u32 s28, $0x1;
	[dreg:$0x2] =	wrdreg s3  }
0xa9: {  	[dreg:$0x3] =	wrdreg s5  }
0xaa: {  	[dreg:$0x4] =	wrdreg $0xC0  }
0xab: {  	_ =	task [dreg:s7], $0x5FFFF  }
0xac: {  	[dreg:$0x1] =	wrdreg $0xFFFFFFFF  }
0xad: {  	[dreg:$0x0] =	wrdreg $0x60  }
0xae: {  	[dreg:$0x2] =	wrdreg s24  }
0xaf: {  	[dreg:$0x3] =	wrdreg s2  }
0xb0: {  	[dreg:$0x4] =	wrdreg $0x9  }
0xb1: {  	_ =	task.clear_ibuf [dreg:s7], $0x5FFFF;
	_ =	strace $0x90000046  }
0xb2: {  	s29 =	simm.s32 $0x9;
	_ =	strace $0x80000048  }
0xb3: {  	_ =	swait.ge [sflag:s29], $0x1  }
0xb4: {  	[sflag:s29] =	ssyncadd.s32 $0xFFFFFFFF  }
0xb5: {  	_ =	strace $0x90000048  }
0xb6: {  	_ =	sfence  }
0xb7: {  	s30 =	sld [smem:$0x0];
	_ =	sdelay $0x2  }
0xb8: {  	s31 =	sshll.u32 s1, $0xD;
	s1 =	sshrl.u32 s1, $0x2  }
0xb9: {  	s3 =	sand.u32 $0x4000, s31;
	s1 =	sadd.s32 s1, s30  }
0xba: {  	s0 =	sor.u32 s3, s0;
	s1 =	sshll.u32 s1, $0x11  }
0xbb: {  	s0 =	sor.u32 s1, s0  }
0xbc: {  	s0 =	sadd.s32 $0x8F2B, s0  }
0xbd: {  	[sflag:s0] =	ssyncadd.remote.s32 $0x1  }
0xbe: {  	_ =	sfence.sel $0xFFFF  }
0xbf: {  	[dreg:$0x0] =	wrdreg $0xFFFFFFFF;
	(pc) =	sbr.abs _section_cstart, $3  }
0xc0: {  	[dreg:$0x1] =	wrdreg $0xFFFFFFFF  }
0xc1: {  	_ =	task.clear_ibuf [dreg:s7], $0x2FFFF;
	_ =	strace $0x9FFFFFFF  }
0xc2: {  	(tm) =	ssettm $0x7FFFFFFF  }
0xc3: {  	_ =	shalt  }
tec
execute0_lowered:
.L_overlay_start_1:
0x0: {  	(tag) =	ssettag $0x1  }
0x1: {  	s4 =	rddreg [dreg:$0x0]  }
0x2: {  	s0 =	srdreg.scid;
	s2 =	rddreg [dreg:$0x1]  }
0x3: {  	s1 =	stileid.u32;
	s3 =	simm.s32 $0x0;
	s5 =	sand.u32 $0x1, s0  }
0x4: {  	s9 =	simm.s32 $0x0;
	s0 =	rddreg [dreg:$0x2];
	s6 =	sshll.u32 s5, $0x4  }
0x5: {  	[smem:$0x7FF] =	sst s3;
	s5 =	ssub.s32 $0x2, s5;
	s6 =	sor.u32 s1, s6  }
0x6: {  	s8 =	sshrl.u32 s5, $0x1;
	s7 =	smul.u32 $0x500, s6;
	s6 =	sshll.u32 s6, $0xB  }
0x7: {  	_ =	strace $0x80000047;
	s8 =	ssub.s32 s5, s8;
	s6 =	sadd.s32 s6, s4  }
0x8: {  	s7 =	sadd.s32 s7, s4;
	s4 =	sadd.s32 $0x3600, s6;
	s6 =	smax.u32 s8, $0x1  }
0x9: {  	v0 =	vimm.f32 $1.000000000e+00;
	s8 =	simm.s32 $0x2800;
	s5 =	sadd.s32 $0x13600, s7;
	s7 =	simm.s32 $0x1  }
.LBB2_1:
0xa: {  	[tilespmem:s3], [sflag:$0x1] =	stream.linear.gather [hbm4b:s2+s3], $0x2800, $0x38;
	[tilespmem:$0x6800] =	vst v63  }
0xb: {  	s10 =	smul.u32 $0xCCCD, s3  }
0xc: {  	_ =	swait.ge [sflag:s7], $0x2800  }
0xd: {  	[sflag:s7] =	ssyncset.done $0x0;
	s10 =	sshrl.u32 s10, $0x12  }
0xe: {  	[sflag:s7] =	ssyncadd.s32 $0xFFFFD800;
	s11 =	smul.u32 $0x5, s10  }
0xf: {  	[tilespmem:s8], [sflag:$0x1] =	stream.linear.gather [hbm4b:s4+s3], $0x3E80, $0x38;
	[tilespmem:$0x6800] =	vst v63  }
0x10: {  	s11 =	ssub.s32 $0x0, s11  }
0x11: {  	_ =	swait.ge [sflag:s7], $0x3E80;
	s11 =	sand.u32 $0xFFFF, s11  }
0x12: {  	s12 =	sshll.u32 s10, $0x7;
	[sflag:s7] =	ssyncset.done $0x0;
	s11 =	sshll.u32 s11, $0x4  }
0x13: {  	s10 =	simm.s32 $0x1;
	[sflag:s7] =	ssyncadd.s32 $0xFFFFC180;
	s13 =	sor.u32 s11, s12  }
0x14: {  	s12 =	smul.u32 $0xCCCD, s10;
	s11 =	simm.s32 $0x2;
	v1 =	vld [tilespmem:s13+$0x2800]  }
.LBB2_2:
0x15: {  	p0 =	sne.s32 s11, $0x270  }
0x16: {  	s12 =	sshrl.u32 s12, $0x12  }
0x17: {  	s13 =	smul.u32 $0x5, s12;
	_ =	sdelay $0x1  }
.Ltmp0:
0x18: {  	s13 =	ssub.s32 s10, s13;
	s10 =	smov.u32 s11;
	(pc) =	sbr.rel @p0 .LBB2_2-.Ltmp0, $4  }
0x19: {  	s13 =	sand.u32 $0xFFFF, s13  }
0x1a: {  	s12 =	sshll.u32 s12, $0x7;
	s13 =	sshll.u32 s13, $0x4  }
0x1b: {  	s13 =	sor.u32 s13, s12;
	[tilespmem:v1+s3+$0x0] =	vst.idx.add.f32.msk $0xffff, v0  }
0x1c: {  	s11 =	sadd.s32 $0x1, s11;
	s12 =	smul.u32 $0xCCCD, s10;
	v1 =	vld [tilespmem:s13+$0x2800]  }
0x1d: {  	_ =	sdelay $0x1  }
0x1e: {  	s11 =	sshrl.u32 s12, $0x12  }
0x1f: {  	s12 =	smul.u32 $0x5, s11;
	_ =	sdelay $0x1  }
0x20: {  	s10 =	ssub.s32 s10, s12  }
0x21: {  	s10 =	sand.u32 $0xFFFF, s10  }
0x22: {  	s11 =	sshll.u32 s11, $0x7;
	s10 =	sshll.u32 s10, $0x4  }
0x23: {  	[tilespmem:v1+s3+$0x0] =	vst.idx.add.f32.msk $0xffff, v0;
	s10 =	sor.u32 s10, s11  }
0x24: {  	v1 =	vld [tilespmem:s10+$0x2800];
	_ =	sdelay $0x5  }
0x25: {  	s9 =	sadd.s32 $0x1, s9  }
0x26: {  	p0 =	sne.s32 s9, s6  }
.Ltmp1:
0x27: {  	[tilespmem:v1+s3+$0x0] =	vst.idx.add.f32.msk $0xffff, v0;
	(pc) =	sbr.rel @p0 .LBB2_1-.Ltmp1, $4  }
0x28: {  	[hbm4b:s5+s3] =	stream.linear.scatter [tilespmem:s3], [sflag:$0x1], $0x2800, $0x38;
	[tilespmem:$0x6800] =	vst v63  }
0x29: {  	_ =	swait.ge [sflag:s7], $0x2800  }
0x2a: {  	[sflag:s7] =	ssyncset.done $0x0  }
0x2b: {  	[sflag:s7] =	ssyncadd.s32 $0xFFFFD800  }
0x2c: {  	_ =	sfence.sel $0x180000  }
0x2d: {  	[bflag:$0x0] =	sbarrier.arrive $0xFFFF  }
0x2e: {  	p0 =	sne.s32 s1, $0x0;
	_ =	strace $0x90000047  }
0x2f: {  	s0 =	sadd.s32 @!p0 $0x100000, s0;
	[bflag:$0x2] =	sbarrier.arrive $0xFFFF  }
0x30: {  	[sflag:s0] =	ssyncadd.tile.s32 @!p0 $0x1;
	_ =	shalt  }
.Lfunc_end2:
_tile_overlayer_lowered:
.L_overlay_start_2:
0x31: {  	(tag) =	ssettag $0x2  }
0x32: {  	s0 =	rddreg [dreg:$0x0];
	s2 =	stileid.u32  }
0x33: {  	s1 =	rddreg [dreg:$0x1];
	p0 =	sne.s32 s2, $0x0  }
0x34: {  	s3 =	rddreg [dreg:$0x2];
	[bflag:$0x3] =	sbarrier.arrive $0xFFFF;
	s2 =	simm.s32 @!p0 $0x1C01  }
0x35: {  	[timem:s3], [sflag:s2] =	dma.local @!p0 [hbm:s0], s1  }
0x36: {  	s0 =	simm.s32 @!p0 $0x1  }
0x37: {  	_ =	swait.ge @!p0 [sflag:s0], s1  }
0x38: {  	s1 =	ssub.s32 @!p0 $0x0, s1;
	[sflag:s0] =	ssyncset.done @!p0 $0x0  }
0x39: {  	[sflag:s0] =	ssyncadd.s32 @!p0 s1  }
0x3a: {  	[bflag:$0x3] =	sbarrier.arrive $0xFFFF  }
0x3b: {  	_ =	shalt  }

// kernel: _run.14.cloned.1.call-start
scs
__scs_entry_jumppad:
0x0: {  	(pc) =	sbr.rel $0x88, $3  }
0x1: {  	(tag) =	ssettag $0x0;
	lr =	simm.s32 $0x1  }
0x2: {  	[smem:$0x3F95] =	sst lr;
	_ =	strace $0xD0000000  }
0x3: {  	_ = 	snop  }
0x4: {  	_ = 	snop  }
0x5: {  	_ = 	snop  }
0x6: {  	_ = 	snop  }
0x7: {  	_ = 	snop  }
__scs_overlays_trampoline_lowered:
0x8: {  	[smem:$0x3FA4] =	sst s0  }
0x9: {  	[smem:$0x3FA5] =	sst s1  }
0xa: {  	[smem:$0x3FA6] =	sst s2  }
0xb: {  	[smem:$0x3FA7] =	sst s3  }
0xc: {  	[smem:$0x3FA8] =	sst s4  }
0xd: {  	[smem:$0x3FA9] =	sst s5  }
0xe: {  	[smem:$0x3FAA] =	sst s6  }
0xf: {  	[smem:$0x3FAB] =	sst s7  }
0x10: {  	[smem:$0x3FAC] =	sst s8  }
0x11: {  	[smem:$0x3FAD] =	sst s9;
	s0 =	simm.s32 @!p0 $0x0  }
0x12: {  	s1 =	sld [smem:$0x3F93];
	s0 =	simm.s32 @p0 $0x1  }
0x13: {  	[smem:$0x3FAE] =	sst s0;
	s0 =	simm.s32 @!p1 $0x0  }
0x14: {  	s2 =	sld [smem:$0x3F92];
	s0 =	simm.s32 @p1 $0x1  }
0x15: {  	[smem:$0x3FAF] =	sst s0;
	s0 =	simm.s32 @!p2 $0x0  }
0x16: {  	s3 =	sld [smem:$0x3FDB];
	s0 =	simm.s32 @p2 $0x1  }
0x17: {  	s4 =	simm.s32 $0x1BF5;
	[smem:$0x3FB1] =	sst s0  }
0x18: {  	s0 =	sld [smem:$0x3F94];
	_ =	swait.ge [sflag:s4], $0x0  }
0x19: {  	s7 =	sld [smem:$0x3F95]  }
0x1a: {  	s8 =	sadd.s32 $0xFFFFE003, lr  }
0x1b: {  	s9 =	sadd.s32 $0xFFFFFEF7, lr;
	s5 =	simm.s32 $0xFFFFFFFF;
	p2 =	slt.u32 s8, $0xFFFFF086  }
0x1c: {  	p1 =	slt.u32 s9, $0xF7A;
	s5 =	simm.s32 @!p2 $0x0  }
0x1d: {  	s5 =	simm.s32 @p1 $0x1;
	p0 =	seq.s32 s7, s2  }
0x1e: {  	s7 =	smul.u32 @!p0 $0xF7A, s2;
	p2 =	seq.s32 @!p0 s5, $0x0  }
0x1f: {  	s9 =	smul.u32 $0xF7A, s1;
	s8 =	simm.s32 @!p0 $0x1BF5;
	p2 =	por !p2, p0  }
0x20: {  	[sflag:s8] =	ssyncset.s32 @!p0 $0xFFFFF086;
	s6 =	sadd.s32 @!p0 s3, s7;
	s7 =	simm.s32 @!p0 $0x108  }
0x21: {  	s3 =	sadd.s32 s3, s9;
	s6 =	sadd.s32 @!p0 $0x88, s6;
	s7 =	simm.s32 @p2 $0x1082  }
0x22: {  	[simem:s7], [sflag:s8] =	dma.local @!p0 [hbm:s6], $0xF7A  }
0x23: {  	s9 =	sor.u32 $0xD0000000, s2;
	s6 =	simm.s32 $0x108;
	_ =	swait.ge @!p0 [sflag:s8], $0x0  }
0x24: {  	s3 =	sadd.s32 $0x88, s3;
	s6 =	simm.s32 @!p1 $0x1082;
	[sflag:s4] =	ssyncset.s32 $0xFFFFF086  }
0x25: {  	[simem:s6], [sflag:s4] =	dma.local [hbm:s3], $0xF7A  }
0x26: {  	[smem:$0x3F95] =	sst s1;
	(tag) =	ssettag s2;
	_ =	strace s9  }
0x27: {  	s1 =	sld [smem:$0x3FA5]  }
0x28: {  	s2 =	sld [smem:$0x3FA6]  }
0x29: {  	s4 =	sld [smem:$0x3FA8]  }
0x2a: {  	p0 =	seq.s32 s5, $0x0;
	s5 =	sld [smem:$0x3FA9]  }
0x2b: {  	s6 =	sld [smem:$0x3FAA]  }
0x2c: {  	s7 =	sld [smem:$0x3FAB]  }
0x2d: {  	s3 =	simm.s32 $0x108;
	s8 =	sld [smem:$0x3FAC]  }
0x2e: {  	s3 =	simm.s32 @!p0 $0x1082;
	s9 =	sld [smem:$0x3FAD]  }
0x2f: {  	lr =	sadd.s32 s0, s3;
	s0 =	sld [smem:$0x3FA4]  }
0x30: {  	s3 =	sld [smem:$0x3FA7]  }
0x31: {  	[smem:$0x3FB0] =	sst s10  }
0x32: {  	s10 =	sld [smem:$0x3FAE];
	_ =	sdelay $0x3  }
0x33: {  	p0 =	seq.s32 s10, $0x1;
	s10 =	sld [smem:$0x3FB0];
	_ =	sdelay $0x3  }
0x34: {  	[smem:$0x3FB0] =	sst s10  }
0x35: {  	s10 =	sld [smem:$0x3FAF];
	_ =	sdelay $0x3  }
0x36: {  	p1 =	seq.s32 s10, $0x1;
	s10 =	sld [smem:$0x3FB0];
	_ =	sdelay $0x3  }
0x37: {  	[smem:$0x3FB0] =	sst s10  }
0x38: {  	s10 =	sld [smem:$0x3FB1]  }
0x39: {  	_ = 	snop;
	(pc) =	sbr.ind lr, $3  }
0x3a: {  	_ = 	snop  }
0x3b: {  	_ = 	snop  }
0x3c: {  	p2 =	seq.s32 s10, $0x1;
	s10 =	sld [smem:$0x3FB0]  }
0x3d: {  	_ =	shalt  }
0x3e: {  	_ =	shalt  }
0x3f: {  	_ =	shalt  }
0x40: {  	_ =	shalt  }
0x41: {  	_ =	shalt  }
0x42: {  	_ =	shalt  }
0x43: {  	_ =	shalt  }
0x44: {  	_ =	shalt  }
0x45: {  	_ =	shalt  }
0x46: {  	_ =	shalt  }
0x47: {  	_ =	shalt  }
0x48: {  	_ =	shalt  }
0x49: {  	_ =	shalt  }
0x4a: {  	_ =	shalt  }
0x4b: {  	_ =	shalt  }
0x4c: {  	_ =	shalt  }
0x4d: {  	_ =	shalt  }
0x4e: {  	_ =	shalt  }
0x4f: {  	_ =	shalt  }
0x50: {  	_ =	shalt  }
0x51: {  	_ =	shalt  }
0x52: {  	_ =	shalt  }
0x53: {  	_ =	shalt  }
0x54: {  	_ =	shalt  }
0x55: {  	_ =	shalt  }
0x56: {  	_ =	shalt  }
0x57: {  	_ =	shalt  }
0x58: {  	_ =	shalt  }
0x59: {  	_ =	shalt  }
0x5a: {  	_ =	shalt  }
0x5b: {  	_ =	shalt  }
0x5c: {  	_ =	shalt  }
0x5d: {  	_ =	shalt  }
0x5e: {  	_ =	shalt  }
0x5f: {  	_ =	shalt  }
0x60: {  	_ =	shalt  }
0x61: {  	_ =	shalt  }
0x62: {  	_ =	shalt  }
0x63: {  	_ =	shalt  }
0x64: {  	_ =	shalt  }
0x65: {  	_ =	shalt  }
0x66: {  	_ =	shalt  }
0x67: {  	_ =	shalt  }
0x68: {  	_ =	shalt  }
0x69: {  	_ =	shalt  }
0x6a: {  	_ =	shalt  }
0x6b: {  	_ =	shalt  }
0x6c: {  	_ =	shalt  }
0x6d: {  	_ =	shalt  }
0x6e: {  	_ =	shalt  }
0x6f: {  	_ =	shalt  }
0x70: {  	_ =	shalt  }
0x71: {  	_ =	shalt  }
0x72: {  	_ =	shalt  }
0x73: {  	_ =	shalt  }
0x74: {  	_ =	shalt  }
0x75: {  	_ =	shalt  }
0x76: {  	_ =	shalt  }
0x77: {  	_ =	shalt  }
0x78: {  	_ =	shalt  }
0x79: {  	_ =	shalt  }
0x7a: {  	_ =	shalt  }
0x7b: {  	_ =	shalt  }
0x7c: {  	_ =	shalt  }
0x7d: {  	_ =	shalt  }
0x7e: {  	_ =	shalt  }
0x7f: {  	_ =	shalt  }
0x80: {  	_ =	shalt  }
0x81: {  	_ =	shalt  }
0x82: {  	_ =	shalt  }
0x83: {  	_ =	shalt  }
0x84: {  	_ =	shalt  }
0x85: {  	_ =	shalt  }
0x86: {  	_ =	shalt  }
0x87: {  	_ =	shalt  }
.Lfunc_end0:
.L_simem_size_0:
called_computation.1_lowered:
.L_overlay_start_0:
0x88: {  	s2 =	sld [smem:$0x3FD9]  }
0x89: {  	s3 =	sld [smem:$0x3FFE];
	_ =	sdelay $0x1  }
0x8a: {  	s1 =	srdreg.scid  }
0x8b: {  	s0 =	sand.u32 $0x1, s1  }
0x8c: {  	s17 =	sshll.u32 s0, $0xA;
	s2 =	sadd.s32 s3, s2  }
0x8d: {  	s2 =	sadd.s32 s2, s17  }
0x8e: {  	[smem:$0x3FBC] =	sst s2  }
0x8f: {  	_ = 	snop  }
0x90: {  	s2 =	sld [smem:$0x3FD0];
	(tm) =	ssettm $0x1  }
0x91: {  	s18 =	sld [smem:$0x3FFB];
	_ =	sdelay $0x3  }
0x92: {  	_ =	strace s18  }
0x93: {  	s3 =	sld [smem:$0x3FFC];
	_ =	sdelay $0x3  }
0x94: {  	_ =	strace s3  }
0x95: {  	s3 =	sld [smem:$0x3FFD];
	_ =	sdelay $0x3  }
0x96: {  	_ =	strace s3  }
0x97: {  	_ =	strace $0x8FFFFFFF  }
0x98: {  	s19 =	sld [smem:$0x3FDB];
	_ =	sdelay $0x1  }
0x99: {  	s4 =	simm.s32 $_scs_section_size  }
0x9a: {  	s5 =	simm.s32 $_size__tile_overlayer_lowered;
	s6 =	simm.s32 $_tile_overlayer_lowered  }
0x9b: {  	s22 =	simm.s32 $0x1BFF;
	s21 =	sshll.u32 s6, $0x1;
	s3 =	sadd.s32 s4, s19  }
0x9c: {  	s7 =	simm.s32 $0x0;
	s20 =	sshll.u32 s5, $0x1;
	s5 =	sadd.s32 s21, s3  }
0x9d: {  	[timem:s7], [sflag:s22] =	dma.local [hbm:s5], s20  }
0x9e: {  	_ =	swait.ge [sflag:s22], s20  }
0x9f: {  	s4 =	ssub.s32 $0x0, s20;
	[sflag:s22] =	ssyncset.done $0x0  }
0xa0: {  	[sflag:s22] =	ssyncadd.s32 s4;
	_ =	sdelay $0x1  }
0xa1: {  	s23 =	simm.s32 $0x1B8B  }
0xa2: {  	_ =	swait.ge [sflag:s23], $0x1  }
0xa3: {  	[sflag:s23] =	ssyncset.done $0x0  }
0xa4: {  	s25 =	simm.s32 $0x1B8E;
	s24 =	sld [smem:$0x3FFE];
	[sflag:s23] =	ssyncadd.s32 $0xFFFFFFFF  }
0xa5: {  	s26 =	simm.s32 $execute0_lowered;
	[smem:$0x3FD2] =	sst s25  }
0xa6: {  	s5 =	sshll.u32 s26, $0x1;
	_ =	strace $0x80000049;
	[dreg:$0x1] =	wrdreg $0xFFFFFFFF  }
0xa7: {  	s28 =	simm.s32 $_size_execute0_lowered;
	s3 =	sadd.s32 s3, s5;
	[dreg:$0x0] =	wrdreg $0x0  }
0xa8: {  	s5 =	sshll.u32 s28, $0x1;
	[dreg:$0x2] =	wrdreg s3  }
0xa9: {  	[dreg:$0x3] =	wrdreg s5  }
0xaa: {  	[dreg:$0x4] =	wrdreg $0xC0  }
0xab: {  	_ =	task [dreg:s7], $0x5FFFF  }
0xac: {  	[dreg:$0x1] =	wrdreg $0xFFFFFFFF  }
0xad: {  	[dreg:$0x0] =	wrdreg $0x60  }
0xae: {  	[dreg:$0x2] =	wrdreg s24  }
0xaf: {  	[dreg:$0x3] =	wrdreg s2  }
0xb0: {  	[dreg:$0x4] =	wrdreg $0xA8000  }
0xb1: {  	[dreg:$0x5] =	wrdreg $0x9  }
0xb2: {  	_ =	task.clear_ibuf [dreg:s7], $0x6FFFF;
	_ =	strace $0x90000049  }
0xb3: {  	s29 =	simm.s32 $0x9;
	_ =	strace $0x8000004B  }
0xb4: {  	_ =	swait.ge [sflag:s29], $0x1  }
0xb5: {  	[sflag:s29] =	ssyncadd.s32 $0xFFFFFFFF  }
0xb6: {  	_ =	strace $0x9000004B  }
0xb7: {  	_ =	sfence  }
0xb8: {  	s30 =	sld [smem:$0x0];
	_ =	sdelay $0x2  }
0xb9: {  	s31 =	sshll.u32 s1, $0xD;
	s1 =	sshrl.u32 s1, $0x2  }
0xba: {  	s3 =	sand.u32 $0x4000, s31;
	s1 =	sadd.s32 s1, s30  }
0xbb: {  	s0 =	sor.u32 s3, s0;
	s1 =	sshll.u32 s1, $0x11  }
0xbc: {  	s0 =	sor.u32 s1, s0  }
0xbd: {  	s0 =	sadd.s32 $0x8F2B, s0  }
0xbe: {  	[sflag:s0] =	ssyncadd.remote.s32 $0x1  }
0xbf: {  	_ =	sfence.sel $0xFFFF  }
0xc0: {  	[dreg:$0x0] =	wrdreg $0xFFFFFFFF;
	(pc) =	sbr.abs _section_cstart, $3  }
0xc1: {  	[dreg:$0x1] =	wrdreg $0xFFFFFFFF  }
0xc2: {  	_ =	task.clear_ibuf [dreg:s7], $0x2FFFF;
	_ =	strace $0x9FFFFFFF  }
0xc3: {  	(tm) =	ssettm $0x7FFFFFFF  }
tec
execute0_lowered:
.L_overlay_start_1:
0x0: {  	(tag) =	ssettag $0x1  }
0x1: {  	s0 =	rddreg [dreg:$0x0]  }
0x2: {  	s3 =	rddreg [dreg:$0x1]  }
0x3: {  	s1 =	rddreg [dreg:$0x2];
	s2 =	simm.s32 $0x0  }
0x4: {  	s6 =	srdreg.scid;
	s18 =	stileid.u32;
	s20 =	simm.s32 $0x4  }
0x5: {  	s31 =	simm.s32 $0x1;
	[smem:$0x7FF] =	sst s2;
	s4 =	sadd.s32 $0x81600, s0  }
0x6: {  	s5 =	sadd.s32 $0x4F600, s0;
	s9 =	sand.u32 $0x1, s6;
	s8 =	smul.u32 $0x4E000, s18  }
0x7: {  	s6 =	sadd.s32 $0x1D600, s0;
	s0 =	sadd.s32 $0xA8800, s0;
	s12 =	smul.u32 $0x2700, s18  }
0x8: {  	s17 =	sadd.s32 $0x124800, s1;
	s14 =	smul.u32 $0x13800, s18;
	p0 =	seq.s32 s18, $0xF  }
0x9: {  	_ =	strace $0x8000004A;
	s7 =	ssub.s32 $0x2, s9;
	s11 =	sshll.u32 s9, $0x4  }
0xa: {  	s13 =	smul.u32 $0x138800, s9;
	s17 =	sshrl.u32 @p0 s17, $0x3;
	s10 =	sshrl.u32 s7, $0x1  }
0xb: {  	s11 =	sor.u32 s18, s11;
	s8 =	sshrl.u32 s8, $0x2;
	s24 =	sadd.s32 s3, s12  }
0xc: {  	s3 =	sadd.s32 $0x24900, s3;
	s16 =	ssub.s32 s7, s10;
	[dreg:$0x4] =	wrdreg s24  }
0xd: {  	s19 =	sadd.s32 s8, s1;
	s7 =	smul.u32 $0xC800, s11;
	[dreg:$0x5] =	wrdreg s3  }
0xe: {  	s14 =	sadd.s32 s14, s13;
	s15 =	sshrl.u32 s13, $0x3;
	s24 =	simm.s32 $0x28  }
0xf: {  	s30 =	sshrl.u32 s14, $0x3;
	s15 =	sadd.s32 s0, s15;
	s16 =	smax.u32 s16, $0x1  }
0x10: {  	s19 =	sshrl.u32 @!p0 s19, $0x3;
	s25 =	sshrl.u32 s7, $0x3;
	s0 =	sadd.s32 s0, s30  }
0x11: {  	s15 =	sadd.s32 $0x24900, s15;
	s26 =	sadd.s32 s5, s25;
	[dreg:$0xa] =	wrdreg s0  }
0x12: {  	s28 =	sadd.s32 s6, s25;
	s3 =	sadd.s32 $0x100, s25;
	[dreg:$0x6] =	wrdreg s26  }
0x13: {  	s0 =	sshll.u32 @!p0 s18, $0x6;
	[dreg:$0x7] =	wrdreg s28;
	s29 =	sadd.s32 s5, s3  }
0x14: {  	s3 =	sadd.s32 s6, s3;
	s18 =	sor.u32 @!p0 $0x1C04, s0;
	[dreg:$0x8] =	wrdreg s29  }
0x15: {  	s0 =	simm.s32 $0x3;
	[dreg:$0x9] =	wrdreg s3;
	s3 =	simm.s32 $0x0  }
.LBB2_1:
0x16: {  	s21 =	simm.s32 @p0 $0x1FC4;
	s8 =	rddreg [dreg:$0x5]  }
0x17: {  	[spmem:s17], [sflag:s21] =	dma.local @p0 [hbm:s8], $0x2800  }
0x18: {  	s21 =	simm.s32 @p0 $0x4  }
0x19: {  	_ =	swait.ge @p0 [sflag:s21], $0x2800  }
0x1a: {  	[sflag:s21] =	ssyncset.done @p0 $0x0  }
0x1b: {  	s8 =	rddreg [dreg:$0x4];
	[sflag:s21] =	ssyncadd.s32 @p0 $0xFFFFD800;
	s21 =	simm.s32 @!p0 $0x4  }
0x1c: {  	[spmem:s19], [sflag:s18] =	dma.local @!p0 [hbm:s8], $0x2700  }
0x1d: {  	_ =	swait.ge @!p0 [sflag:s21], $0x2700  }
0x1e: {  	[sflag:s21] =	ssyncset.done @!p0 $0x0  }
0x1f: {  	[sflag:s21] =	ssyncadd.s32 @!p0 $0xFFFFD900;
	s21 =	rddreg [dreg:$0x6]  }
0x20: {  	[tilespmem:s2], [sflag:$0x4] =	stream.linear.gather [hbm4b:s21+s2], $0x500, $0x38;
	[tilespmem:$0x1E080] =	vst v63  }
0x21: {  	_ =	swait.ge [sflag:s20], $0x500  }
0x22: {  	[sflag:s20] =	ssyncset.done $0x0  }
0x23: {  	s9 =	simm.s32 $0x1800;
	s22 =	rddreg [dreg:$0x7];
	[sflag:s20] =	ssyncadd.s32 $0xFFFFFB00  }
0x24: {  	[tilespmem:s9], [sflag:$0x4] =	stream.linear.gather [hbm4b:s22+s2], $0x500, $0x38;
	[tilespmem:$0x1E080] =	vst v63  }
0x25: {  	s25 =	simm.s32 $0x800;
	s13 =	sand.u32 $0xFF, s2;
	_ =	swait.ge [sflag:s20], $0x500  }
0x26: {  	s29 =	simm.s32 $0x2000;
	s22 =	smul.u32 $0xAB, s13;
	[sflag:s20] =	ssyncset.done $0x0  }
0x27: {  	s30 =	simm.s32 $0x3000;
	s21 =	smul.u32 $0xCD, s13;
	[sflag:s20] =	ssyncadd.s32 $0xFFFFFB00  }
0x28: {  	s10 =	simm.s32 $0x4400;
	s22 =	sshrl.u32 s22, $0xA;
	[bflag:$0x0] =	sbarrier.arrive $0xFFFF  }
0x29: {  	s21 =	sshrl.u32 s21, $0xB;
	s22 =	smul.u32 $0x6, s22;
	s23 =	rddreg [dreg:$0x8]  }
0x2a: {  	[tilespmem:s25], [sflag:$0x2] =	stream.linear.gather [hbm4b:s23+s2], $0x500, $0x38;
	[tilespmem:$0x1E080] =	vst v63  }
0x2b: {  	s26 =	rddreg [dreg:$0x9];
	s23 =	simm.s32 $0x3;
	s25 =	smul.u32 $0x56, s21  }
0x2c: {  	[tilespmem:s29], [sflag:$0x2] =	stream.linear.gather [hbm4b:s26+s2], $0x500, $0x38;
	[tilespmem:$0x1E080] =	vst v63  }
0x2d: {  	s22 =	ssub.s32 $0x0, s22;
	s23 =	sand.u32 $0xFF, s23;
	s26 =	smul.u32 $0xA, s21  }
0x2e: {  	s11 =	simm.s32 $0x100;
	s22 =	sand.u32 $0xFF, s22;
	s28 =	smul.u32 $0xCD, s23  }
0x2f: {  	s12 =	simm.s32 $0x5800;
	p1 =	por $0x0, $0x0;
	s29 =	smul.u32 $0x5000, s22  }
0x30: {  	p4 =	por @!p1 $0x0, $0x0;
	s25 =	sshrl.u32 s25, $0x8;
	s23 =	smul.u32 $0xAB, s23  }
0x31: {  	p3 =	por @!p1 $0x1, $0x1;
	p2 =	por p4, p1;
	s25 =	smul.u32 $0x3, s25  }
0x32: {  	[tilespmem:s30], [sflag:$0x1] =	stream.indirect.gather [hbm4b:s4+s24], $0x80, s2, s24, $0xb8;
	[tilespmem:$0x1E080] =	vst v63  }
0x33: {  	s9 =	simm.s32 $0x80;
	s26 =	ssub.s32 $0x0, s26;
	s22 =	sshrl.u32 s28, $0xB  }
0x34: {  	s14 =	sshrl.u32 s29, $0x2;
	s23 =	sshrl.u32 s23, $0xA;
	s21 =	ssub.s32 s21, s25  }
0x35: {  	[tilespmem:s10], [sflag:$0x1] =	stream.indirect.gather [hbm4b:s4+s24], $0x80, s9, s24, $0xb8;
	[tilespmem:$0x1E080] =	vst v63  }
0x36: {  	s26 =	sand.u32 $0xFF, s26;
	s28 =	smul.u32 @!p1 $0x56, s22;
	s21 =	sand.u32 $0xFF, s21  }
0x37: {  	[tilespmem:s12], [sflag:$0x1] =	stream.indirect.gather [hbm4b:s4+s24], $0x80, s11, s24, $0xb8;
	[tilespmem:$0x1E080] =	vst v63  }
0x38: {  	s26 =	sshll.u32 s26, $0x7;
	s21 =	sshll.u32 s21, $0xB;
	_ =	swait.ge [sflag:s31], $0x1400  }
0x39: {  	s25 =	sadd.s32 $0x3000, s14;
	s21 =	sor.u32 s26, s21;
	[sflag:s31] =	ssyncset.done $0x0  }
0x3a: {  	s29 =	smul.u32 $0xA, s22;
	s21 =	sadd.s32 $0x1800, s21;
	[sflag:s31] =	ssyncadd.s32 $0xFFFFEC00  }
0x3b: {  	[spmem:s1] =	stream.indirect.scatter.add.f32 [tilespmem:s25], [sflag:$0x3], $0x80, s21, s24, $0xb8;
	[tilespmem:$0x1E080] =	vst v63  }
0x3c: {  	s23 =	smul.u32 $0x6, s23;
	s26 =	sshrl.u32 @!p1 s28, $0x8;
	s25 =	ssub.s32 $0x3, s29  }
0x3d: {  	p5 =	por p3, p1;
	s28 =	smul.u32 @!p1 $0x3, s26;
	s26 =	sand.u32 @!p2 $0xFF, s25  }
0x3e: {  	s30 =	ssub.s32 $0x3, s23;
	p2 =	sne.s32 @!p2 s26, $0x0;
	s26 =	sand.u32 @!p1 $0xFF, s25  }
0x3f: {  	s21 =	simm.s32 $0x1;
	s25 =	sand.u32 $0xFF, s25;
	p6 =	sne.s32 @!p1 s26, $0x0  }
0x40: {  	s26 =	simm.s32 @!p5 $0x3;
	s23 =	sshll.u32 @!p1 s25, $0x7;
	s25 =	ssub.s32 @!p1 s22, s28  }
0x41: {  	s28 =	sand.u32 $0xFF, s30;
	_ =	swait.ge @!p5 [sflag:s26], $0x1400;
	s25 =	sand.u32 @!p1 $0xFF, s25  }
.LBB2_2:
0x42: {  	s28 =	smul.u32 @!p1 $0x5000, s28;
	s29 =	simm.s32 @!p1 $0x28;
	p2 =	por @!p1 p2, p4  }
0x43: {  	p3 =	por p6, p1;
	[sflag:s26] =	ssyncset.done @!p5 $0x0;
	p2 =	por p2, p1  }
0x44: {  	[sflag:s26] =	ssyncadd.s32 @!p5 $0xFFFFEC00;
	s26 =	simm.s32 @!p3 $0x2;
	s22 =	sadd.s32 @!p2 $0x1, s22  }
0x45: {  	_ =	swait.ge @!p3 [sflag:s26], $0x500;
	s30 =	sshll.u32 @!p2 s22, $0xB;
	s8 =	smul.u32 @!p2 $0x56, s22  }
0x46: {  	s28 =	sshrl.u32 @!p1 s28, $0x2;
	[sflag:s26] =	ssyncset.done @!p3 $0x0;
	s30 =	sadd.s32 @!p2 s7, s30  }
0x47: {  	[sflag:s26] =	ssyncadd.s32 @!p3 $0xFFFFFB00;
	s8 =	sshrl.u32 @!p2 s8, $0x8;
	s30 =	sshrl.u32 @!p2 s30, $0x3  }
0x48: {  	s28 =	sadd.s32 @!p1 $0x3000, s28;
	_ =	swait.ge @!p3 [sflag:s26], $0x500;
	s8 =	smul.u32 @!p2 $0x3, s8  }
0x49: {  	s9 =	sshll.u32 @!p1 s25, $0xB;
	s25 =	simm.s32 @!p2 $0x0;
	[sflag:s26] =	ssyncset.done @!p3 $0x0  }
0x4a: {  	s10 =	sand.u32 $0xFF, s21;
	s9 =	sadd.s32 @!p1 s23, s9;
	[sflag:s26] =	ssyncadd.s32 @!p3 $0xFFFFFB00  }
0x4b: {  	[tilespmem:s28], [sflag:$0x1] =	stream.indirect.gather @!p1 [hbm4b:s4+s29], $0x80, s9, s29, $0xb8;
	[tilespmem:$0x1E080] =	vst v63  }
0x4c: {  	s8 =	ssub.s32 @!p2 s22, s8;
	s26 =	sadd.s32 @!p2 s5, s30;
	s9 =	smul.u32 $0xAB, s10  }
0x4d: {  	s23 =	sadd.s32 @!p2 s6, s30;
	s28 =	smov.u32 s21;
	s21 =	sadd.s32 $0x1, s21  }
0x4e: {  	s10 =	smul.u32 $0xCD, s10;
	p3 =	sne.s32 s21, $0xFA;
	s9 =	sshrl.u32 s9, $0xA  }
0x4f: {  	s8 =	sand.u32 @!p2 $0xFF, s8  }
0x50: {  	s29 =	sadd.s32 $0x3, s28;
	s10 =	sshrl.u32 s10, $0xB;
	s9 =	smul.u32 $0x6, s9  }
0x51: {  	s8 =	sshll.u32 @!p2 s8, $0xB;
	p1 =	sgt.u32 s28, $0xF6;
	s22 =	smul.u32 $0xA, s10  }
0x52: {  	s11 =	sand.u32 $0xFF, s29;
	s30 =	smul.u32 $0x56, s10;
	s9 =	ssub.s32 s28, s9  }
0x53: {  	s13 =	sadd.s32 @!p2 $0x1800, s8;
	s12 =	smul.u32 $0xCD, s11;
	s9 =	sand.u32 $0xFF, s9  }
0x54: {  	p4 =	sgt.u32 @!p1 s28, $0xEC;
	s30 =	sshrl.u32 s30, $0x8;
	s9 =	smul.u32 $0x5000, s9  }
0x55: {  	s11 =	smul.u32 $0xAB, s11;
	s14 =	ssub.s32 s28, s22;
	s22 =	sshrl.u32 s12, $0xB  }
0x56: {  	p5 =	slt.u32 @!p1 s28, $0x3;
	p6 =	por p4, p1;
	s12 =	smul.u32 $0x3, s30  }
0x57: {  	s11 =	sshrl.u32 s11, $0xA;
	s14 =	sand.u32 $0xFF, s14;
	s9 =	sshrl.u32 s9, $0x2  }
0x58: {  	p5 =	por p5, p1;
	s10 =	ssub.s32 s10, s12;
	s12 =	smul.u32 @!p1 $0x56, s22  }
0x59: {  	[tilespmem:s8], [sflag:$0x2] =	stream.linear.gather @!p2 [hbm4b:s26+s25], $0x500, $0x38;
	[tilespmem:$0x1E080] =	vst v63  }
0x5a: {  	s8 =	sadd.s32 $0x3000, s9;
	s9 =	sand.u32 $0xFF, s10;
	s10 =	smul.u32 $0xA, s22  }
0x5b: {  	s14 =	sshll.u32 s14, $0x7;
	s12 =	sshrl.u32 @!p1 s12, $0x8;
	s9 =	sshll.u32 s9, $0xB  }
0x5c: {  	s12 =	smul.u32 @!p1 $0x3, s12;
	s9 =	sor.u32 s14, s9;
	s10 =	ssub.s32 s29, s10  }
0x5d: {  	s11 =	smul.u32 $0x6, s11;
	s14 =	sand.u32 @!p1 $0xFF, s10;
	s30 =	sand.u32 @!p6 $0xFF, s10  }
0x5e: {  	[tilespmem:s13], [sflag:$0x2] =	stream.linear.gather @!p2 [hbm4b:s23+s25], $0x500, $0x38;
	[tilespmem:$0x1E080] =	vst v63  }
0x5f: {  	s26 =	simm.s32 @!p5 $0x3;
	s9 =	sadd.s32 $0x1800, s9;
	_ =	swait.ge [sflag:s31], $0x1400  }
.Ltmp0:
0x60: {  	s10 =	sand.u32 $0xFF, s10;
	[sflag:s31] =	ssyncset.done $0x0;
	(pc) =	sbr.rel @p3 .LBB2_2-.Ltmp0, $4  }
0x61: {  	s11 =	ssub.s32 s29, s11;
	s23 =	sshll.u32 @!p1 s10, $0x7;
	[sflag:s31] =	ssyncadd.s32 $0xFFFFEC00  }
0x62: {  	s28 =	sand.u32 $0xFF, s11;
	s10 =	ssub.s32 @!p1 s22, s12;
	p2 =	sne.s32 @!p6 s30, $0x0  }
0x63: {  	[spmem:s1] =	stream.indirect.scatter.add.f32 [tilespmem:s8], [sflag:$0x3], $0x80, s9, s24, $0xb8;
	[tilespmem:$0x1E080] =	vst v63  }
0x64: {  	p6 =	sne.s32 @!p1 s14, $0x0;
	s25 =	sand.u32 @!p1 $0xFF, s10;
	_ =	swait.ge @!p5 [sflag:s26], $0x1400  }
0x65: {  	[sflag:s26] =	ssyncset.done @!p5 $0x0;
	p3 =	por p6, p1  }
0x66: {  	p2 =	por @!p1 p2, p4;
	[sflag:s26] =	ssyncadd.s32 @!p5 $0xFFFFEC00;
	s8 =	simm.s32 @!p3 $0x2  }
0x67: {  	s9 =	smul.u32 @!p1 $0x5000, s28;
	p2 =	por p2, p1;
	_ =	swait.ge @!p3 [sflag:s8], $0x500  }
0x68: {  	s12 =	simm.s32 @!p1 $0x28;
	s10 =	sadd.s32 @!p2 $0x1, s22;
	[sflag:s8] =	ssyncset.done @!p3 $0x0  }
0x69: {  	s14 =	sshll.u32 @!p1 s25, $0xB;
	s11 =	smul.u32 @!p2 $0x56, s10;
	[sflag:s8] =	ssyncadd.s32 @!p3 $0xFFFFFB00  }
0x6a: {  	s9 =	sshrl.u32 @!p1 s9, $0x2;
	s13 =	sshll.u32 @!p2 s10, $0xB;
	_ =	swait.ge @!p3 [sflag:s8], $0x500  }
0x6b: {  	s9 =	sadd.s32 @!p1 $0x3000, s9;
	s11 =	sshrl.u32 @!p2 s11, $0x8;
	[sflag:s8] =	ssyncset.done @!p3 $0x0  }
0x6c: {  	s11 =	smul.u32 @!p2 $0x3, s11;
	[sflag:s8] =	ssyncadd.s32 @!p3 $0xFFFFFB00;
	s8 =	sadd.s32 @!p1 s23, s14  }
0x6d: {  	[tilespmem:s9], [sflag:$0x1] =	stream.indirect.gather @!p1 [hbm4b:s4+s12], $0x80, s8, s12, $0xb8;
	[tilespmem:$0x1E080] =	vst v63  }
0x6e: {  	s8 =	sadd.s32 @!p2 s7, s13;
	s9 =	ssub.s32 @!p2 s10, s11  }
0x6f: {  	s8 =	sshrl.u32 @!p2 s8, $0x3;
	s9 =	sand.u32 @!p2 $0xFF, s9  }
0x70: {  	s10 =	simm.s32 @!p2 $0x0;
	s11 =	sadd.s32 @!p2 s5, s8;
	s9 =	sshll.u32 @!p2 s9, $0xB  }
0x71: {  	[tilespmem:s9], [sflag:$0x2] =	stream.linear.gather @!p2 [hbm4b:s11+s10], $0x500, $0x38;
	[tilespmem:$0x1E080] =	vst v63  }
0x72: {  	s8 =	sadd.s32 @!p2 s6, s8;
	s9 =	sadd.s32 @!p2 $0x1800, s9  }
0x73: {  	[tilespmem:s9], [sflag:$0x2] =	stream.linear.gather @!p2 [hbm4b:s8+s10], $0x500, $0x38;
	[tilespmem:$0x1E080] =	vst v63  }
0x74: {  	_ =	swait.ge [sflag:s0], $0x1400  }
0x75: {  	[sflag:s0] =	ssyncset.done $0x0  }
0x76: {  	[sflag:s0] =	ssyncadd.s32 $0xFFFFEC00  }
0x77: {  	_ =	swait.ge [sflag:s0], $0x1400  }
0x78: {  	[sflag:s0] =	ssyncset.done $0x0  }
0x79: {  	[sflag:s0] =	ssyncadd.s32 $0xFFFFEC00  }
0x7a: {  	_ =	swait.ge [sflag:s0], $0x1400  }
0x7b: {  	[sflag:s0] =	ssyncset.done $0x0  }
0x7c: {  	[sflag:s0] =	ssyncadd.s32 $0xFFFFEC00  }
0x7d: {  	_ =	swait.ge [sflag:s0], $0x1400  }
0x7e: {  	[sflag:s0] =	ssyncset.done $0x0  }
0x7f: {  	[sflag:s0] =	ssyncadd.s32 $0xFFFFEC00  }
0x80: {  	_ =	swait.ge [sflag:s0], $0x1400  }
0x81: {  	[sflag:s0] =	ssyncset.done $0x0  }
0x82: {  	[sflag:s0] =	ssyncadd.s32 $0xFFFFEC00  }
0x83: {  	_ =	swait.ge [sflag:s0], $0x1400  }
0x84: {  	[sflag:s0] =	ssyncset.done $0x0  }
0x85: {  	[sflag:s0] =	ssyncadd.s32 $0xFFFFEC00  }
0x86: {  	s8 =	simm.s32 @p0 $0x1FC4;
	[bflag:$0x0] =	sbarrier.arrive $0xFFFF  }
0x87: {  	[hbm:s15], [sflag:s8] =	dma.local @p0 [spmem:s17], $0x2800  }
0x88: {  	s8 =	simm.s32 @p0 $0x4  }
0x89: {  	_ =	swait.ge @p0 [sflag:s8], $0x2800  }
0x8a: {  	s3 =	sadd.s32 $0x1, s3;
	[sflag:s8] =	ssyncset.done @p0 $0x0  }
0x8b: {  	p1 =	sne.s32 s3, s16;
	[sflag:s8] =	ssyncadd.s32 @p0 $0xFFFFD800;
	s8 =	rddreg [dreg:$0xa]  }
0x8c: {  	[hbm:s8], [sflag:s18] =	dma.local @!p0 [spmem:s19], $0x2700  }
.Ltmp1:
0x8d: {  	_ = 	snop;
	(pc) =	sbr.rel @p1 .LBB2_1-.Ltmp1, $4  }
0x8e: {  	s8 =	simm.s32 @!p0 $0x4  }
0x8f: {  	_ =	swait.ge @!p0 [sflag:s8], $0x2700  }
0x90: {  	[sflag:s8] =	ssyncset.done @!p0 $0x0  }
0x91: {  	[sflag:s8] =	ssyncadd.s32 @!p0 $0xFFFFD900  }
0x92: {  	_ =	sfence.sel $0x180000  }
0x93: {  	[bflag:$0x0] =	sbarrier.arrive $0xFFFF  }
0x94: {  	_ =	strace $0x9000004A  }
0x95: {  	s0 =	stileid.u32;
	[bflag:$0x2] =	sbarrier.arrive $0xFFFF  }
0x96: {  	p0 =	sne.s32 s0, $0x0;
	s0 =	rddreg [dreg:$0x3]  }
0x97: {  	s0 =	sadd.s32 @!p0 $0x100000, s0  }
0x98: {  	[sflag:s0] =	ssyncadd.tile.s32 @!p0 $0x1;
	_ =	shalt  }
.Lfunc_end2:
_tile_overlayer_lowered:
.L_overlay_start_2:
0x99: {  	(tag) =	ssettag $0x2  }
0x9a: {  	s0 =	rddreg [dreg:$0x0];
	s2 =	stileid.u32  }
0x9b: {  	s1 =	rddreg [dreg:$0x1];
	p0 =	sne.s32 s2, $0x0  }
0x9c: {  	s3 =	rddreg [dreg:$0x2];
	[bflag:$0x3] =	sbarrier.arrive $0xFFFF;
	s2 =	simm.s32 @!p0 $0x1C04  }
0x9d: {  	[timem:s3], [sflag:s2] =	dma.local @!p0 [hbm:s0], s1  }
0x9e: {  	s0 =	simm.s32 @!p0 $0x4  }
0x9f: {  	_ =	swait.ge @!p0 [sflag:s0], s1  }
0xa0: {  	s1 =	ssub.s32 @!p0 $0x0, s1;
	[sflag:s0] =	ssyncset.done @!p0 $0x0  }
0xa1: {  	[sflag:s0] =	ssyncadd.s32 @!p0 s1  }
0xa2: {  	[bflag:$0x3] =	sbarrier.arrive $0xFFFF  }
0xa3: {  	_ =	shalt  }

// kernel: _run.17.cloned.1.call-start
scs
__scs_entry_jumppad:
0x0: {  	(pc) =	sbr.rel $0x88, $3  }
0x1: {  	(tag) =	ssettag $0x0;
	lr =	simm.s32 $0x1  }
0x2: {  	[smem:$0x3F95] =	sst lr;
	_ =	strace $0xD0000000  }
0x3: {  	_ = 	snop  }
0x4: {  	_ = 	snop  }
0x5: {  	_ = 	snop  }
0x6: {  	_ = 	snop  }
0x7: {  	_ = 	snop  }
__scs_overlays_trampoline_lowered:
0x8: {  	[smem:$0x3FA4] =	sst s0  }
0x9: {  	[smem:$0x3FA5] =	sst s1  }
0xa: {  	[smem:$0x3FA6] =	sst s2  }
0xb: {  	[smem:$0x3FA7] =	sst s3  }
0xc: {  	[smem:$0x3FA8] =	sst s4  }
0xd: {  	[smem:$0x3FA9] =	sst s5  }
0xe: {  	[smem:$0x3FAA] =	sst s6  }
0xf: {  	[smem:$0x3FAB] =	sst s7  }
0x10: {  	[smem:$0x3FAC] =	sst s8  }
0x11: {  	[smem:$0x3FAD] =	sst s9;
	s0 =	simm.s32 @!p0 $0x0  }
0x12: {  	s1 =	sld [smem:$0x3F93];
	s0 =	simm.s32 @p0 $0x1  }
0x13: {  	[smem:$0x3FAE] =	sst s0;
	s0 =	simm.s32 @!p1 $0x0  }
0x14: {  	s2 =	sld [smem:$0x3F92];
	s0 =	simm.s32 @p1 $0x1  }
0x15: {  	[smem:$0x3FAF] =	sst s0;
	s0 =	simm.s32 @!p2 $0x0  }
0x16: {  	s3 =	sld [smem:$0x3FDB];
	s0 =	simm.s32 @p2 $0x1  }
0x17: {  	s4 =	simm.s32 $0x1BF5;
	[smem:$0x3FB1] =	sst s0  }
0x18: {  	s0 =	sld [smem:$0x3F94];
	_ =	swait.ge [sflag:s4], $0x0  }
0x19: {  	s7 =	sld [smem:$0x3F95]  }
0x1a: {  	s8 =	sadd.s32 $0xFFFFE003, lr  }
0x1b: {  	s9 =	sadd.s32 $0xFFFFFEF7, lr;
	s5 =	simm.s32 $0xFFFFFFFF;
	p2 =	slt.u32 s8, $0xFFFFF086  }
0x1c: {  	p1 =	slt.u32 s9, $0xF7A;
	s5 =	simm.s32 @!p2 $0x0  }
0x1d: {  	s5 =	simm.s32 @p1 $0x1;
	p0 =	seq.s32 s7, s2  }
0x1e: {  	s7 =	smul.u32 @!p0 $0xF7A, s2;
	p2 =	seq.s32 @!p0 s5, $0x0  }
0x1f: {  	s9 =	smul.u32 $0xF7A, s1;
	s8 =	simm.s32 @!p0 $0x1BF5;
	p2 =	por !p2, p0  }
0x20: {  	[sflag:s8] =	ssyncset.s32 @!p0 $0xFFFFF086;
	s6 =	sadd.s32 @!p0 s3, s7;
	s7 =	simm.s32 @!p0 $0x108  }
0x21: {  	s3 =	sadd.s32 s3, s9;
	s6 =	sadd.s32 @!p0 $0x88, s6;
	s7 =	simm.s32 @p2 $0x1082  }
0x22: {  	[simem:s7], [sflag:s8] =	dma.local @!p0 [hbm:s6], $0xF7A  }
0x23: {  	s9 =	sor.u32 $0xD0000000, s2;
	s6 =	simm.s32 $0x108;
	_ =	swait.ge @!p0 [sflag:s8], $0x0  }
0x24: {  	s3 =	sadd.s32 $0x88, s3;
	s6 =	simm.s32 @!p1 $0x1082;
	[sflag:s4] =	ssyncset.s32 $0xFFFFF086  }
0x25: {  	[simem:s6], [sflag:s4] =	dma.local [hbm:s3], $0xF7A  }
0x26: {  	[smem:$0x3F95] =	sst s1;
	(tag) =	ssettag s2;
	_ =	strace s9  }
0x27: {  	s1 =	sld [smem:$0x3FA5]  }
0x28: {  	s2 =	sld [smem:$0x3FA6]  }
0x29: {  	s4 =	sld [smem:$0x3FA8]  }
0x2a: {  	p0 =	seq.s32 s5, $0x0;
	s5 =	sld [smem:$0x3FA9]  }
0x2b: {  	s6 =	sld [smem:$0x3FAA]  }
0x2c: {  	s7 =	sld [smem:$0x3FAB]  }
0x2d: {  	s3 =	simm.s32 $0x108;
	s8 =	sld [smem:$0x3FAC]  }
0x2e: {  	s3 =	simm.s32 @!p0 $0x1082;
	s9 =	sld [smem:$0x3FAD]  }
0x2f: {  	lr =	sadd.s32 s0, s3;
	s0 =	sld [smem:$0x3FA4]  }
0x30: {  	s3 =	sld [smem:$0x3FA7]  }
0x31: {  	[smem:$0x3FB0] =	sst s10  }
0x32: {  	s10 =	sld [smem:$0x3FAE];
	_ =	sdelay $0x3  }
0x33: {  	p0 =	seq.s32 s10, $0x1;
	s10 =	sld [smem:$0x3FB0];
	_ =	sdelay $0x3  }
0x34: {  	[smem:$0x3FB0] =	sst s10  }
0x35: {  	s10 =	sld [smem:$0x3FAF];
	_ =	sdelay $0x3  }
0x36: {  	p1 =	seq.s32 s10, $0x1;
	s10 =	sld [smem:$0x3FB0];
	_ =	sdelay $0x3  }
0x37: {  	[smem:$0x3FB0] =	sst s10  }
0x38: {  	s10 =	sld [smem:$0x3FB1]  }
0x39: {  	_ = 	snop;
	(pc) =	sbr.ind lr, $3  }
0x3a: {  	_ = 	snop  }
0x3b: {  	_ = 	snop  }
0x3c: {  	p2 =	seq.s32 s10, $0x1;
	s10 =	sld [smem:$0x3FB0]  }
0x3d: {  	_ =	shalt  }
0x3e: {  	_ =	shalt  }
0x3f: {  	_ =	shalt  }
0x40: {  	_ =	shalt  }
0x41: {  	_ =	shalt  }
0x42: {  	_ =	shalt  }
0x43: {  	_ =	shalt  }
0x44: {  	_ =	shalt  }
0x45: {  	_ =	shalt  }
0x46: {  	_ =	shalt  }
0x47: {  	_ =	shalt  }
0x48: {  	_ =	shalt  }
0x49: {  	_ =	shalt  }
0x4a: {  	_ =	shalt  }
0x4b: {  	_ =	shalt  }
0x4c: {  	_ =	shalt  }
0x4d: {  	_ =	shalt  }
0x4e: {  	_ =	shalt  }
0x4f: {  	_ =	shalt  }
0x50: {  	_ =	shalt  }
0x51: {  	_ =	shalt  }
0x52: {  	_ =	shalt  }
0x53: {  	_ =	shalt  }
0x54: {  	_ =	shalt  }
0x55: {  	_ =	shalt  }
0x56: {  	_ =	shalt  }
0x57: {  	_ =	shalt  }
0x58: {  	_ =	shalt  }
0x59: {  	_ =	shalt  }
0x5a: {  	_ =	shalt  }
0x5b: {  	_ =	shalt  }
0x5c: {  	_ =	shalt  }
0x5d: {  	_ =	shalt  }
0x5e: {  	_ =	shalt  }
0x5f: {  	_ =	shalt  }
0x60: {  	_ =	shalt  }
0x61: {  	_ =	shalt  }
0x62: {  	_ =	shalt  }
0x63: {  	_ =	shalt  }
0x64: {  	_ =	shalt  }
0x65: {  	_ =	shalt  }
0x66: {  	_ =	shalt  }
0x67: {  	_ =	shalt  }
0x68: {  	_ =	shalt  }
0x69: {  	_ =	shalt  }
0x6a: {  	_ =	shalt  }
0x6b: {  	_ =	shalt  }
0x6c: {  	_ =	shalt  }
0x6d: {  	_ =	shalt  }
0x6e: {  	_ =	shalt  }
0x6f: {  	_ =	shalt  }
0x70: {  	_ =	shalt  }
0x71: {  	_ =	shalt  }
0x72: {  	_ =	shalt  }
0x73: {  	_ =	shalt  }
0x74: {  	_ =	shalt  }
0x75: {  	_ =	shalt  }
0x76: {  	_ =	shalt  }
0x77: {  	_ =	shalt  }
0x78: {  	_ =	shalt  }
0x79: {  	_ =	shalt  }
0x7a: {  	_ =	shalt  }
0x7b: {  	_ =	shalt  }
0x7c: {  	_ =	shalt  }
0x7d: {  	_ =	shalt  }
0x7e: {  	_ =	shalt  }
0x7f: {  	_ =	shalt  }
0x80: {  	_ =	shalt  }
0x81: {  	_ =	shalt  }
0x82: {  	_ =	shalt  }
0x83: {  	_ =	shalt  }
0x84: {  	_ =	shalt  }
0x85: {  	_ =	shalt  }
0x86: {  	_ =	shalt  }
0x87: {  	_ =	shalt  }
.Lfunc_end0:
.L_simem_size_0:
called_computation.2_lowered:
.L_overlay_start_0:
0x88: {  	s2 =	sld [smem:$0x3FD9]  }
0x89: {  	s3 =	sld [smem:$0x3FFE];
	_ =	sdelay $0x1  }
0x8a: {  	s1 =	srdreg.scid  }
0x8b: {  	s0 =	sand.u32 $0x1, s1  }
0x8c: {  	s17 =	sshll.u32 s0, $0xA;
	s2 =	sadd.s32 s3, s2  }
0x8d: {  	s2 =	sadd.s32 s2, s17  }
0x8e: {  	[smem:$0x3FBC] =	sst s2  }
0x8f: {  	_ = 	snop  }
0x90: {  	s2 =	sld [smem:$0x3FD0];
	(tm) =	ssettm $0x1  }
0x91: {  	s18 =	sld [smem:$0x3FFB];
	_ =	sdelay $0x3  }
0x92: {  	_ =	strace s18  }
0x93: {  	s3 =	sld [smem:$0x3FFC];
	_ =	sdelay $0x3  }
0x94: {  	_ =	strace s3  }
0x95: {  	s3 =	sld [smem:$0x3FFD];
	_ =	sdelay $0x3  }
0x96: {  	_ =	strace s3  }
0x97: {  	_ =	strace $0x8FFFFFFF  }
0x98: {  	s19 =	sld [smem:$0x3FDB];
	_ =	sdelay $0x1  }
0x99: {  	s4 =	simm.s32 $_scs_section_size  }
0x9a: {  	s5 =	simm.s32 $_size__tile_overlayer_lowered;
	s6 =	simm.s32 $_tile_overlayer_lowered  }
0x9b: {  	s22 =	simm.s32 $0x1BFF;
	s21 =	sshll.u32 s6, $0x1;
	s3 =	sadd.s32 s4, s19  }
0x9c: {  	s7 =	simm.s32 $0x0;
	s20 =	sshll.u32 s5, $0x1;
	s5 =	sadd.s32 s21, s3  }
0x9d: {  	[timem:s7], [sflag:s22] =	dma.local [hbm:s5], s20  }
0x9e: {  	_ =	swait.ge [sflag:s22], s20  }
0x9f: {  	s4 =	ssub.s32 $0x0, s20;
	[sflag:s22] =	ssyncset.done $0x0  }
0xa0: {  	[sflag:s22] =	ssyncadd.s32 s4;
	_ =	sdelay $0x1  }
0xa1: {  	s23 =	simm.s32 $0x1B8B  }
0xa2: {  	_ =	swait.ge [sflag:s23], $0x1  }
0xa3: {  	[sflag:s23] =	ssyncset.done $0x0  }
0xa4: {  	s25 =	simm.s32 $0x1B8E;
	s24 =	sld [smem:$0x3FFE];
	[sflag:s23] =	ssyncadd.s32 $0xFFFFFFFF  }
0xa5: {  	s26 =	simm.s32 $execute0_lowered;
	[smem:$0x3FD2] =	sst s25  }
0xa6: {  	s5 =	sshll.u32 s26, $0x1;
	_ =	strace $0x8000004C;
	[dreg:$0x1] =	wrdreg $0xFFFFFFFF  }
0xa7: {  	s28 =	simm.s32 $_size_execute0_lowered;
	s3 =	sadd.s32 s3, s5;
	[dreg:$0x0] =	wrdreg $0x0  }
0xa8: {  	s5 =	sshll.u32 s28, $0x1;
	[dreg:$0x2] =	wrdreg s3  }
0xa9: {  	[dreg:$0x3] =	wrdreg s5  }
0xaa: {  	[dreg:$0x4] =	wrdreg $0xC0  }
0xab: {  	_ =	task [dreg:s7], $0x5FFFF  }
0xac: {  	[dreg:$0x1] =	wrdreg $0xFFFFFFFF  }
0xad: {  	[dreg:$0x0] =	wrdreg $0x60  }
0xae: {  	[dreg:$0x2] =	wrdreg s24  }
0xaf: {  	[dreg:$0x3] =	wrdreg s2  }
0xb0: {  	[dreg:$0x4] =	wrdreg $0xA8000  }
0xb1: {  	[dreg:$0x5] =	wrdreg $0x9  }
0xb2: {  	_ =	task.clear_ibuf [dreg:s7], $0x6FFFF;
	_ =	strace $0x9000004C  }
0xb3: {  	s29 =	simm.s32 $0x9;
	_ =	strace $0x8000004E  }
0xb4: {  	_ =	swait.ge [sflag:s29], $0x1  }
0xb5: {  	[sflag:s29] =	ssyncadd.s32 $0xFFFFFFFF  }
0xb6: {  	_ =	strace $0x9000004E  }
0xb7: {  	_ =	sfence  }
0xb8: {  	s30 =	sld [smem:$0x0];
	_ =	sdelay $0x2  }
0xb9: {  	s31 =	sshll.u32 s1, $0xD;
	s1 =	sshrl.u32 s1, $0x2  }
0xba: {  	s3 =	sand.u32 $0x4000, s31;
	s1 =	sadd.s32 s1, s30  }
0xbb: {  	s0 =	sor.u32 s3, s0;
	s1 =	sshll.u32 s1, $0x11  }
0xbc: {  	s0 =	sor.u32 s1, s0  }
0xbd: {  	s0 =	sadd.s32 $0x8F2B, s0  }
0xbe: {  	[sflag:s0] =	ssyncadd.remote.s32 $0x1  }
0xbf: {  	_ =	sfence.sel $0xFFFF  }
0xc0: {  	[dreg:$0x0] =	wrdreg $0xFFFFFFFF;
	(pc) =	sbr.abs _section_cstart, $3  }
0xc1: {  	[dreg:$0x1] =	wrdreg $0xFFFFFFFF  }
0xc2: {  	_ =	task.clear_ibuf [dreg:s7], $0x2FFFF;
	_ =	strace $0x9FFFFFFF  }
0xc3: {  	(tm) =	ssettm $0x7FFFFFFF  }
tec
execute0_lowered:
.L_overlay_start_1:
0x0: {  	(tag) =	ssettag $0x1  }
0x1: {  	s0 =	rddreg [dreg:$0x0]  }
0x2: {  	s3 =	rddreg [dreg:$0x1]  }
0x3: {  	s1 =	rddreg [dreg:$0x2];
	s2 =	simm.s32 $0x0  }
0x4: {  	s6 =	srdreg.scid;
	s18 =	stileid.u32;
	s20 =	simm.s32 $0x4  }
0x5: {  	s31 =	simm.s32 $0x1;
	[smem:$0x7FF] =	sst s2;
	s4 =	sadd.s32 $0x81600, s0  }
0x6: {  	s5 =	sadd.s32 $0x4F600, s0;
	s9 =	sand.u32 $0x1, s6;
	s8 =	smul.u32 $0x4E000, s18  }
0x7: {  	s6 =	sadd.s32 $0x1D600, s0;
	s0 =	sadd.s32 $0xA8800, s0;
	s12 =	smul.u32 $0x2700, s18  }
0x8: {  	s17 =	sadd.s32 $0x124800, s1;
	s14 =	smul.u32 $0x13800, s18;
	p0 =	seq.s32 s18, $0xF  }
0x9: {  	_ =	strace $0x8000004D;
	s7 =	ssub.s32 $0x2, s9;
	s11 =	sshll.u32 s9, $0x4  }
0xa: {  	s13 =	smul.u32 $0x138800, s9;
	s17 =	sshrl.u32 @p0 s17, $0x3;
	s10 =	sshrl.u32 s7, $0x1  }
0xb: {  	s11 =	sor.u32 s18, s11;
	s8 =	sshrl.u32 s8, $0x2;
	s24 =	sadd.s32 s3, s12  }
0xc: {  	s3 =	sadd.s32 $0x24900, s3;
	s16 =	ssub.s32 s7, s10;
	[dreg:$0x4] =	wrdreg s24  }
0xd: {  	s19 =	sadd.s32 s8, s1;
	s7 =	smul.u32 $0xC800, s11;
	[dreg:$0x5] =	wrdreg s3  }
0xe: {  	s14 =	sadd.s32 s14, s13;
	s15 =	sshrl.u32 s13, $0x3;
	s24 =	simm.s32 $0x28  }
0xf: {  	s30 =	sshrl.u32 s14, $0x3;
	s15 =	sadd.s32 s0, s15;
	s16 =	smax.u32 s16, $0x1  }
0x10: {  	s19 =	sshrl.u32 @!p0 s19, $0x3;
	s25 =	sshrl.u32 s7, $0x3;
	s0 =	sadd.s32 s0, s30  }
0x11: {  	s15 =	sadd.s32 $0x24900, s15;
	s26 =	sadd.s32 s5, s25;
	[dreg:$0xa] =	wrdreg s0  }
0x12: {  	s28 =	sadd.s32 s6, s25;
	s3 =	sadd.s32 $0x100, s25;
	[dreg:$0x6] =	wrdreg s26  }
0x13: {  	s0 =	sshll.u32 @!p0 s18, $0x6;
	[dreg:$0x7] =	wrdreg s28;
	s29 =	sadd.s32 s5, s3  }
0x14: {  	s3 =	sadd.s32 s6, s3;
	s18 =	sor.u32 @!p0 $0x1C04, s0;
	[dreg:$0x8] =	wrdreg s29  }
0x15: {  	s0 =	simm.s32 $0x3;
	[dreg:$0x9] =	wrdreg s3;
	s3 =	simm.s32 $0x0  }
.LBB2_1:
0x16: {  	s21 =	simm.s32 @p0 $0x1FC4;
	s8 =	rddreg [dreg:$0x5]  }
0x17: {  	[spmem:s17], [sflag:s21] =	dma.local @p0 [hbm:s8], $0x2800  }
0x18: {  	s21 =	simm.s32 @p0 $0x4  }
0x19: {  	_ =	swait.ge @p0 [sflag:s21], $0x2800  }
0x1a: {  	[sflag:s21] =	ssyncset.done @p0 $0x0  }
0x1b: {  	s8 =	rddreg [dreg:$0x4];
	[sflag:s21] =	ssyncadd.s32 @p0 $0xFFFFD800;
	s21 =	simm.s32 @!p0 $0x4  }
0x1c: {  	[spmem:s19], [sflag:s18] =	dma.local @!p0 [hbm:s8], $0x2700  }
0x1d: {  	_ =	swait.ge @!p0 [sflag:s21], $0x2700  }
0x1e: {  	[sflag:s21] =	ssyncset.done @!p0 $0x0  }
0x1f: {  	[sflag:s21] =	ssyncadd.s32 @!p0 $0xFFFFD900;
	s21 =	rddreg [dreg:$0x6]  }
0x20: {  	[tilespmem:s2], [sflag:$0x4] =	stream.linear.gather [hbm4b:s21+s2], $0x500, $0x38;
	[tilespmem:$0x1E080] =	vst v63  }
0x21: {  	_ =	swait.ge [sflag:s20], $0x500  }
0x22: {  	[sflag:s20] =	ssyncset.done $0x0  }
0x23: {  	s9 =	simm.s32 $0x1800;
	s22 =	rddreg [dreg:$0x7];
	[sflag:s20] =	ssyncadd.s32 $0xFFFFFB00  }
0x24: {  	[tilespmem:s9], [sflag:$0x4] =	stream.linear.gather [hbm4b:s22+s2], $0x500, $0x38;
	[tilespmem:$0x1E080] =	vst v63  }
0x25: {  	s25 =	simm.s32 $0x800;
	s13 =	sand.u32 $0xFF, s2;
	_ =	swait.ge [sflag:s20], $0x500  }
0x26: {  	s29 =	simm.s32 $0x2000;
	s22 =	smul.u32 $0xAB, s13;
	[sflag:s20] =	ssyncset.done $0x0  }
0x27: {  	s30 =	simm.s32 $0x3000;
	s21 =	smul.u32 $0xCD, s13;
	[sflag:s20] =	ssyncadd.s32 $0xFFFFFB00  }
0x28: {  	s10 =	simm.s32 $0x4400;
	s22 =	sshrl.u32 s22, $0xA;
	[bflag:$0x0] =	sbarrier.arrive $0xFFFF  }
0x29: {  	s21 =	sshrl.u32 s21, $0xB;
	s22 =	smul.u32 $0x6, s22;
	s23 =	rddreg [dreg:$0x8]  }
0x2a: {  	[tilespmem:s25], [sflag:$0x2] =	stream.linear.gather [hbm4b:s23+s2], $0x500, $0x38;
	[tilespmem:$0x1E080] =	vst v63  }
0x2b: {  	s26 =	rddreg [dreg:$0x9];
	s23 =	simm.s32 $0x3;
	s25 =	smul.u32 $0x56, s21  }
0x2c: {  	[tilespmem:s29], [sflag:$0x2] =	stream.linear.gather [hbm4b:s26+s2], $0x500, $0x38;
	[tilespmem:$0x1E080] =	vst v63  }
0x2d: {  	s22 =	ssub.s32 $0x0, s22;
	s23 =	sand.u32 $0xFF, s23;
	s26 =	smul.u32 $0xA, s21  }
0x2e: {  	s11 =	simm.s32 $0x100;
	s22 =	sand.u32 $0xFF, s22;
	s28 =	smul.u32 $0xCD, s23  }
0x2f: {  	s12 =	simm.s32 $0x5800;
	p1 =	por $0x0, $0x0;
	s29 =	smul.u32 $0x5000, s22  }
0x30: {  	p4 =	por @!p1 $0x0, $0x0;
	s25 =	sshrl.u32 s25, $0x8;
	s23 =	smul.u32 $0xAB, s23  }
0x31: {  	p3 =	por @!p1 $0x1, $0x1;
	p2 =	por p4, p1;
	s25 =	smul.u32 $0x3, s25  }
0x32: {  	[tilespmem:s30], [sflag:$0x1] =	stream.indirect.gather [hbm4b:s4+s24], $0x80, s2, s24, $0xb8;
	[tilespmem:$0x1E080] =	vst v63  }
0x33: {  	s9 =	simm.s32 $0x80;
	s26 =	ssub.s32 $0x0, s26;
	s22 =	sshrl.u32 s28, $0xB  }
0x34: {  	s14 =	sshrl.u32 s29, $0x2;
	s23 =	sshrl.u32 s23, $0xA;
	s21 =	ssub.s32 s21, s25  }
0x35: {  	[tilespmem:s10], [sflag:$0x1] =	stream.indirect.gather [hbm4b:s4+s24], $0x80, s9, s24, $0xb8;
	[tilespmem:$0x1E080] =	vst v63  }
0x36: {  	s26 =	sand.u32 $0xFF, s26;
	s28 =	smul.u32 @!p1 $0x56, s22;
	s21 =	sand.u32 $0xFF, s21  }
0x37: {  	[tilespmem:s12], [sflag:$0x1] =	stream.indirect.gather [hbm4b:s4+s24], $0x80, s11, s24, $0xb8;
	[tilespmem:$0x1E080] =	vst v63  }
0x38: {  	s26 =	sshll.u32 s26, $0x7;
	s21 =	sshll.u32 s21, $0xB;
	_ =	swait.ge [sflag:s31], $0x1400  }
0x39: {  	s25 =	sadd.s32 $0x3000, s14;
	s21 =	sor.u32 s26, s21;
	[sflag:s31] =	ssyncset.done $0x0  }
0x3a: {  	s29 =	smul.u32 $0xA, s22;
	s21 =	sadd.s32 $0x1800, s21;
	[sflag:s31] =	ssyncadd.s32 $0xFFFFEC00  }
0x3b: {  	[spmem:s1] =	stream.indirect.scatter.add.f32 [tilespmem:s25], [sflag:$0x3], $0x80, s21, s24, $0xb8;
	[tilespmem:$0x1E080] =	vst v63  }
0x3c: {  	s23 =	smul.u32 $0x6, s23;
	s26 =	sshrl.u32 @!p1 s28, $0x8;
	s25 =	ssub.s32 $0x3, s29  }
0x3d: {  	p5 =	por p3, p1;
	s28 =	smul.u32 @!p1 $0x3, s26;
	s26 =	sand.u32 @!p2 $0xFF, s25  }
0x3e: {  	s30 =	ssub.s32 $0x3, s23;
	p2 =	sne.s32 @!p2 s26, $0x0;
	s26 =	sand.u32 @!p1 $0xFF, s25  }
0x3f: {  	s21 =	simm.s32 $0x1;
	s25 =	sand.u32 $0xFF, s25;
	p6 =	sne.s32 @!p1 s26, $0x0  }
0x40: {  	s26 =	simm.s32 @!p5 $0x3;
	s23 =	sshll.u32 @!p1 s25, $0x7;
	s25 =	ssub.s32 @!p1 s22, s28  }
0x41: {  	s28 =	sand.u32 $0xFF, s30;
	_ =	swait.ge @!p5 [sflag:s26], $0x1400;
	s25 =	sand.u32 @!p1 $0xFF, s25  }
.LBB2_2:
0x42: {  	s28 =	smul.u32 @!p1 $0x5000, s28;
	s29 =	simm.s32 @!p1 $0x28;
	p2 =	por @!p1 p2, p4  }
0x43: {  	p3 =	por p6, p1;
	[sflag:s26] =	ssyncset.done @!p5 $0x0;
	p2 =	por p2, p1  }
0x44: {  	[sflag:s26] =	ssyncadd.s32 @!p5 $0xFFFFEC00;
	s26 =	simm.s32 @!p3 $0x2;
	s22 =	sadd.s32 @!p2 $0x1, s22  }
0x45: {  	_ =	swait.ge @!p3 [sflag:s26], $0x500;
	s30 =	sshll.u32 @!p2 s22, $0xB;
	s8 =	smul.u32 @!p2 $0x56, s22  }
0x46: {  	s28 =	sshrl.u32 @!p1 s28, $0x2;
	[sflag:s26] =	ssyncset.done @!p3 $0x0;
	s30 =	sadd.s32 @!p2 s7, s30  }
0x47: {  	[sflag:s26] =	ssyncadd.s32 @!p3 $0xFFFFFB00;
	s8 =	sshrl.u32 @!p2 s8, $0x8;
	s30 =	sshrl.u32 @!p2 s30, $0x3  }
0x48: {  	s28 =	sadd.s32 @!p1 $0x3000, s28;
	_ =	swait.ge @!p3 [sflag:s26], $0x500;
	s8 =	smul.u32 @!p2 $0x3, s8  }
0x49: {  	s9 =	sshll.u32 @!p1 s25, $0xB;
	s25 =	simm.s32 @!p2 $0x0;
	[sflag:s26] =	ssyncset.done @!p3 $0x0  }
0x4a: {  	s10 =	sand.u32 $0xFF, s21;
	s9 =	sadd.s32 @!p1 s23, s9;
	[sflag:s26] =	ssyncadd.s32 @!p3 $0xFFFFFB00  }
0x4b: {  	[tilespmem:s28], [sflag:$0x1] =	stream.indirect.gather @!p1 [hbm4b:s4+s29], $0x80, s9, s29, $0xb8;
	[tilespmem:$0x1E080] =	vst v63  }
0x4c: {  	s8 =	ssub.s32 @!p2 s22, s8;
	s26 =	sadd.s32 @!p2 s5, s30;
	s9 =	smul.u32 $0xAB, s10  }
0x4d: {  	s23 =	sadd.s32 @!p2 s6, s30;
	s28 =	smov.u32 s21;
	s21 =	sadd.s32 $0x1, s21  }
0x4e: {  	s10 =	smul.u32 $0xCD, s10;
	p3 =	sne.s32 s21, $0xFA;
	s9 =	sshrl.u32 s9, $0xA  }
0x4f: {  	s8 =	sand.u32 @!p2 $0xFF, s8  }
0x50: {  	s29 =	sadd.s32 $0x3, s28;
	s10 =	sshrl.u32 s10, $0xB;
	s9 =	smul.u32 $0x6, s9  }
0x51: {  	s8 =	sshll.u32 @!p2 s8, $0xB;
	p1 =	sgt.u32 s28, $0xF6;
	s22 =	smul.u32 $0xA, s10  }
0x52: {  	s11 =	sand.u32 $0xFF, s29;
	s30 =	smul.u32 $0x56, s10;
	s9 =	ssub.s32 s28, s9  }
0x53: {  	s13 =	sadd.s32 @!p2 $0x1800, s8;
	s12 =	smul.u32 $0xCD, s11;
	s9 =	sand.u32 $0xFF, s9  }
0x54: {  	p4 =	sgt.u32 @!p1 s28, $0xEC;
	s30 =	sshrl.u32 s30, $0x8;
	s9 =	smul.u32 $0x5000, s9  }
0x55: {  	s11 =	smul.u32 $0xAB, s11;
	s14 =	ssub.s32 s28, s22;
	s22 =	sshrl.u32 s12, $0xB  }
0x56: {  	p5 =	slt.u32 @!p1 s28, $0x3;
	p6 =	por p4, p1;
	s12 =	smul.u32 $0x3, s30  }
0x57: {  	s11 =	sshrl.u32 s11, $0xA;
	s14 =	sand.u32 $0xFF, s14;
	s9 =	sshrl.u32 s9, $0x2  }
0x58: {  	p5 =	por p5, p1;
	s10 =	ssub.s32 s10, s12;
	s12 =	smul.u32 @!p1 $0x56, s22  }
0x59: {  	[tilespmem:s8], [sflag:$0x2] =	stream.linear.gather @!p2 [hbm4b:s26+s25], $0x500, $0x38;
	[tilespmem:$0x1E080] =	vst v63  }
0x5a: {  	s8 =	sadd.s32 $0x3000, s9;
	s9 =	sand.u32 $0xFF, s10;
	s10 =	smul.u32 $0xA, s22  }
0x5b: {  	s14 =	sshll.u32 s14, $0x7;
	s12 =	sshrl.u32 @!p1 s12, $0x8;
	s9 =	sshll.u32 s9, $0xB  }
0x5c: {  	s12 =	smul.u32 @!p1 $0x3, s12;
	s9 =	sor.u32 s14, s9;
	s10 =	ssub.s32 s29, s10  }
0x5d: {  	s11 =	smul.u32 $0x6, s11;
	s14 =	sand.u32 @!p1 $0xFF, s10;
	s30 =	sand.u32 @!p6 $0xFF, s10  }
0x5e: {  	[tilespmem:s13], [sflag:$0x2] =	stream.linear.gather @!p2 [hbm4b:s23+s25], $0x500, $0x38;
	[tilespmem:$0x1E080] =	vst v63  }
0x5f: {  	s26 =	simm.s32 @!p5 $0x3;
	s9 =	sadd.s32 $0x1800, s9;
	_ =	swait.ge [sflag:s31], $0x1400  }
.Ltmp0:
0x60: {  	s10 =	sand.u32 $0xFF, s10;
	[sflag:s31] =	ssyncset.done $0x0;
	(pc) =	sbr.rel @p3 .LBB2_2-.Ltmp0, $4  }
0x61: {  	s11 =	ssub.s32 s29, s11;
	s23 =	sshll.u32 @!p1 s10, $0x7;
	[sflag:s31] =	ssyncadd.s32 $0xFFFFEC00  }
0x62: {  	s28 =	sand.u32 $0xFF, s11;
	s10 =	ssub.s32 @!p1 s22, s12;
	p2 =	sne.s32 @!p6 s30, $0x0  }
0x63: {  	[spmem:s1] =	stream.indirect.scatter.add.f32 [tilespmem:s8], [sflag:$0x3], $0x80, s9, s24, $0xb8;
	[tilespmem:$0x1E080] =	vst v63  }
0x64: {  	p6 =	sne.s32 @!p1 s14, $0x0;
	s25 =	sand.u32 @!p1 $0xFF, s10;
	_ =	swait.ge @!p5 [sflag:s26], $0x1400  }
0x65: {  	[sflag:s26] =	ssyncset.done @!p5 $0x0;
	p3 =	por p6, p1  }
0x66: {  	p2 =	por @!p1 p2, p4;
	[sflag:s26] =	ssyncadd.s32 @!p5 $0xFFFFEC00;
	s8 =	simm.s32 @!p3 $0x2  }
0x67: {  	s9 =	smul.u32 @!p1 $0x5000, s28;
	p2 =	por p2, p1;
	_ =	swait.ge @!p3 [sflag:s8], $0x500  }
0x68: {  	s12 =	simm.s32 @!p1 $0x28;
	s10 =	sadd.s32 @!p2 $0x1, s22;
	[sflag:s8] =	ssyncset.done @!p3 $0x0  }
0x69: {  	s14 =	sshll.u32 @!p1 s25, $0xB;
	s11 =	smul.u32 @!p2 $0x56, s10;
	[sflag:s8] =	ssyncadd.s32 @!p3 $0xFFFFFB00  }
0x6a: {  	s9 =	sshrl.u32 @!p1 s9, $0x2;
	s13 =	sshll.u32 @!p2 s10, $0xB;
	_ =	swait.ge @!p3 [sflag:s8], $0x500  }
0x6b: {  	s9 =	sadd.s32 @!p1 $0x3000, s9;
	s11 =	sshrl.u32 @!p2 s11, $0x8;
	[sflag:s8] =	ssyncset.done @!p3 $0x0  }
0x6c: {  	s11 =	smul.u32 @!p2 $0x3, s11;
	[sflag:s8] =	ssyncadd.s32 @!p3 $0xFFFFFB00;
	s8 =	sadd.s32 @!p1 s23, s14  }
0x6d: {  	[tilespmem:s9], [sflag:$0x1] =	stream.indirect.gather @!p1 [hbm4b:s4+s12], $0x80, s8, s12, $0xb8;
	[tilespmem:$0x1E080] =	vst v63  }
0x6e: {  	s8 =	sadd.s32 @!p2 s7, s13;
	s9 =	ssub.s32 @!p2 s10, s11  }
0x6f: {  	s8 =	sshrl.u32 @!p2 s8, $0x3;
	s9 =	sand.u32 @!p2 $0xFF, s9  }
0x70: {  	s10 =	simm.s32 @!p2 $0x0;
	s11 =	sadd.s32 @!p2 s5, s8;
	s9 =	sshll.u32 @!p2 s9, $0xB  }
0x71: {  	[tilespmem:s9], [sflag:$0x2] =	stream.linear.gather @!p2 [hbm4b:s11+s10], $0x500, $0x38;
	[tilespmem:$0x1E080] =	vst v63  }
0x72: {  	s8 =	sadd.s32 @!p2 s6, s8;
	s9 =	sadd.s32 @!p2 $0x1800, s9  }
0x73: {  	[tilespmem:s9], [sflag:$0x2] =	stream.linear.gather @!p2 [hbm4b:s8+s10], $0x500, $0x38;
	[tilespmem:$0x1E080] =	vst v63  }
0x74: {  	_ =	swait.ge [sflag:s0], $0x1400  }
0x75: {  	[sflag:s0] =	ssyncset.done $0x0  }
0x76: {  	[sflag:s0] =	ssyncadd.s32 $0xFFFFEC00  }
0x77: {  	_ =	swait.ge [sflag:s0], $0x1400  }
0x78: {  	[sflag:s0] =	ssyncset.done $0x0  }
0x79: {  	[sflag:s0] =	ssyncadd.s32 $0xFFFFEC00  }
0x7a: {  	_ =	swait.ge [sflag:s0], $0x1400  }
0x7b: {  	[sflag:s0] =	ssyncset.done $0x0  }
0x7c: {  	[sflag:s0] =	ssyncadd.s32 $0xFFFFEC00  }
0x7d: {  	_ =	swait.ge [sflag:s0], $0x1400  }
0x7e: {  	[sflag:s0] =	ssyncset.done $0x0  }
0x7f: {  	[sflag:s0] =	ssyncadd.s32 $0xFFFFEC00  }
0x80: {  	_ =	swait.ge [sflag:s0], $0x1400  }
0x81: {  	[sflag:s0] =	ssyncset.done $0x0  }
0x82: {  	[sflag:s0] =	ssyncadd.s32 $0xFFFFEC00  }
0x83: {  	_ =	swait.ge [sflag:s0], $0x1400  }
0x84: {  	[sflag:s0] =	ssyncset.done $0x0  }
0x85: {  	[sflag:s0] =	ssyncadd.s32 $0xFFFFEC00  }
0x86: {  	s8 =	simm.s32 @p0 $0x1FC4;
	[bflag:$0x0] =	sbarrier.arrive $0xFFFF  }
0x87: {  	[hbm:s15], [sflag:s8] =	dma.local @p0 [spmem:s17], $0x2800  }
0x88: {  	s8 =	simm.s32 @p0 $0x4  }
0x89: {  	_ =	swait.ge @p0 [sflag:s8], $0x2800  }
0x8a: {  	s3 =	sadd.s32 $0x1, s3;
	[sflag:s8] =	ssyncset.done @p0 $0x0  }
0x8b: {  	p1 =	sne.s32 s3, s16;
	[sflag:s8] =	ssyncadd.s32 @p0 $0xFFFFD800;
	s8 =	rddreg [dreg:$0xa]  }
0x8c: {  	[hbm:s8], [sflag:s18] =	dma.local @!p0 [spmem:s19], $0x2700  }
.Ltmp1:
0x8d: {  	_ = 	snop;
	(pc) =	sbr.rel @p1 .LBB2_1-.Ltmp1, $4  }
0x8e: {  	s8 =	simm.s32 @!p0 $0x4  }
0x8f: {  	_ =	swait.ge @!p0 [sflag:s8], $0x2700  }
0x90: {  	[sflag:s8] =	ssyncset.done @!p0 $0x0  }
0x91: {  	[sflag:s8] =	ssyncadd.s32 @!p0 $0xFFFFD900  }
0x92: {  	_ =	sfence.sel $0x180000  }
0x93: {  	[bflag:$0x0] =	sbarrier.arrive $0xFFFF  }
0x94: {  	_ =	strace $0x9000004D  }
0x95: {  	s0 =	stileid.u32;
	[bflag:$0x2] =	sbarrier.arrive $0xFFFF  }
0x96: {  	p0 =	sne.s32 s0, $0x0;
	s0 =	rddreg [dreg:$0x3]  }
0x97: {  	s0 =	sadd.s32 @!p0 $0x100000, s0  }
0x98: {  	[sflag:s0] =	ssyncadd.tile.s32 @!p0 $0x1;
	_ =	shalt  }
.Lfunc_end2:
_tile_overlayer_lowered:
.L_overlay_start_2:
0x99: {  	(tag) =	ssettag $0x2  }
0x9a: {  	s0 =	rddreg [dreg:$0x0];
	s2 =	stileid.u32  }
0x9b: {  	s1 =	rddreg [dreg:$0x1];
	p0 =	sne.s32 s2, $0x0  }
0x9c: {  	s3 =	rddreg [dreg:$0x2];
	[bflag:$0x3] =	sbarrier.arrive $0xFFFF;
	s2 =	simm.s32 @!p0 $0x1C04  }
0x9d: {  	[timem:s3], [sflag:s2] =	dma.local @!p0 [hbm:s0], s1  }
0x9e: {  	s0 =	simm.s32 @!p0 $0x4  }
0x9f: {  	_ =	swait.ge @!p0 [sflag:s0], s1  }
0xa0: {  	s1 =	ssub.s32 @!p0 $0x0, s1;
	[sflag:s0] =	ssyncset.done @!p0 $0x0  }
0xa1: {  	[sflag:s0] =	ssyncadd.s32 @!p0 s1  }
0xa2: {  	[bflag:$0x3] =	sbarrier.arrive $0xFFFF  }
0xa3: {  	_ =	shalt  }

</sc_bundles>
